<compile_context>
chip_gen: v7x
topology: tpu7x:2x2x1
jax: 0.10.2.dev20260603
libtpu: 0.0.44.dev20260713+nightly
codegen_flags: <defaults>
</compile_context>

<pallas_src>
import jax
import jax.numpy as jnp
from jax import lax
from jax.experimental import pallas as pl
from jax.experimental.pallas import tpu as pltpu
from jax.experimental.pallas import tpu_sc as plsc

NUM_ROWS = 1000000
DIM = 32
BATCH = 16384
SEQ = 50
NUM_TOKENS = BATCH * SEQ
NUM_CORES = 2
NUM_SUBCORES = 16
NUM_WORKERS = NUM_CORES * NUM_SUBCORES

N_FULL_BLK = NUM_ROWS // 128
REM_COLS = NUM_ROWS - N_FULL_BLK * 128
BLK_F32 = 128 * DIM

XJB = 7
XCH = 2048
XUNITS = XJB * (BATCH // XCH)


NKMAX = 246


def _fmt_body(
    w_t, x_t, w_tail, w_flat, idx_flat,
    win0, win1, wout0, wout1, xin_v, sem, osem, xsem,
):
    wid = lax.axis_index("s") * NUM_CORES + lax.axis_index("c")
    wins = (win0, win1)
    wouts = (wout0, wout1)

    iota16 = lax.iota(jnp.int32, 16)

    def start_in(c, b):
        pltpu.make_async_copy(
            w_t.at[:, pl.ds(c * 128, 128)], wins[b], sem
        ).start()

    def wait_in():
        pltpu.make_async_copy(w_t.at[:, pl.ds(0, 128)], win0, sem).wait()

    def start_out(c, b):
        pltpu.make_async_copy(
            wouts[b], w_flat.at[pl.ds(c * BLK_F32, BLK_F32)], osem
        ).start()

    def wait_out():
        pltpu.make_async_copy(wout0, w_flat.at[pl.ds(0, BLK_F32)], osem).wait()

    rot = [(iota16 + s) % 16 for s in range(16)]
    rot32 = [r * DIM + iota16 for r in rot]

    def shuffle(b, ngroups):
        @pl.loop(0, ngroups)
        def _g(g):
            il0 = g * 16
            for f0 in (0, 16):
                rowv = iota16 + f0
                for s in range(16):
                    vals = plsc.load_gather(wins[b], [rowv, il0 + rot[s]])
                    plsc.store_scatter(
                        wouts[b], [rot32[s] + (il0 * DIM + f0)], vals
                    )

    nk = (N_FULL_BLK - wid + NUM_WORKERS - 1) // NUM_WORKERS

    @pl.when(nk > 0)
    def _():
        start_in(wid, 0)

    @pl.when(nk > 1)
    def _():
        start_in(NUM_WORKERS + wid, 1)

    @pl.loop(0, NKMAX, step=2)
    def _ko(ko):
        for b in range(2):
            k = ko + b

            @pl.when(k < nk)
            def _():
                wait_in()

                @pl.when(k >= 2)
                def _():
                    wait_out()

                shuffle(b, 8)
                start_out(k * NUM_WORKERS + wid, b)

                @pl.when(k + 2 < nk)
                def _():
                    start_in((k + 2) * NUM_WORKERS + wid, b)

    @pl.when(nk >= 2)
    def _():
        wait_out()

    @pl.when(nk >= 1)
    def _():
        wait_out()

    @pl.when(wid == 4)
    def _():
        pltpu.sync_copy(w_tail, wout0.at[pl.ds(0, REM_COLS * DIM)])
        pltpu.sync_copy(
            wout0.at[pl.ds(0, REM_COLS * DIM)],
            w_flat.at[pl.ds(N_FULL_BLK * BLK_F32, REM_COLS * DIM)],
        )

    @pl.loop(0, XUNITS)
    def _u(u):
        @pl.when(u % NUM_WORKERS == wid)
        def _():
            jb = u // (BATCH // XCH)
            ic = u % (BATCH // XCH)
            nrow = jnp.where(jb == XJB - 1, SEQ - 8 * (XJB - 1), 8)
            pltpu.sync_copy(
                x_t.at[pl.ds(jb * 8, 8), pl.ds(ic * XCH, XCH)], xin_v
            )

            @pl.loop(0, nrow)
            def _r(r):
                pltpu.make_async_copy(
                    xin_v.at[r],
                    idx_flat.at[pl.ds((jb * 8 + r) * BATCH + ic * XCH, XCH)],
                    xsem,
                ).start()
                pltpu.make_async_copy(
                    xin_v.at[r],
                    idx_flat.at[pl.ds(0, XCH)],
                    xsem,
                ).wait()


B_PER_W = NUM_TOKENS // NUM_WORKERS
NBUF = 4
CHUNK = 640
N_CHUNKS = B_PER_W // CHUNK


def _gather_body(idx_hbm, table_hbm, out_hbm, idx_v, rows_v, gsem, wsem):
    wid = lax.axis_index("s") * NUM_CORES + lax.axis_index("c")
    base = wid * B_PER_W
    pltpu.sync_copy(idx_hbm.at[pl.ds(base, B_PER_W)], idx_v)

    def start_gather(g, b):
        pltpu.make_async_copy(
            table_hbm.at[idx_v.at[pl.ds(g * CHUNK, CHUNK)]],
            rows_v.at[b],
            gsem,
        ).start()

    def wait_gather(b):
        pltpu.make_async_copy(
            table_hbm.at[idx_v.at[pl.ds(0, CHUNK)]], rows_v.at[b], gsem
        ).wait()

    def start_wb(g, b):
        pltpu.make_async_copy(
            rows_v.at[b], out_hbm.at[pl.ds(base + g * CHUNK, CHUNK)], wsem
        ).start()

    def wait_wb(b):
        pltpu.make_async_copy(
            rows_v.at[b], out_hbm.at[pl.ds(base, CHUNK)], wsem
        ).wait()

    for b in range(NBUF):
        start_gather(b, b)

    @pl.loop(0, N_CHUNKS, step=NBUF)
    def _round(go):
        for b in range(NBUF):
            g = go + b
            wait_gather(b)
            start_wb(g, b)

            @pl.when(g + NBUF < N_CHUNKS)
            def _():
                wait_wb(b)
                start_gather(g + NBUF, b)

    for b in range(NBUF):
        wait_wb(b)


@jax.jit
def _embed(x, weight):
    mesh = plsc.VectorSubcoreMesh(core_axis_name="c", subcore_axis_name="s")
    w_flat, idx_flat = pl.kernel(
        _fmt_body,
        out_type=(
            jax.ShapeDtypeStruct((NUM_ROWS * DIM,), jnp.float32),
            jax.ShapeDtypeStruct((NUM_TOKENS,), jnp.int32),
        ),
        mesh=mesh,
        scratch_types=[
            pltpu.VMEM((DIM, 128), jnp.float32),
            pltpu.VMEM((DIM, 128), jnp.float32),
            pltpu.VMEM((BLK_F32,), jnp.float32),
            pltpu.VMEM((BLK_F32,), jnp.float32),
            pltpu.VMEM((8, XCH), jnp.int32),
            pltpu.SemaphoreType.DMA,
            pltpu.SemaphoreType.DMA,
            pltpu.SemaphoreType.DMA,
        ],
        compiler_params=pltpu.CompilerParams(needs_layout_passes=False),
    )(weight.T, x.T, weight[N_FULL_BLK * 128 :].reshape(-1))

    table = w_flat.reshape(NUM_ROWS, DIM)
    out2 = pl.kernel(
        _gather_body,
        out_type=jax.ShapeDtypeStruct((NUM_TOKENS, DIM), jnp.float32),
        mesh=mesh,
        scratch_types=[
            pltpu.VMEM((B_PER_W,), jnp.int32),
            pltpu.VMEM((NBUF, CHUNK, DIM), jnp.float32),
            pltpu.SemaphoreType.DMA,
            pltpu.SemaphoreType.DMA,
        ],
        compiler_params=pltpu.CompilerParams(use_tc_tiling_on_sc=False),
    )(idx_flat, table)

    return out2.reshape(SEQ, BATCH, DIM).transpose(1, 0, 2)


def kernel(x, weight):
    return _embed(x, weight)

# --- scband reference (transcript-rebuilt; emitter-appended) ---
"""Pipeline reference for scband-embedding-57990648431444 (READ-ONLY COPY).

The authoritative reference and input builder live on the scoring server;
editing this copy changes nothing except your own understanding.
"""

import jax, jax.numpy as jnp
import numpy as np

NUM_EMBEDDINGS = 1000000
EMBEDDING_DIM = 32

def setup_inputs(seed: int = 0) -> dict:
    key = jax.random.key(seed)
    k1, k2 = jax.random.split(key)
    x = jax.random.randint(k1, (16384, 50), 0, NUM_EMBEDDINGS, dtype=jnp.int64 if jax.config.jax_enable_x64 else jnp.int32)
    # truncated normal init in [-3, 3], mean 0, std 1
    weight = jax.random.truncated_normal(k2, -3.0, 3.0, (NUM_EMBEDDINGS, EMBEDDING_DIM), dtype=jnp.float32)
    return {"x": x, "weight": weight}

def reference(x, weight):
    shape_token_id = x.shape
    flatten_token_ids = x.reshape(-1)
    flatten_embeds = jnp.take(weight, flatten_token_ids, axis=0)
    embeds_shape = shape_token_id + (weight.shape[1],)
    embeds = flatten_embeds.reshape(embeds_shape)
    return embeds

if __name__ == "__main__":
    import jax
    _d = setup_inputs()
    print(jax.jit(kernel)(*tuple(_d.values())))

</pallas_src>

<mosaic_0001>
#map = affine_map<(d0, d1) -> (0)>
#map1 = affine_map<(d0, d1) -> (0, 0)>
module attributes {stable_mosaic.version = 14 : i64} {
  func.func @_gather_body(%arg0: i32, %arg1: i32, %arg2: memref<819200xi32, #tpu.memory_space<hbm>>, %arg3: memref<1000000x32xf32, #tpu.memory_space<hbm>>, %arg4: memref<819200x32xf32, #tpu.memory_space<hbm>>, %arg5: memref<25600xi32, #tpu.memory_space<vmem>>, %arg6: memref<4x640x32xf32, #tpu.memory_space<vmem>>, %arg7: memref<!tpu.dma_semaphore, #tpu.memory_space<semaphore_mem>>, %arg8: memref<!tpu.dma_semaphore, #tpu.memory_space<semaphore_mem>>) attributes {dimension_semantics = [#tpu.dimension_semantics<core_parallel>, #tpu.dimension_semantics<subcore_parallel>], iteration_bounds = array<i64: 2, 16>, scalar_prefetch = 0 : i64, scratch_operands = 4 : i64, tpu.core_type = #tpu.core_type<sc_vector_subcore>, window_params = [{transform_indices = #map}, {transform_indices = #map1}, {transform_indices = #map1}]} {
    %mul3A = arith.constant 2 : i32
    %mul3A_0 = arith.muli %arg1, %mul3A : i32
    %add3A = arith.addi %mul3A_0, %arg0 : i32
    %mul3A_1 = arith.constant 25600 : i32
    %mul3A_2 = arith.muli %add3A, %mul3A_1 : i32
    "tpu.region"() ({
      %run_scoped3A = tpu.sem_alloc : memref<!tpu.dma_semaphore, #tpu.memory_space<semaphore_mem>>
      %dma_start3A_97 = tpu.memref_slice %arg2[%mul3A_2] : memref<819200xi32, #tpu.memory_space<hbm>> -> memref<25600xi32, #tpu.memory_space<hbm>>
      %dma_start3A_98 = tpu.memref_slice %arg2[%mul3A_2] : memref<819200xi32, #tpu.memory_space<hbm>> -> memref<25600xi32, #tpu.memory_space<hbm>>
      tpu.enqueue_dma source(%dma_start3A_98 : memref<25600xi32, #tpu.memory_space<hbm>>) target(%arg5 : memref<25600xi32, #tpu.memory_space<vmem>>) target_semaphore(%run_scoped3A : memref<!tpu.dma_semaphore, #tpu.memory_space<semaphore_mem>>)
      %dma_wait3A_99 = tpu.memref_slice %arg2[%mul3A_2] : memref<819200xi32, #tpu.memory_space<hbm>> -> memref<25600xi32, #tpu.memory_space<hbm>>
      %dma_wait3A_100 = tpu.memref_slice %arg2[%mul3A_2] : memref<819200xi32, #tpu.memory_space<hbm>> -> memref<25600xi32, #tpu.memory_space<hbm>>
      tpu.wait_dma2 semaphore(%run_scoped3A : memref<!tpu.dma_semaphore, #tpu.memory_space<semaphore_mem>>) src(%dma_wait3A_100 : memref<25600xi32, #tpu.memory_space<hbm>>) dst(%arg5 : memref<25600xi32, #tpu.memory_space<vmem>>)
      tpu.yield
    }) : () -> ()
    %dma_start3A = arith.constant 0 : i32
    %dma_start3A_3 = arith.constant 0 : i32
    %dma_start3A_4 = arith.constant 0 : i32
    %dma_start3A_5 = tpu.memref_slice %arg6[%dma_start3A, %dma_start3A_3, %dma_start3A_4] : memref<4x640x32xf32, #tpu.memory_space<vmem>> -> memref<1x640x32xf32, #tpu.memory_space<vmem>>
    %dma_start3A_6 = tpu.memref_squeeze %dma_start3A_5 : memref<1x640x32xf32, #tpu.memory_space<vmem>> -> memref<640x32xf32, #tpu.memory_space<vmem>>
    %dma_start3A_7 = arith.constant 0 : i32
    %dma_start3A_8 = tpu.memref_slice %arg5[%dma_start3A_7] : memref<25600xi32, #tpu.memory_space<vmem>> -> memref<640xi32, #tpu.memory_space<vmem>>
    %dma_start3A_9 = arith.constant 0 : i32
    %dma_start3A_10 = arith.constant 0 : i32
    %dma_start3A_11 = tpu.memref_slice %arg3[%dma_start3A_9, %dma_start3A_10] : memref<1000000x32xf32, #tpu.memory_space<hbm>> -> memref<1000000x32xf32, #tpu.memory_space<hbm>>
    tpu.enqueue_indirect_dma source(%dma_start3A_11 : memref<1000000x32xf32, #tpu.memory_space<hbm>>) target(%dma_start3A_6 : memref<640x32xf32, #tpu.memory_space<vmem>>) offsets(%dma_start3A_8 : memref<640xi32, #tpu.memory_space<vmem>>) semaphore(%arg7 : memref<!tpu.dma_semaphore, #tpu.memory_space<semaphore_mem>>)
    %dma_start3A_12 = arith.constant 1 : i32
    %dma_start3A_13 = arith.constant 0 : i32
    %dma_start3A_14 = arith.constant 0 : i32
    %dma_start3A_15 = tpu.memref_slice %arg6[%dma_start3A_12, %dma_start3A_13, %dma_start3A_14] : memref<4x640x32xf32, #tpu.memory_space<vmem>> -> memref<1x640x32xf32, #tpu.memory_space<vmem>>
    %dma_start3A_16 = tpu.memref_squeeze %dma_start3A_15 : memref<1x640x32xf32, #tpu.memory_space<vmem>> -> memref<640x32xf32, #tpu.memory_space<vmem>>
    %dma_start3A_17 = arith.constant 640 : i32
    %dma_start3A_18 = tpu.memref_slice %arg5[%dma_start3A_17] : memref<25600xi32, #tpu.memory_space<vmem>> -> memref<640xi32, #tpu.memory_space<vmem>>
    %dma_start3A_19 = arith.constant 0 : i32
    %dma_start3A_20 = arith.constant 0 : i32
    %dma_start3A_21 = tpu.memref_slice %arg3[%dma_start3A_19, %dma_start3A_20] : memref<1000000x32xf32, #tpu.memory_space<hbm>> -> memref<1000000x32xf32, #tpu.memory_space<hbm>>
    tpu.enqueue_indirect_dma source(%dma_start3A_21 : memref<1000000x32xf32, #tpu.memory_space<hbm>>) target(%dma_start3A_16 : memref<640x32xf32, #tpu.memory_space<vmem>>) offsets(%dma_start3A_18 : memref<640xi32, #tpu.memory_space<vmem>>) semaphore(%arg7 : memref<!tpu.dma_semaphore, #tpu.memory_space<semaphore_mem>>)
    %dma_start3A_22 = arith.constant 2 : i32
    %dma_start3A_23 = arith.constant 0 : i32
    %dma_start3A_24 = arith.constant 0 : i32
    %dma_start3A_25 = tpu.memref_slice %arg6[%dma_start3A_22, %dma_start3A_23, %dma_start3A_24] : memref<4x640x32xf32, #tpu.memory_space<vmem>> -> memref<1x640x32xf32, #tpu.memory_space<vmem>>
    %dma_start3A_26 = tpu.memref_squeeze %dma_start3A_25 : memref<1x640x32xf32, #tpu.memory_space<vmem>> -> memref<640x32xf32, #tpu.memory_space<vmem>>
    %dma_start3A_27 = arith.constant 1280 : i32
    %dma_start3A_28 = tpu.memref_slice %arg5[%dma_start3A_27] : memref<25600xi32, #tpu.memory_space<vmem>> -> memref<640xi32, #tpu.memory_space<vmem>>
    %dma_start3A_29 = arith.constant 0 : i32
    %dma_start3A_30 = arith.constant 0 : i32
    %dma_start3A_31 = tpu.memref_slice %arg3[%dma_start3A_29, %dma_start3A_30] : memref<1000000x32xf32, #tpu.memory_space<hbm>> -> memref<1000000x32xf32, #tpu.memory_space<hbm>>
    tpu.enqueue_indirect_dma source(%dma_start3A_31 : memref<1000000x32xf32, #tpu.memory_space<hbm>>) target(%dma_start3A_26 : memref<640x32xf32, #tpu.memory_space<vmem>>) offsets(%dma_start3A_28 : memref<640xi32, #tpu.memory_space<vmem>>) semaphore(%arg7 : memref<!tpu.dma_semaphore, #tpu.memory_space<semaphore_mem>>)
    %dma_start3A_32 = arith.constant 3 : i32
    %dma_start3A_33 = arith.constant 0 : i32
    %dma_start3A_34 = arith.constant 0 : i32
    %dma_start3A_35 = tpu.memref_slice %arg6[%dma_start3A_32, %dma_start3A_33, %dma_start3A_34] : memref<4x640x32xf32, #tpu.memory_space<vmem>> -> memref<1x640x32xf32, #tpu.memory_space<vmem>>
    %dma_start3A_36 = tpu.memref_squeeze %dma_start3A_35 : memref<1x640x32xf32, #tpu.memory_space<vmem>> -> memref<640x32xf32, #tpu.memory_space<vmem>>
    %dma_start3A_37 = arith.constant 1920 : i32
    %dma_start3A_38 = tpu.memref_slice %arg5[%dma_start3A_37] : memref<25600xi32, #tpu.memory_space<vmem>> -> memref<640xi32, #tpu.memory_space<vmem>>
    %dma_start3A_39 = arith.constant 0 : i32
    %dma_start3A_40 = arith.constant 0 : i32
    %dma_start3A_41 = tpu.memref_slice %arg3[%dma_start3A_39, %dma_start3A_40] : memref<1000000x32xf32, #tpu.memory_space<hbm>> -> memref<1000000x32xf32, #tpu.memory_space<hbm>>
    tpu.enqueue_indirect_dma source(%dma_start3A_41 : memref<1000000x32xf32, #tpu.memory_space<hbm>>) target(%dma_start3A_36 : memref<640x32xf32, #tpu.memory_space<vmem>>) offsets(%dma_start3A_38 : memref<640xi32, #tpu.memory_space<vmem>>) semaphore(%arg7 : memref<!tpu.dma_semaphore, #tpu.memory_space<semaphore_mem>>)
    %scan3A = arith.constant 0 : i32
    %scan3A_42 = arith.constant 10 : i32
    %scan3A_43 = arith.addi %scan3A, %scan3A_42 : i32
    %scan3A_44 = arith.constant 1 : i32
    scf.for %scan3A_97 = %scan3A to %scan3A_43 step %scan3A_44  : i32 {
      %mul3A_98 = arith.constant 4 : i32
      %mul3A_99 = arith.muli %scan3A_97, %mul3A_98 : i32
      %add3A_100 = arith.constant 0 : i32
      %add3A_101 = arith.addi %add3A_100, %mul3A_99 : i32
      %add3A_102 = arith.constant 0 : i32
      %add3A_103 = arith.addi %add3A_101, %add3A_102 : i32
      %dma_wait3A_104 = arith.constant 0 : i32
      %dma_wait3A_105 = arith.constant 0 : i32
      %dma_wait3A_106 = arith.constant 0 : i32
      %dma_wait3A_107 = tpu.memref_slice %arg6[%dma_wait3A_104, %dma_wait3A_105, %dma_wait3A_106] : memref<4x640x32xf32, #tpu.memory_space<vmem>> -> memref<1x640x32xf32, #tpu.memory_space<vmem>>
      %dma_wait3A_108 = tpu.memref_squeeze %dma_wait3A_107 : memref<1x640x32xf32, #tpu.memory_space<vmem>> -> memref<640x32xf32, #tpu.memory_space<vmem>>
      %dma_wait3A_109 = arith.constant 0 : i32
      %dma_wait3A_110 = tpu.memref_slice %arg5[%dma_wait3A_109] : memref<25600xi32, #tpu.memory_space<vmem>> -> memref<640xi32, #tpu.memory_space<vmem>>
      %dma_wait3A_111 = arith.constant 0 : i32
      %dma_wait3A_112 = arith.constant 0 : i32
      %dma_wait3A_113 = tpu.memref_slice %arg3[%dma_wait3A_111, %dma_wait3A_112] : memref<1000000x32xf32, #tpu.memory_space<hbm>> -> memref<1000000x32xf32, #tpu.memory_space<hbm>>
      tpu.wait_indirect_dma semaphore(%arg7 : memref<!tpu.dma_semaphore, #tpu.memory_space<semaphore_mem>>) src(%dma_wait3A_113 : memref<1000000x32xf32, #tpu.memory_space<hbm>>) dst(%dma_wait3A_108 : memref<640x32xf32, #tpu.memory_space<vmem>>)
      %mul3A_114 = arith.constant 640 : i32
      %mul3A_115 = arith.muli %add3A_103, %mul3A_114 : i32
      %add3A_116 = arith.addi %mul3A_2, %mul3A_115 : i32
      %dma_start3A_117 = arith.constant 0 : i32
      %dma_start3A_118 = arith.constant 0 : i32
      %dma_start3A_119 = arith.constant 0 : i32
      %dma_start3A_120 = tpu.memref_slice %arg6[%dma_start3A_117, %dma_start3A_118, %dma_start3A_119] : memref<4x640x32xf32, #tpu.memory_space<vmem>> -> memref<1x640x32xf32, #tpu.memory_space<vmem>>
      %dma_start3A_121 = tpu.memref_squeeze %dma_start3A_120 : memref<1x640x32xf32, #tpu.memory_space<vmem>> -> memref<640x32xf32, #tpu.memory_space<vmem>>
      %dma_start3A_122 = arith.constant 0 : i32
      %dma_start3A_123 = tpu.memref_slice %arg4[%add3A_116, %dma_start3A_122] : memref<819200x32xf32, #tpu.memory_space<hbm>> -> memref<640x32xf32, #tpu.memory_space<hbm>>
      %dma_start3A_124 = arith.constant 0 : i32
      %dma_start3A_125 = tpu.memref_slice %arg4[%add3A_116, %dma_start3A_124] : memref<819200x32xf32, #tpu.memory_space<hbm>> -> memref<640x32xf32, #tpu.memory_space<hbm>>
      %dma_start3A_126 = arith.constant 0 : i32
      %dma_start3A_127 = arith.constant 0 : i32
      %dma_start3A_128 = tpu.memref_slice %arg6[%dma_start3A_117, %dma_start3A_126, %dma_start3A_127] : memref<4x640x32xf32, #tpu.memory_space<vmem>> -> memref<1x640x32xf32, #tpu.memory_space<vmem>>
      %dma_start3A_129 = tpu.memref_squeeze %dma_start3A_128 : memref<1x640x32xf32, #tpu.memory_space<vmem>> -> memref<640x32xf32, #tpu.memory_space<vmem>>
      tpu.enqueue_dma source(%dma_start3A_129 : memref<640x32xf32, #tpu.memory_space<vmem>>) target(%dma_start3A_125 : memref<640x32xf32, #tpu.memory_space<hbm>>) target_semaphore(%arg8 : memref<!tpu.dma_semaphore, #tpu.memory_space<semaphore_mem>>)
      %add3A_130 = arith.constant 4 : i32
      %add3A_131 = arith.addi %add3A_103, %add3A_130 : i32
      %lt3A = arith.constant 40 : i32
      %lt3A_132 = arith.cmpi slt, %add3A_131, %lt3A : i32
      %convert_element_type3A = arith.extui %lt3A_132 : i1 to i32
      %cond3A = arith.constant 0 : i32
      %cond3A_133 = arith.cmpi ne, %convert_element_type3A, %cond3A : i32
      scf.if %cond3A_133 {
        %dma_wait3A_239 = arith.constant 0 : i32
        %dma_wait3A_240 = arith.constant 0 : i32
        %dma_wait3A_241 = arith.constant 0 : i32
        %dma_wait3A_242 = tpu.memref_slice %arg6[%dma_wait3A_239, %dma_wait3A_240, %dma_wait3A_241] : memref<4x640x32xf32, #tpu.memory_space<vmem>> -> memref<1x640x32xf32, #tpu.memory_space<vmem>>
        %dma_wait3A_243 = tpu.memref_squeeze %dma_wait3A_242 : memref<1x640x32xf32, #tpu.memory_space<vmem>> -> memref<640x32xf32, #tpu.memory_space<vmem>>
        %dma_wait3A_244 = arith.constant 0 : i32
        %dma_wait3A_245 = tpu.memref_slice %arg4[%mul3A_2, %dma_wait3A_244] : memref<819200x32xf32, #tpu.memory_space<hbm>> -> memref<640x32xf32, #tpu.memory_space<hbm>>
        %dma_wait3A_246 = arith.constant 0 : i32
        %dma_wait3A_247 = tpu.memref_slice %arg4[%mul3A_2, %dma_wait3A_246] : memref<819200x32xf32, #tpu.memory_space<hbm>> -> memref<640x32xf32, #tpu.memory_space<hbm>>
        %dma_wait3A_248 = arith.constant 0 : i32
        %dma_wait3A_249 = arith.constant 0 : i32
        %dma_wait3A_250 = tpu.memref_slice %arg6[%dma_wait3A_239, %dma_wait3A_248, %dma_wait3A_249] : memref<4x640x32xf32, #tpu.memory_space<vmem>> -> memref<1x640x32xf32, #tpu.memory_space<vmem>>
        %dma_wait3A_251 = tpu.memref_squeeze %dma_wait3A_250 : memref<1x640x32xf32, #tpu.memory_space<vmem>> -> memref<640x32xf32, #tpu.memory_space<vmem>>
        tpu.wait_dma2 semaphore(%arg8 : memref<!tpu.dma_semaphore, #tpu.memory_space<semaphore_mem>>) src(%dma_wait3A_251 : memref<640x32xf32, #tpu.memory_space<vmem>>) dst(%dma_wait3A_247 : memref<640x32xf32, #tpu.memory_space<hbm>>)
        %add3A_252 = arith.constant 4 : i32
        %add3A_253 = arith.addi %add3A_103, %add3A_252 : i32
        %mul3A_254 = arith.constant 640 : i32
        %mul3A_255 = arith.muli %add3A_253, %mul3A_254 : i32
        %dma_start3A_256 = arith.constant 0 : i32
        %dma_start3A_257 = arith.constant 0 : i32
        %dma_start3A_258 = arith.constant 0 : i32
        %dma_start3A_259 = tpu.memref_slice %arg6[%dma_start3A_256, %dma_start3A_257, %dma_start3A_258] : memref<4x640x32xf32, #tpu.memory_space<vmem>> -> memref<1x640x32xf32, #tpu.memory_space<vmem>>
        %dma_start3A_260 = tpu.memref_squeeze %dma_start3A_259 : memref<1x640x32xf32, #tpu.memory_space<vmem>> -> memref<640x32xf32, #tpu.memory_space<vmem>>
        %dma_start3A_261 = tpu.memref_slice %arg5[%mul3A_255] : memref<25600xi32, #tpu.memory_space<vmem>> -> memref<640xi32, #tpu.memory_space<vmem>>
        %dma_start3A_262 = arith.constant 0 : i32
        %dma_start3A_263 = arith.constant 0 : i32
        %dma_start3A_264 = tpu.memref_slice %arg3[%dma_start3A_262, %dma_start3A_263] : memref<1000000x32xf32, #tpu.memory_space<hbm>> -> memref<1000000x32xf32, #tpu.memory_space<hbm>>
        tpu.enqueue_indirect_dma source(%dma_start3A_264 : memref<1000000x32xf32, #tpu.memory_space<hbm>>) target(%dma_start3A_260 : memref<640x32xf32, #tpu.memory_space<vmem>>) offsets(%dma_start3A_261 : memref<640xi32, #tpu.memory_space<vmem>>) semaphore(%arg7 : memref<!tpu.dma_semaphore, #tpu.memory_space<semaphore_mem>>)
      } else {
      }
      %add3A_134 = arith.constant 1 : i32
      %add3A_135 = arith.addi %add3A_101, %add3A_134 : i32
      %dma_wait3A_136 = arith.constant 1 : i32
      %dma_wait3A_137 = arith.constant 0 : i32
      %dma_wait3A_138 = arith.constant 0 : i32
      %dma_wait3A_139 = tpu.memref_slice %arg6[%dma_wait3A_136, %dma_wait3A_137, %dma_wait3A_138] : memref<4x640x32xf32, #tpu.memory_space<vmem>> -> memref<1x640x32xf32, #tpu.memory_space<vmem>>
      %dma_wait3A_140 = tpu.memref_squeeze %dma_wait3A_139 : memref<1x640x32xf32, #tpu.memory_space<vmem>> -> memref<640x32xf32, #tpu.memory_space<vmem>>
      %dma_wait3A_141 = arith.constant 0 : i32
      %dma_wait3A_142 = tpu.memref_slice %arg5[%dma_wait3A_141] : memref<25600xi32, #tpu.memory_space<vmem>> -> memref<640xi32, #tpu.memory_space<vmem>>
      %dma_wait3A_143 = arith.constant 0 : i32
      %dma_wait3A_144 = arith.constant 0 : i32
      %dma_wait3A_145 = tpu.memref_slice %arg3[%dma_wait3A_143, %dma_wait3A_144] : memref<1000000x32xf32, #tpu.memory_space<hbm>> -> memref<1000000x32xf32, #tpu.memory_space<hbm>>
      tpu.wait_indirect_dma semaphore(%arg7 : memref<!tpu.dma_semaphore, #tpu.memory_space<semaphore_mem>>) src(%dma_wait3A_145 : memref<1000000x32xf32, #tpu.memory_space<hbm>>) dst(%dma_wait3A_140 : memref<640x32xf32, #tpu.memory_space<vmem>>)
      %mul3A_146 = arith.constant 640 : i32
      %mul3A_147 = arith.muli %add3A_135, %mul3A_146 : i32
      %add3A_148 = arith.addi %mul3A_2, %mul3A_147 : i32
      %dma_start3A_149 = arith.constant 1 : i32
      %dma_start3A_150 = arith.constant 0 : i32
      %dma_start3A_151 = arith.constant 0 : i32
      %dma_start3A_152 = tpu.memref_slice %arg6[%dma_start3A_149, %dma_start3A_150, %dma_start3A_151] : memref<4x640x32xf32, #tpu.memory_space<vmem>> -> memref<1x640x32xf32, #tpu.memory_space<vmem>>
      %dma_start3A_153 = tpu.memref_squeeze %dma_start3A_152 : memref<1x640x32xf32, #tpu.memory_space<vmem>> -> memref<640x32xf32, #tpu.memory_space<vmem>>
      %dma_start3A_154 = arith.constant 0 : i32
      %dma_start3A_155 = tpu.memref_slice %arg4[%add3A_148, %dma_start3A_154] : memref<819200x32xf32, #tpu.memory_space<hbm>> -> memref<640x32xf32, #tpu.memory_space<hbm>>
      %dma_start3A_156 = arith.constant 0 : i32
      %dma_start3A_157 = tpu.memref_slice %arg4[%add3A_148, %dma_start3A_156] : memref<819200x32xf32, #tpu.memory_space<hbm>> -> memref<640x32xf32, #tpu.memory_space<hbm>>
      %dma_start3A_158 = arith.constant 0 : i32
      %dma_start3A_159 = arith.constant 0 : i32
      %dma_start3A_160 = tpu.memref_slice %arg6[%dma_start3A_149, %dma_start3A_158, %dma_start3A_159] : memref<4x640x32xf32, #tpu.memory_space<vmem>> -> memref<1x640x32xf32, #tpu.memory_space<vmem>>
      %dma_start3A_161 = tpu.memref_squeeze %dma_start3A_160 : memref<1x640x32xf32, #tpu.memory_space<vmem>> -> memref<640x32xf32, #tpu.memory_space<vmem>>
      tpu.enqueue_dma source(%dma_start3A_161 : memref<640x32xf32, #tpu.memory_space<vmem>>) target(%dma_start3A_157 : memref<640x32xf32, #tpu.memory_space<hbm>>) target_semaphore(%arg8 : memref<!tpu.dma_semaphore, #tpu.memory_space<semaphore_mem>>)
      %add3A_162 = arith.constant 4 : i32
      %add3A_163 = arith.addi %add3A_135, %add3A_162 : i32
      %lt3A_164 = arith.constant 40 : i32
      %lt3A_165 = arith.cmpi slt, %add3A_163, %lt3A_164 : i32
      %convert_element_type3A_166 = arith.extui %lt3A_165 : i1 to i32
      %cond3A_167 = arith.constant 0 : i32
      %cond3A_168 = arith.cmpi ne, %convert_element_type3A_166, %cond3A_167 : i32
      scf.if %cond3A_168 {
        %dma_wait3A_239 = arith.constant 1 : i32
        %dma_wait3A_240 = arith.constant 0 : i32
        %dma_wait3A_241 = arith.constant 0 : i32
        %dma_wait3A_242 = tpu.memref_slice %arg6[%dma_wait3A_239, %dma_wait3A_240, %dma_wait3A_241] : memref<4x640x32xf32, #tpu.memory_space<vmem>> -> memref<1x640x32xf32, #tpu.memory_space<vmem>>
        %dma_wait3A_243 = tpu.memref_squeeze %dma_wait3A_242 : memref<1x640x32xf32, #tpu.memory_space<vmem>> -> memref<640x32xf32, #tpu.memory_space<vmem>>
        %dma_wait3A_244 = arith.constant 0 : i32
        %dma_wait3A_245 = tpu.memref_slice %arg4[%mul3A_2, %dma_wait3A_244] : memref<819200x32xf32, #tpu.memory_space<hbm>> -> memref<640x32xf32, #tpu.memory_space<hbm>>
        %dma_wait3A_246 = arith.constant 0 : i32
        %dma_wait3A_247 = tpu.memref_slice %arg4[%mul3A_2, %dma_wait3A_246] : memref<819200x32xf32, #tpu.memory_space<hbm>> -> memref<640x32xf32, #tpu.memory_space<hbm>>
        %dma_wait3A_248 = arith.constant 0 : i32
        %dma_wait3A_249 = arith.constant 0 : i32
        %dma_wait3A_250 = tpu.memref_slice %arg6[%dma_wait3A_239, %dma_wait3A_248, %dma_wait3A_249] : memref<4x640x32xf32, #tpu.memory_space<vmem>> -> memref<1x640x32xf32, #tpu.memory_space<vmem>>
        %dma_wait3A_251 = tpu.memref_squeeze %dma_wait3A_250 : memref<1x640x32xf32, #tpu.memory_space<vmem>> -> memref<640x32xf32, #tpu.memory_space<vmem>>
        tpu.wait_dma2 semaphore(%arg8 : memref<!tpu.dma_semaphore, #tpu.memory_space<semaphore_mem>>) src(%dma_wait3A_251 : memref<640x32xf32, #tpu.memory_space<vmem>>) dst(%dma_wait3A_247 : memref<640x32xf32, #tpu.memory_space<hbm>>)
        %add3A_252 = arith.constant 4 : i32
        %add3A_253 = arith.addi %add3A_135, %add3A_252 : i32
        %mul3A_254 = arith.constant 640 : i32
        %mul3A_255 = arith.muli %add3A_253, %mul3A_254 : i32
        %dma_start3A_256 = arith.constant 1 : i32
        %dma_start3A_257 = arith.constant 0 : i32
        %dma_start3A_258 = arith.constant 0 : i32
        %dma_start3A_259 = tpu.memref_slice %arg6[%dma_start3A_256, %dma_start3A_257, %dma_start3A_258] : memref<4x640x32xf32, #tpu.memory_space<vmem>> -> memref<1x640x32xf32, #tpu.memory_space<vmem>>
        %dma_start3A_260 = tpu.memref_squeeze %dma_start3A_259 : memref<1x640x32xf32, #tpu.memory_space<vmem>> -> memref<640x32xf32, #tpu.memory_space<vmem>>
        %dma_start3A_261 = tpu.memref_slice %arg5[%mul3A_255] : memref<25600xi32, #tpu.memory_space<vmem>> -> memref<640xi32, #tpu.memory_space<vmem>>
        %dma_start3A_262 = arith.constant 0 : i32
        %dma_start3A_263 = arith.constant 0 : i32
        %dma_start3A_264 = tpu.memref_slice %arg3[%dma_start3A_262, %dma_start3A_263] : memref<1000000x32xf32, #tpu.memory_space<hbm>> -> memref<1000000x32xf32, #tpu.memory_space<hbm>>
        tpu.enqueue_indirect_dma source(%dma_start3A_264 : memref<1000000x32xf32, #tpu.memory_space<hbm>>) target(%dma_start3A_260 : memref<640x32xf32, #tpu.memory_space<vmem>>) offsets(%dma_start3A_261 : memref<640xi32, #tpu.memory_space<vmem>>) semaphore(%arg7 : memref<!tpu.dma_semaphore, #tpu.memory_space<semaphore_mem>>)
      } else {
      }
      %add3A_169 = arith.constant 2 : i32
      %add3A_170 = arith.addi %add3A_101, %add3A_169 : i32
      %dma_wait3A_171 = arith.constant 2 : i32
      %dma_wait3A_172 = arith.constant 0 : i32
      %dma_wait3A_173 = arith.constant 0 : i32
      %dma_wait3A_174 = tpu.memref_slice %arg6[%dma_wait3A_171, %dma_wait3A_172, %dma_wait3A_173] : memref<4x640x32xf32, #tpu.memory_space<vmem>> -> memref<1x640x32xf32, #tpu.memory_space<vmem>>
      %dma_wait3A_175 = tpu.memref_squeeze %dma_wait3A_174 : memref<1x640x32xf32, #tpu.memory_space<vmem>> -> memref<640x32xf32, #tpu.memory_space<vmem>>
      %dma_wait3A_176 = arith.constant 0 : i32
      %dma_wait3A_177 = tpu.memref_slice %arg5[%dma_wait3A_176] : memref<25600xi32, #tpu.memory_space<vmem>> -> memref<640xi32, #tpu.memory_space<vmem>>
      %dma_wait3A_178 = arith.constant 0 : i32
      %dma_wait3A_179 = arith.constant 0 : i32
      %dma_wait3A_180 = tpu.memref_slice %arg3[%dma_wait3A_178, %dma_wait3A_179] : memref<1000000x32xf32, #tpu.memory_space<hbm>> -> memref<1000000x32xf32, #tpu.memory_space<hbm>>
      tpu.wait_indirect_dma semaphore(%arg7 : memref<!tpu.dma_semaphore, #tpu.memory_space<semaphore_mem>>) src(%dma_wait3A_180 : memref<1000000x32xf32, #tpu.memory_space<hbm>>) dst(%dma_wait3A_175 : memref<640x32xf32, #tpu.memory_space<vmem>>)
      %mul3A_181 = arith.constant 640 : i32
      %mul3A_182 = arith.muli %add3A_170, %mul3A_181 : i32
      %add3A_183 = arith.addi %mul3A_2, %mul3A_182 : i32
      %dma_start3A_184 = arith.constant 2 : i32
      %dma_start3A_185 = arith.constant 0 : i32
      %dma_start3A_186 = arith.constant 0 : i32
      %dma_start3A_187 = tpu.memref_slice %arg6[%dma_start3A_184, %dma_start3A_185, %dma_start3A_186] : memref<4x640x32xf32, #tpu.memory_space<vmem>> -> memref<1x640x32xf32, #tpu.memory_space<vmem>>
      %dma_start3A_188 = tpu.memref_squeeze %dma_start3A_187 : memref<1x640x32xf32, #tpu.memory_space<vmem>> -> memref<640x32xf32, #tpu.memory_space<vmem>>
      %dma_start3A_189 = arith.constant 0 : i32
      %dma_start3A_190 = tpu.memref_slice %arg4[%add3A_183, %dma_start3A_189] : memref<819200x32xf32, #tpu.memory_space<hbm>> -> memref<640x32xf32, #tpu.memory_space<hbm>>
      %dma_start3A_191 = arith.constant 0 : i32
      %dma_start3A_192 = tpu.memref_slice %arg4[%add3A_183, %dma_start3A_191] : memref<819200x32xf32, #tpu.memory_space<hbm>> -> memref<640x32xf32, #tpu.memory_space<hbm>>
      %dma_start3A_193 = arith.constant 0 : i32
      %dma_start3A_194 = arith.constant 0 : i32
      %dma_start3A_195 = tpu.memref_slice %arg6[%dma_start3A_184, %dma_start3A_193, %dma_start3A_194] : memref<4x640x32xf32, #tpu.memory_space<vmem>> -> memref<1x640x32xf32, #tpu.memory_space<vmem>>
      %dma_start3A_196 = tpu.memref_squeeze %dma_start3A_195 : memref<1x640x32xf32, #tpu.memory_space<vmem>> -> memref<640x32xf32, #tpu.memory_space<vmem>>
      tpu.enqueue_dma source(%dma_start3A_196 : memref<640x32xf32, #tpu.memory_space<vmem>>) target(%dma_start3A_192 : memref<640x32xf32, #tpu.memory_space<hbm>>) target_semaphore(%arg8 : memref<!tpu.dma_semaphore, #tpu.memory_space<semaphore_mem>>)
      %add3A_197 = arith.constant 4 : i32
      %add3A_198 = arith.addi %add3A_170, %add3A_197 : i32
      %lt3A_199 = arith.constant 40 : i32
      %lt3A_200 = arith.cmpi slt, %add3A_198, %lt3A_199 : i32
      %convert_element_type3A_201 = arith.extui %lt3A_200 : i1 to i32
      %cond3A_202 = arith.constant 0 : i32
      %cond3A_203 = arith.cmpi ne, %convert_element_type3A_201, %cond3A_202 : i32
      scf.if %cond3A_203 {
        %dma_wait3A_239 = arith.constant 2 : i32
        %dma_wait3A_240 = arith.constant 0 : i32
        %dma_wait3A_241 = arith.constant 0 : i32
        %dma_wait3A_242 = tpu.memref_slice %arg6[%dma_wait3A_239, %dma_wait3A_240, %dma_wait3A_241] : memref<4x640x32xf32, #tpu.memory_space<vmem>> -> memref<1x640x32xf32, #tpu.memory_space<vmem>>
        %dma_wait3A_243 = tpu.memref_squeeze %dma_wait3A_242 : memref<1x640x32xf32, #tpu.memory_space<vmem>> -> memref<640x32xf32, #tpu.memory_space<vmem>>
        %dma_wait3A_244 = arith.constant 0 : i32
        %dma_wait3A_245 = tpu.memref_slice %arg4[%mul3A_2, %dma_wait3A_244] : memref<819200x32xf32, #tpu.memory_space<hbm>> -> memref<640x32xf32, #tpu.memory_space<hbm>>
        %dma_wait3A_246 = arith.constant 0 : i32
        %dma_wait3A_247 = tpu.memref_slice %arg4[%mul3A_2, %dma_wait3A_246] : memref<819200x32xf32, #tpu.memory_space<hbm>> -> memref<640x32xf32, #tpu.memory_space<hbm>>
        %dma_wait3A_248 = arith.constant 0 : i32
        %dma_wait3A_249 = arith.constant 0 : i32
        %dma_wait3A_250 = tpu.memref_slice %arg6[%dma_wait3A_239, %dma_wait3A_248, %dma_wait3A_249] : memref<4x640x32xf32, #tpu.memory_space<vmem>> -> memref<1x640x32xf32, #tpu.memory_space<vmem>>
        %dma_wait3A_251 = tpu.memref_squeeze %dma_wait3A_250 : memref<1x640x32xf32, #tpu.memory_space<vmem>> -> memref<640x32xf32, #tpu.memory_space<vmem>>
        tpu.wait_dma2 semaphore(%arg8 : memref<!tpu.dma_semaphore, #tpu.memory_space<semaphore_mem>>) src(%dma_wait3A_251 : memref<640x32xf32, #tpu.memory_space<vmem>>) dst(%dma_wait3A_247 : memref<640x32xf32, #tpu.memory_space<hbm>>)
        %add3A_252 = arith.constant 4 : i32
        %add3A_253 = arith.addi %add3A_170, %add3A_252 : i32
        %mul3A_254 = arith.constant 640 : i32
        %mul3A_255 = arith.muli %add3A_253, %mul3A_254 : i32
        %dma_start3A_256 = arith.constant 2 : i32
        %dma_start3A_257 = arith.constant 0 : i32
        %dma_start3A_258 = arith.constant 0 : i32
        %dma_start3A_259 = tpu.memref_slice %arg6[%dma_start3A_256, %dma_start3A_257, %dma_start3A_258] : memref<4x640x32xf32, #tpu.memory_space<vmem>> -> memref<1x640x32xf32, #tpu.memory_space<vmem>>
        %dma_start3A_260 = tpu.memref_squeeze %dma_start3A_259 : memref<1x640x32xf32, #tpu.memory_space<vmem>> -> memref<640x32xf32, #tpu.memory_space<vmem>>
        %dma_start3A_261 = tpu.memref_slice %arg5[%mul3A_255] : memref<25600xi32, #tpu.memory_space<vmem>> -> memref<640xi32, #tpu.memory_space<vmem>>
        %dma_start3A_262 = arith.constant 0 : i32
        %dma_start3A_263 = arith.constant 0 : i32
        %dma_start3A_264 = tpu.memref_slice %arg3[%dma_start3A_262, %dma_start3A_263] : memref<1000000x32xf32, #tpu.memory_space<hbm>> -> memref<1000000x32xf32, #tpu.memory_space<hbm>>
        tpu.enqueue_indirect_dma source(%dma_start3A_264 : memref<1000000x32xf32, #tpu.memory_space<hbm>>) target(%dma_start3A_260 : memref<640x32xf32, #tpu.memory_space<vmem>>) offsets(%dma_start3A_261 : memref<640xi32, #tpu.memory_space<vmem>>) semaphore(%arg7 : memref<!tpu.dma_semaphore, #tpu.memory_space<semaphore_mem>>)
      } else {
      }
      %add3A_204 = arith.constant 3 : i32
      %add3A_205 = arith.addi %add3A_101, %add3A_204 : i32
      %dma_wait3A_206 = arith.constant 3 : i32
      %dma_wait3A_207 = arith.constant 0 : i32
      %dma_wait3A_208 = arith.constant 0 : i32
      %dma_wait3A_209 = tpu.memref_slice %arg6[%dma_wait3A_206, %dma_wait3A_207, %dma_wait3A_208] : memref<4x640x32xf32, #tpu.memory_space<vmem>> -> memref<1x640x32xf32, #tpu.memory_space<vmem>>
      %dma_wait3A_210 = tpu.memref_squeeze %dma_wait3A_209 : memref<1x640x32xf32, #tpu.memory_space<vmem>> -> memref<640x32xf32, #tpu.memory_space<vmem>>
      %dma_wait3A_211 = arith.constant 0 : i32
      %dma_wait3A_212 = tpu.memref_slice %arg5[%dma_wait3A_211] : memref<25600xi32, #tpu.memory_space<vmem>> -> memref<640xi32, #tpu.memory_space<vmem>>
      %dma_wait3A_213 = arith.constant 0 : i32
      %dma_wait3A_214 = arith.constant 0 : i32
      %dma_wait3A_215 = tpu.memref_slice %arg3[%dma_wait3A_213, %dma_wait3A_214] : memref<1000000x32xf32, #tpu.memory_space<hbm>> -> memref<1000000x32xf32, #tpu.memory_space<hbm>>
      tpu.wait_indirect_dma semaphore(%arg7 : memref<!tpu.dma_semaphore, #tpu.memory_space<semaphore_mem>>) src(%dma_wait3A_215 : memref<1000000x32xf32, #tpu.memory_space<hbm>>) dst(%dma_wait3A_210 : memref<640x32xf32, #tpu.memory_space<vmem>>)
      %mul3A_216 = arith.constant 640 : i32
      %mul3A_217 = arith.muli %add3A_205, %mul3A_216 : i32
      %add3A_218 = arith.addi %mul3A_2, %mul3A_217 : i32
      %dma_start3A_219 = arith.constant 3 : i32
      %dma_start3A_220 = arith.constant 0 : i32
      %dma_start3A_221 = arith.constant 0 : i32
      %dma_start3A_222 = tpu.memref_slice %arg6[%dma_start3A_219, %dma_start3A_220, %dma_start3A_221] : memref<4x640x32xf32, #tpu.memory_space<vmem>> -> memref<1x640x32xf32, #tpu.memory_space<vmem>>
      %dma_start3A_223 = tpu.memref_squeeze %dma_start3A_222 : memref<1x640x32xf32, #tpu.memory_space<vmem>> -> memref<640x32xf32, #tpu.memory_space<vmem>>
      %dma_start3A_224 = arith.constant 0 : i32
      %dma_start3A_225 = tpu.memref_slice %arg4[%add3A_218, %dma_start3A_224] : memref<819200x32xf32, #tpu.memory_space<hbm>> -> memref<640x32xf32, #tpu.memory_space<hbm>>
      %dma_start3A_226 = arith.constant 0 : i32
      %dma_start3A_227 = tpu.memref_slice %arg4[%add3A_218, %dma_start3A_226] : memref<819200x32xf32, #tpu.memory_space<hbm>> -> memref<640x32xf32, #tpu.memory_space<hbm>>
      %dma_start3A_228 = arith.constant 0 : i32
      %dma_start3A_229 = arith.constant 0 : i32
      %dma_start3A_230 = tpu.memref_slice %arg6[%dma_start3A_219, %dma_start3A_228, %dma_start3A_229] : memref<4x640x32xf32, #tpu.memory_space<vmem>> -> memref<1x640x32xf32, #tpu.memory_space<vmem>>
      %dma_start3A_231 = tpu.memref_squeeze %dma_start3A_230 : memref<1x640x32xf32, #tpu.memory_space<vmem>> -> memref<640x32xf32, #tpu.memory_space<vmem>>
      tpu.enqueue_dma source(%dma_start3A_231 : memref<640x32xf32, #tpu.memory_space<vmem>>) target(%dma_start3A_227 : memref<640x32xf32, #tpu.memory_space<hbm>>) target_semaphore(%arg8 : memref<!tpu.dma_semaphore, #tpu.memory_space<semaphore_mem>>)
      %add3A_232 = arith.constant 4 : i32
      %add3A_233 = arith.addi %add3A_205, %add3A_232 : i32
      %lt3A_234 = arith.constant 40 : i32
      %lt3A_235 = arith.cmpi slt, %add3A_233, %lt3A_234 : i32
      %convert_element_type3A_236 = arith.extui %lt3A_235 : i1 to i32
      %cond3A_237 = arith.constant 0 : i32
      %cond3A_238 = arith.cmpi ne, %convert_element_type3A_236, %cond3A_237 : i32
      scf.if %cond3A_238 {
        %dma_wait3A_239 = arith.constant 3 : i32
        %dma_wait3A_240 = arith.constant 0 : i32
        %dma_wait3A_241 = arith.constant 0 : i32
        %dma_wait3A_242 = tpu.memref_slice %arg6[%dma_wait3A_239, %dma_wait3A_240, %dma_wait3A_241] : memref<4x640x32xf32, #tpu.memory_space<vmem>> -> memref<1x640x32xf32, #tpu.memory_space<vmem>>
        %dma_wait3A_243 = tpu.memref_squeeze %dma_wait3A_242 : memref<1x640x32xf32, #tpu.memory_space<vmem>> -> memref<640x32xf32, #tpu.memory_space<vmem>>
        %dma_wait3A_244 = arith.constant 0 : i32
        %dma_wait3A_245 = tpu.memref_slice %arg4[%mul3A_2, %dma_wait3A_244] : memref<819200x32xf32, #tpu.memory_space<hbm>> -> memref<640x32xf32, #tpu.memory_space<hbm>>
        %dma_wait3A_246 = arith.constant 0 : i32
        %dma_wait3A_247 = tpu.memref_slice %arg4[%mul3A_2, %dma_wait3A_246] : memref<819200x32xf32, #tpu.memory_space<hbm>> -> memref<640x32xf32, #tpu.memory_space<hbm>>
        %dma_wait3A_248 = arith.constant 0 : i32
        %dma_wait3A_249 = arith.constant 0 : i32
        %dma_wait3A_250 = tpu.memref_slice %arg6[%dma_wait3A_239, %dma_wait3A_248, %dma_wait3A_249] : memref<4x640x32xf32, #tpu.memory_space<vmem>> -> memref<1x640x32xf32, #tpu.memory_space<vmem>>
        %dma_wait3A_251 = tpu.memref_squeeze %dma_wait3A_250 : memref<1x640x32xf32, #tpu.memory_space<vmem>> -> memref<640x32xf32, #tpu.memory_space<vmem>>
        tpu.wait_dma2 semaphore(%arg8 : memref<!tpu.dma_semaphore, #tpu.memory_space<semaphore_mem>>) src(%dma_wait3A_251 : memref<640x32xf32, #tpu.memory_space<vmem>>) dst(%dma_wait3A_247 : memref<640x32xf32, #tpu.memory_space<hbm>>)
        %add3A_252 = arith.constant 4 : i32
        %add3A_253 = arith.addi %add3A_205, %add3A_252 : i32
        %mul3A_254 = arith.constant 640 : i32
        %mul3A_255 = arith.muli %add3A_253, %mul3A_254 : i32
        %dma_start3A_256 = arith.constant 3 : i32
        %dma_start3A_257 = arith.constant 0 : i32
        %dma_start3A_258 = arith.constant 0 : i32
        %dma_start3A_259 = tpu.memref_slice %arg6[%dma_start3A_256, %dma_start3A_257, %dma_start3A_258] : memref<4x640x32xf32, #tpu.memory_space<vmem>> -> memref<1x640x32xf32, #tpu.memory_space<vmem>>
        %dma_start3A_260 = tpu.memref_squeeze %dma_start3A_259 : memref<1x640x32xf32, #tpu.memory_space<vmem>> -> memref<640x32xf32, #tpu.memory_space<vmem>>
        %dma_start3A_261 = tpu.memref_slice %arg5[%mul3A_255] : memref<25600xi32, #tpu.memory_space<vmem>> -> memref<640xi32, #tpu.memory_space<vmem>>
        %dma_start3A_262 = arith.constant 0 : i32
        %dma_start3A_263 = arith.constant 0 : i32
        %dma_start3A_264 = tpu.memref_slice %arg3[%dma_start3A_262, %dma_start3A_263] : memref<1000000x32xf32, #tpu.memory_space<hbm>> -> memref<1000000x32xf32, #tpu.memory_space<hbm>>
        tpu.enqueue_indirect_dma source(%dma_start3A_264 : memref<1000000x32xf32, #tpu.memory_space<hbm>>) target(%dma_start3A_260 : memref<640x32xf32, #tpu.memory_space<vmem>>) offsets(%dma_start3A_261 : memref<640xi32, #tpu.memory_space<vmem>>) semaphore(%arg7 : memref<!tpu.dma_semaphore, #tpu.memory_space<semaphore_mem>>)
      } else {
      }
    }
    %scan3A_45 = arith.constant 10 : i32
    %dma_wait3A = arith.constant 0 : i32
    %dma_wait3A_46 = arith.constant 0 : i32
    %dma_wait3A_47 = arith.constant 0 : i32
    %dma_wait3A_48 = tpu.memref_slice %arg6[%dma_wait3A, %dma_wait3A_46, %dma_wait3A_47] : memref<4x640x32xf32, #tpu.memory_space<vmem>> -> memref<1x640x32xf32, #tpu.memory_space<vmem>>
    %dma_wait3A_49 = tpu.memref_squeeze %dma_wait3A_48 : memref<1x640x32xf32, #tpu.memory_space<vmem>> -> memref<640x32xf32, #tpu.memory_space<vmem>>
    %dma_wait3A_50 = arith.constant 0 : i32
    %dma_wait3A_51 = tpu.memref_slice %arg4[%mul3A_2, %dma_wait3A_50] : memref<819200x32xf32, #tpu.memory_space<hbm>> -> memref<640x32xf32, #tpu.memory_space<hbm>>
    %dma_wait3A_52 = arith.constant 0 : i32
    %dma_wait3A_53 = tpu.memref_slice %arg4[%mul3A_2, %dma_wait3A_52] : memref<819200x32xf32, #tpu.memory_space<hbm>> -> memref<640x32xf32, #tpu.memory_space<hbm>>
    %dma_wait3A_54 = arith.constant 0 : i32
    %dma_wait3A_55 = arith.constant 0 : i32
    %dma_wait3A_56 = tpu.memref_slice %arg6[%dma_wait3A, %dma_wait3A_54, %dma_wait3A_55] : memref<4x640x32xf32, #tpu.memory_space<vmem>> -> memref<1x640x32xf32, #tpu.memory_space<vmem>>
    %dma_wait3A_57 = tpu.memref_squeeze %dma_wait3A_56 : memref<1x640x32xf32, #tpu.memory_space<vmem>> -> memref<640x32xf32, #tpu.memory_space<vmem>>
    tpu.wait_dma2 semaphore(%arg8 : memref<!tpu.dma_semaphore, #tpu.memory_space<semaphore_mem>>) src(%dma_wait3A_57 : memref<640x32xf32, #tpu.memory_space<vmem>>) dst(%dma_wait3A_53 : memref<640x32xf32, #tpu.memory_space<hbm>>)
    %dma_wait3A_58 = arith.constant 1 : i32
    %dma_wait3A_59 = arith.constant 0 : i32
    %dma_wait3A_60 = arith.constant 0 : i32
    %dma_wait3A_61 = tpu.memref_slice %arg6[%dma_wait3A_58, %dma_wait3A_59, %dma_wait3A_60] : memref<4x640x32xf32, #tpu.memory_space<vmem>> -> memref<1x640x32xf32, #tpu.memory_space<vmem>>
    %dma_wait3A_62 = tpu.memref_squeeze %dma_wait3A_61 : memref<1x640x32xf32, #tpu.memory_space<vmem>> -> memref<640x32xf32, #tpu.memory_space<vmem>>
    %dma_wait3A_63 = arith.constant 0 : i32
    %dma_wait3A_64 = tpu.memref_slice %arg4[%mul3A_2, %dma_wait3A_63] : memref<819200x32xf32, #tpu.memory_space<hbm>> -> memref<640x32xf32, #tpu.memory_space<hbm>>
    %dma_wait3A_65 = arith.constant 0 : i32
    %dma_wait3A_66 = tpu.memref_slice %arg4[%mul3A_2, %dma_wait3A_65] : memref<819200x32xf32, #tpu.memory_space<hbm>> -> memref<640x32xf32, #tpu.memory_space<hbm>>
    %dma_wait3A_67 = arith.constant 0 : i32
    %dma_wait3A_68 = arith.constant 0 : i32
    %dma_wait3A_69 = tpu.memref_slice %arg6[%dma_wait3A_58, %dma_wait3A_67, %dma_wait3A_68] : memref<4x640x32xf32, #tpu.memory_space<vmem>> -> memref<1x640x32xf32, #tpu.memory_space<vmem>>
    %dma_wait3A_70 = tpu.memref_squeeze %dma_wait3A_69 : memref<1x640x32xf32, #tpu.memory_space<vmem>> -> memref<640x32xf32, #tpu.memory_space<vmem>>
    tpu.wait_dma2 semaphore(%arg8 : memref<!tpu.dma_semaphore, #tpu.memory_space<semaphore_mem>>) src(%dma_wait3A_70 : memref<640x32xf32, #tpu.memory_space<vmem>>) dst(%dma_wait3A_66 : memref<640x32xf32, #tpu.memory_space<hbm>>)
    %dma_wait3A_71 = arith.constant 2 : i32
    %dma_wait3A_72 = arith.constant 0 : i32
    %dma_wait3A_73 = arith.constant 0 : i32
    %dma_wait3A_74 = tpu.memref_slice %arg6[%dma_wait3A_71, %dma_wait3A_72, %dma_wait3A_73] : memref<4x640x32xf32, #tpu.memory_space<vmem>> -> memref<1x640x32xf32, #tpu.memory_space<vmem>>
    %dma_wait3A_75 = tpu.memref_squeeze %dma_wait3A_74 : memref<1x640x32xf32, #tpu.memory_space<vmem>> -> memref<640x32xf32, #tpu.memory_space<vmem>>
    %dma_wait3A_76 = arith.constant 0 : i32
    %dma_wait3A_77 = tpu.memref_slice %arg4[%mul3A_2, %dma_wait3A_76] : memref<819200x32xf32, #tpu.memory_space<hbm>> -> memref<640x32xf32, #tpu.memory_space<hbm>>
    %dma_wait3A_78 = arith.constant 0 : i32
    %dma_wait3A_79 = tpu.memref_slice %arg4[%mul3A_2, %dma_wait3A_78] : memref<819200x32xf32, #tpu.memory_space<hbm>> -> memref<640x32xf32, #tpu.memory_space<hbm>>
    %dma_wait3A_80 = arith.constant 0 : i32
    %dma_wait3A_81 = arith.constant 0 : i32
    %dma_wait3A_82 = tpu.memref_slice %arg6[%dma_wait3A_71, %dma_wait3A_80, %dma_wait3A_81] : memref<4x640x32xf32, #tpu.memory_space<vmem>> -> memref<1x640x32xf32, #tpu.memory_space<vmem>>
    %dma_wait3A_83 = tpu.memref_squeeze %dma_wait3A_82 : memref<1x640x32xf32, #tpu.memory_space<vmem>> -> memref<640x32xf32, #tpu.memory_space<vmem>>
    tpu.wait_dma2 semaphore(%arg8 : memref<!tpu.dma_semaphore, #tpu.memory_space<semaphore_mem>>) src(%dma_wait3A_83 : memref<640x32xf32, #tpu.memory_space<vmem>>) dst(%dma_wait3A_79 : memref<640x32xf32, #tpu.memory_space<hbm>>)
    %dma_wait3A_84 = arith.constant 3 : i32
    %dma_wait3A_85 = arith.constant 0 : i32
    %dma_wait3A_86 = arith.constant 0 : i32
    %dma_wait3A_87 = tpu.memref_slice %arg6[%dma_wait3A_84, %dma_wait3A_85, %dma_wait3A_86] : memref<4x640x32xf32, #tpu.memory_space<vmem>> -> memref<1x640x32xf32, #tpu.memory_space<vmem>>
    %dma_wait3A_88 = tpu.memref_squeeze %dma_wait3A_87 : memref<1x640x32xf32, #tpu.memory_space<vmem>> -> memref<640x32xf32, #tpu.memory_space<vmem>>
    %dma_wait3A_89 = arith.constant 0 : i32
    %dma_wait3A_90 = tpu.memref_slice %arg4[%mul3A_2, %dma_wait3A_89] : memref<819200x32xf32, #tpu.memory_space<hbm>> -> memref<640x32xf32, #tpu.memory_space<hbm>>
    %dma_wait3A_91 = arith.constant 0 : i32
    %dma_wait3A_92 = tpu.memref_slice %arg4[%mul3A_2, %dma_wait3A_91] : memref<819200x32xf32, #tpu.memory_space<hbm>> -> memref<640x32xf32, #tpu.memory_space<hbm>>
    %dma_wait3A_93 = arith.constant 0 : i32
    %dma_wait3A_94 = arith.constant 0 : i32
    %dma_wait3A_95 = tpu.memref_slice %arg6[%dma_wait3A_84, %dma_wait3A_93, %dma_wait3A_94] : memref<4x640x32xf32, #tpu.memory_space<vmem>> -> memref<1x640x32xf32, #tpu.memory_space<vmem>>
    %dma_wait3A_96 = tpu.memref_squeeze %dma_wait3A_95 : memref<1x640x32xf32, #tpu.memory_space<vmem>> -> memref<640x32xf32, #tpu.memory_space<vmem>>
    tpu.wait_dma2 semaphore(%arg8 : memref<!tpu.dma_semaphore, #tpu.memory_space<semaphore_mem>>) src(%dma_wait3A_96 : memref<640x32xf32, #tpu.memory_space<vmem>>) dst(%dma_wait3A_92 : memref<640x32xf32, #tpu.memory_space<hbm>>)
    return
  }
}

#map = affine_map<(d0, d1) -> (0, 0)>
#map1 = affine_map<(d0, d1) -> (0)>
module attributes {stable_mosaic.version = 14 : i64} {
  func.func @_fmt_body(%arg0: i32, %arg1: i32, %arg2: memref<32x1000000xf32, #tpu.memory_space<hbm>>, %arg3: memref<50x16384xi32, #tpu.memory_space<hbm>>, %arg4: memref<2048xf32, #tpu.memory_space<hbm>>, %arg5: memref<32000000xf32, #tpu.memory_space<hbm>>, %arg6: memref<819200xi32, #tpu.memory_space<hbm>>, %arg7: memref<32x128xf32, #tpu.memory_space<vmem>>, %arg8: memref<32x128xf32, #tpu.memory_space<vmem>>, %arg9: memref<4096xf32, #tpu.memory_space<vmem>>, %arg10: memref<4096xf32, #tpu.memory_space<vmem>>, %arg11: memref<8x2048xi32, #tpu.memory_space<vmem>>, %arg12: memref<!tpu.dma_semaphore, #tpu.memory_space<semaphore_mem>>, %arg13: memref<!tpu.dma_semaphore, #tpu.memory_space<semaphore_mem>>, %arg14: memref<!tpu.dma_semaphore, #tpu.memory_space<semaphore_mem>>) attributes {dimension_semantics = [#tpu.dimension_semantics<core_parallel>, #tpu.dimension_semantics<subcore_parallel>], iteration_bounds = array<i64: 2, 16>, scalar_prefetch = 0 : i64, scratch_operands = 8 : i64, tpu.core_type = #tpu.core_type<sc_vector_subcore>, window_params = [{transform_indices = #map}, {transform_indices = #map}, {transform_indices = #map1}, {transform_indices = #map1}, {transform_indices = #map1}]} {
    %mul3A = arith.constant 2 : i32
    %mul3A_0 = arith.muli %arg1, %mul3A : i32
    %add3A = arith.addi %mul3A_0, %arg0 : i32
    %iota3A = tpu.iota {dimensions = array<i32: 0>} : vector<16xi32>
    %add3A_1 = arith.constant 0 : i32
    %add3A_2 = vector.broadcast %add3A_1 : i32 to vector<16xi32>
    %add3A_3 = arith.addi %iota3A, %add3A_2 : vector<16xi32>
    %jit3A = arith.constant 16 : i32
    %eq3A = arith.constant 0 : i32
    %eq3A_4 = arith.cmpi eq, %jit3A, %eq3A : i32
    %jit3A_5 = arith.constant 1 : i32
    %select_n3A = arith.select %eq3A_4, %jit3A_5, %jit3A : i32
    %rem3A = vector.broadcast %select_n3A : i32 to vector<16xi32>
    %rem3A_6 = arith.remsi %add3A_3, %rem3A : vector<16xi32>
    %ne3A = arith.constant 0 : i32
    %ne3A_7 = vector.broadcast %ne3A : i32 to vector<16xi32>
    %ne3A_8 = arith.cmpi ne, %rem3A_6, %ne3A_7 : vector<16xi32>
    %lt3A = arith.constant 0 : i32
    %lt3A_9 = vector.broadcast %lt3A : i32 to vector<16xi32>
    %lt3A_10 = arith.cmpi slt, %rem3A_6, %lt3A_9 : vector<16xi32>
    %lt3A_11 = arith.constant 0 : i32
    %lt3A_12 = arith.cmpi slt, %select_n3A, %lt3A_11 : i32
    %ne3A_13 = vector.broadcast %lt3A_12 : i1 to vector<16xi1>
    %ne3A_14 = vector.broadcast %ne3A_13 : vector<16xi1> to vector<16xi1>
    %ne3A_15 = arith.xori %lt3A_10, %ne3A_14 : vector<16xi1>
    %and3A = arith.andi %ne3A_15, %ne3A_8 : vector<16xi1>
    %add3A_16 = vector.broadcast %select_n3A : i32 to vector<16xi32>
    %add3A_17 = arith.addi %rem3A_6, %add3A_16 : vector<16xi32>
    %select_n3A_18 = arith.select %and3A, %add3A_17, %rem3A_6 : vector<16xi1>, vector<16xi32>
    %add3A_19 = arith.constant 1 : i32
    %add3A_20 = vector.broadcast %add3A_19 : i32 to vector<16xi32>
    %add3A_21 = arith.addi %iota3A, %add3A_20 : vector<16xi32>
    %jit3A_22 = arith.constant 16 : i32
    %eq3A_23 = arith.constant 0 : i32
    %eq3A_24 = arith.cmpi eq, %jit3A_22, %eq3A_23 : i32
    %jit3A_25 = arith.constant 1 : i32
    %select_n3A_26 = arith.select %eq3A_24, %jit3A_25, %jit3A_22 : i32
    %rem3A_27 = vector.broadcast %select_n3A_26 : i32 to vector<16xi32>
    %rem3A_28 = arith.remsi %add3A_21, %rem3A_27 : vector<16xi32>
    %ne3A_29 = arith.constant 0 : i32
    %ne3A_30 = vector.broadcast %ne3A_29 : i32 to vector<16xi32>
    %ne3A_31 = arith.cmpi ne, %rem3A_28, %ne3A_30 : vector<16xi32>
    %lt3A_32 = arith.constant 0 : i32
    %lt3A_33 = vector.broadcast %lt3A_32 : i32 to vector<16xi32>
    %lt3A_34 = arith.cmpi slt, %rem3A_28, %lt3A_33 : vector<16xi32>
    %lt3A_35 = arith.constant 0 : i32
    %lt3A_36 = arith.cmpi slt, %select_n3A_26, %lt3A_35 : i32
    %ne3A_37 = vector.broadcast %lt3A_36 : i1 to vector<16xi1>
    %ne3A_38 = vector.broadcast %ne3A_37 : vector<16xi1> to vector<16xi1>
    %ne3A_39 = arith.xori %lt3A_34, %ne3A_38 : vector<16xi1>
    %and3A_40 = arith.andi %ne3A_39, %ne3A_31 : vector<16xi1>
    %add3A_41 = vector.broadcast %select_n3A_26 : i32 to vector<16xi32>
    %add3A_42 = arith.addi %rem3A_28, %add3A_41 : vector<16xi32>
    %select_n3A_43 = arith.select %and3A_40, %add3A_42, %rem3A_28 : vector<16xi1>, vector<16xi32>
    %add3A_44 = arith.constant 2 : i32
    %add3A_45 = vector.broadcast %add3A_44 : i32 to vector<16xi32>
    %add3A_46 = arith.addi %iota3A, %add3A_45 : vector<16xi32>
    %jit3A_47 = arith.constant 16 : i32
    %eq3A_48 = arith.constant 0 : i32
    %eq3A_49 = arith.cmpi eq, %jit3A_47, %eq3A_48 : i32
    %jit3A_50 = arith.constant 1 : i32
    %select_n3A_51 = arith.select %eq3A_49, %jit3A_50, %jit3A_47 : i32
    %rem3A_52 = vector.broadcast %select_n3A_51 : i32 to vector<16xi32>
    %rem3A_53 = arith.remsi %add3A_46, %rem3A_52 : vector<16xi32>
    %ne3A_54 = arith.constant 0 : i32
    %ne3A_55 = vector.broadcast %ne3A_54 : i32 to vector<16xi32>
    %ne3A_56 = arith.cmpi ne, %rem3A_53, %ne3A_55 : vector<16xi32>
    %lt3A_57 = arith.constant 0 : i32
    %lt3A_58 = vector.broadcast %lt3A_57 : i32 to vector<16xi32>
    %lt3A_59 = arith.cmpi slt, %rem3A_53, %lt3A_58 : vector<16xi32>
    %lt3A_60 = arith.constant 0 : i32
    %lt3A_61 = arith.cmpi slt, %select_n3A_51, %lt3A_60 : i32
    %ne3A_62 = vector.broadcast %lt3A_61 : i1 to vector<16xi1>
    %ne3A_63 = vector.broadcast %ne3A_62 : vector<16xi1> to vector<16xi1>
    %ne3A_64 = arith.xori %lt3A_59, %ne3A_63 : vector<16xi1>
    %and3A_65 = arith.andi %ne3A_64, %ne3A_56 : vector<16xi1>
    %add3A_66 = vector.broadcast %select_n3A_51 : i32 to vector<16xi32>
    %add3A_67 = arith.addi %rem3A_53, %add3A_66 : vector<16xi32>
    %select_n3A_68 = arith.select %and3A_65, %add3A_67, %rem3A_53 : vector<16xi1>, vector<16xi32>
    %add3A_69 = arith.constant 3 : i32
    %add3A_70 = vector.broadcast %add3A_69 : i32 to vector<16xi32>
    %add3A_71 = arith.addi %iota3A, %add3A_70 : vector<16xi32>
    %jit3A_72 = arith.constant 16 : i32
    %eq3A_73 = arith.constant 0 : i32
    %eq3A_74 = arith.cmpi eq, %jit3A_72, %eq3A_73 : i32
    %jit3A_75 = arith.constant 1 : i32
    %select_n3A_76 = arith.select %eq3A_74, %jit3A_75, %jit3A_72 : i32
    %rem3A_77 = vector.broadcast %select_n3A_76 : i32 to vector<16xi32>
    %rem3A_78 = arith.remsi %add3A_71, %rem3A_77 : vector<16xi32>
    %ne3A_79 = arith.constant 0 : i32
    %ne3A_80 = vector.broadcast %ne3A_79 : i32 to vector<16xi32>
    %ne3A_81 = arith.cmpi ne, %rem3A_78, %ne3A_80 : vector<16xi32>
    %lt3A_82 = arith.constant 0 : i32
    %lt3A_83 = vector.broadcast %lt3A_82 : i32 to vector<16xi32>
    %lt3A_84 = arith.cmpi slt, %rem3A_78, %lt3A_83 : vector<16xi32>
    %lt3A_85 = arith.constant 0 : i32
    %lt3A_86 = arith.cmpi slt, %select_n3A_76, %lt3A_85 : i32
    %ne3A_87 = vector.broadcast %lt3A_86 : i1 to vector<16xi1>
    %ne3A_88 = vector.broadcast %ne3A_87 : vector<16xi1> to vector<16xi1>
    %ne3A_89 = arith.xori %lt3A_84, %ne3A_88 : vector<16xi1>
    %and3A_90 = arith.andi %ne3A_89, %ne3A_81 : vector<16xi1>
    %add3A_91 = vector.broadcast %select_n3A_76 : i32 to vector<16xi32>
    %add3A_92 = arith.addi %rem3A_78, %add3A_91 : vector<16xi32>
    %select_n3A_93 = arith.select %and3A_90, %add3A_92, %rem3A_78 : vector<16xi1>, vector<16xi32>
    %add3A_94 = arith.constant 4 : i32
    %add3A_95 = vector.broadcast %add3A_94 : i32 to vector<16xi32>
    %add3A_96 = arith.addi %iota3A, %add3A_95 : vector<16xi32>
    %jit3A_97 = arith.constant 16 : i32
    %eq3A_98 = arith.constant 0 : i32
    %eq3A_99 = arith.cmpi eq, %jit3A_97, %eq3A_98 : i32
    %jit3A_100 = arith.constant 1 : i32
    %select_n3A_101 = arith.select %eq3A_99, %jit3A_100, %jit3A_97 : i32
    %rem3A_102 = vector.broadcast %select_n3A_101 : i32 to vector<16xi32>
    %rem3A_103 = arith.remsi %add3A_96, %rem3A_102 : vector<16xi32>
    %ne3A_104 = arith.constant 0 : i32
    %ne3A_105 = vector.broadcast %ne3A_104 : i32 to vector<16xi32>
    %ne3A_106 = arith.cmpi ne, %rem3A_103, %ne3A_105 : vector<16xi32>
    %lt3A_107 = arith.constant 0 : i32
    %lt3A_108 = vector.broadcast %lt3A_107 : i32 to vector<16xi32>
    %lt3A_109 = arith.cmpi slt, %rem3A_103, %lt3A_108 : vector<16xi32>
    %lt3A_110 = arith.constant 0 : i32
    %lt3A_111 = arith.cmpi slt, %select_n3A_101, %lt3A_110 : i32
    %ne3A_112 = vector.broadcast %lt3A_111 : i1 to vector<16xi1>
    %ne3A_113 = vector.broadcast %ne3A_112 : vector<16xi1> to vector<16xi1>
    %ne3A_114 = arith.xori %lt3A_109, %ne3A_113 : vector<16xi1>
    %and3A_115 = arith.andi %ne3A_114, %ne3A_106 : vector<16xi1>
    %add3A_116 = vector.broadcast %select_n3A_101 : i32 to vector<16xi32>
    %add3A_117 = arith.addi %rem3A_103, %add3A_116 : vector<16xi32>
    %select_n3A_118 = arith.select %and3A_115, %add3A_117, %rem3A_103 : vector<16xi1>, vector<16xi32>
    %add3A_119 = arith.constant 5 : i32
    %add3A_120 = vector.broadcast %add3A_119 : i32 to vector<16xi32>
    %add3A_121 = arith.addi %iota3A, %add3A_120 : vector<16xi32>
    %jit3A_122 = arith.constant 16 : i32
    %eq3A_123 = arith.constant 0 : i32
    %eq3A_124 = arith.cmpi eq, %jit3A_122, %eq3A_123 : i32
    %jit3A_125 = arith.constant 1 : i32
    %select_n3A_126 = arith.select %eq3A_124, %jit3A_125, %jit3A_122 : i32
    %rem3A_127 = vector.broadcast %select_n3A_126 : i32 to vector<16xi32>
    %rem3A_128 = arith.remsi %add3A_121, %rem3A_127 : vector<16xi32>
    %ne3A_129 = arith.constant 0 : i32
    %ne3A_130 = vector.broadcast %ne3A_129 : i32 to vector<16xi32>
    %ne3A_131 = arith.cmpi ne, %rem3A_128, %ne3A_130 : vector<16xi32>
    %lt3A_132 = arith.constant 0 : i32
    %lt3A_133 = vector.broadcast %lt3A_132 : i32 to vector<16xi32>
    %lt3A_134 = arith.cmpi slt, %rem3A_128, %lt3A_133 : vector<16xi32>
    %lt3A_135 = arith.constant 0 : i32
    %lt3A_136 = arith.cmpi slt, %select_n3A_126, %lt3A_135 : i32
    %ne3A_137 = vector.broadcast %lt3A_136 : i1 to vector<16xi1>
    %ne3A_138 = vector.broadcast %ne3A_137 : vector<16xi1> to vector<16xi1>
    %ne3A_139 = arith.xori %lt3A_134, %ne3A_138 : vector<16xi1>
    %and3A_140 = arith.andi %ne3A_139, %ne3A_131 : vector<16xi1>
    %add3A_141 = vector.broadcast %select_n3A_126 : i32 to vector<16xi32>
    %add3A_142 = arith.addi %rem3A_128, %add3A_141 : vector<16xi32>
    %select_n3A_143 = arith.select %and3A_140, %add3A_142, %rem3A_128 : vector<16xi1>, vector<16xi32>
    %add3A_144 = arith.constant 6 : i32
    %add3A_145 = vector.broadcast %add3A_144 : i32 to vector<16xi32>
    %add3A_146 = arith.addi %iota3A, %add3A_145 : vector<16xi32>
    %jit3A_147 = arith.constant 16 : i32
    %eq3A_148 = arith.constant 0 : i32
    %eq3A_149 = arith.cmpi eq, %jit3A_147, %eq3A_148 : i32
    %jit3A_150 = arith.constant 1 : i32
    %select_n3A_151 = arith.select %eq3A_149, %jit3A_150, %jit3A_147 : i32
    %rem3A_152 = vector.broadcast %select_n3A_151 : i32 to vector<16xi32>
    %rem3A_153 = arith.remsi %add3A_146, %rem3A_152 : vector<16xi32>
    %ne3A_154 = arith.constant 0 : i32
    %ne3A_155 = vector.broadcast %ne3A_154 : i32 to vector<16xi32>
    %ne3A_156 = arith.cmpi ne, %rem3A_153, %ne3A_155 : vector<16xi32>
    %lt3A_157 = arith.constant 0 : i32
    %lt3A_158 = vector.broadcast %lt3A_157 : i32 to vector<16xi32>
    %lt3A_159 = arith.cmpi slt, %rem3A_153, %lt3A_158 : vector<16xi32>
    %lt3A_160 = arith.constant 0 : i32
    %lt3A_161 = arith.cmpi slt, %select_n3A_151, %lt3A_160 : i32
    %ne3A_162 = vector.broadcast %lt3A_161 : i1 to vector<16xi1>
    %ne3A_163 = vector.broadcast %ne3A_162 : vector<16xi1> to vector<16xi1>
    %ne3A_164 = arith.xori %lt3A_159, %ne3A_163 : vector<16xi1>
    %and3A_165 = arith.andi %ne3A_164, %ne3A_156 : vector<16xi1>
    %add3A_166 = vector.broadcast %select_n3A_151 : i32 to vector<16xi32>
    %add3A_167 = arith.addi %rem3A_153, %add3A_166 : vector<16xi32>
    %select_n3A_168 = arith.select %and3A_165, %add3A_167, %rem3A_153 : vector<16xi1>, vector<16xi32>
    %add3A_169 = arith.constant 7 : i32
    %add3A_170 = vector.broadcast %add3A_169 : i32 to vector<16xi32>
    %add3A_171 = arith.addi %iota3A, %add3A_170 : vector<16xi32>
    %jit3A_172 = arith.constant 16 : i32
    %eq3A_173 = arith.constant 0 : i32
    %eq3A_174 = arith.cmpi eq, %jit3A_172, %eq3A_173 : i32
    %jit3A_175 = arith.constant 1 : i32
    %select_n3A_176 = arith.select %eq3A_174, %jit3A_175, %jit3A_172 : i32
    %rem3A_177 = vector.broadcast %select_n3A_176 : i32 to vector<16xi32>
    %rem3A_178 = arith.remsi %add3A_171, %rem3A_177 : vector<16xi32>
    %ne3A_179 = arith.constant 0 : i32
    %ne3A_180 = vector.broadcast %ne3A_179 : i32 to vector<16xi32>
    %ne3A_181 = arith.cmpi ne, %rem3A_178, %ne3A_180 : vector<16xi32>
    %lt3A_182 = arith.constant 0 : i32
    %lt3A_183 = vector.broadcast %lt3A_182 : i32 to vector<16xi32>
    %lt3A_184 = arith.cmpi slt, %rem3A_178, %lt3A_183 : vector<16xi32>
    %lt3A_185 = arith.constant 0 : i32
    %lt3A_186 = arith.cmpi slt, %select_n3A_176, %lt3A_185 : i32
    %ne3A_187 = vector.broadcast %lt3A_186 : i1 to vector<16xi1>
    %ne3A_188 = vector.broadcast %ne3A_187 : vector<16xi1> to vector<16xi1>
    %ne3A_189 = arith.xori %lt3A_184, %ne3A_188 : vector<16xi1>
    %and3A_190 = arith.andi %ne3A_189, %ne3A_181 : vector<16xi1>
    %add3A_191 = vector.broadcast %select_n3A_176 : i32 to vector<16xi32>
    %add3A_192 = arith.addi %rem3A_178, %add3A_191 : vector<16xi32>
    %select_n3A_193 = arith.select %and3A_190, %add3A_192, %rem3A_178 : vector<16xi1>, vector<16xi32>
    %add3A_194 = arith.constant 8 : i32
    %add3A_195 = vector.broadcast %add3A_194 : i32 to vector<16xi32>
    %add3A_196 = arith.addi %iota3A, %add3A_195 : vector<16xi32>
    %jit3A_197 = arith.constant 16 : i32
    %eq3A_198 = arith.constant 0 : i32
    %eq3A_199 = arith.cmpi eq, %jit3A_197, %eq3A_198 : i32
    %jit3A_200 = arith.constant 1 : i32
    %select_n3A_201 = arith.select %eq3A_199, %jit3A_200, %jit3A_197 : i32
    %rem3A_202 = vector.broadcast %select_n3A_201 : i32 to vector<16xi32>
    %rem3A_203 = arith.remsi %add3A_196, %rem3A_202 : vector<16xi32>
    %ne3A_204 = arith.constant 0 : i32
    %ne3A_205 = vector.broadcast %ne3A_204 : i32 to vector<16xi32>
    %ne3A_206 = arith.cmpi ne, %rem3A_203, %ne3A_205 : vector<16xi32>
    %lt3A_207 = arith.constant 0 : i32
    %lt3A_208 = vector.broadcast %lt3A_207 : i32 to vector<16xi32>
    %lt3A_209 = arith.cmpi slt, %rem3A_203, %lt3A_208 : vector<16xi32>
    %lt3A_210 = arith.constant 0 : i32
    %lt3A_211 = arith.cmpi slt, %select_n3A_201, %lt3A_210 : i32
    %ne3A_212 = vector.broadcast %lt3A_211 : i1 to vector<16xi1>
    %ne3A_213 = vector.broadcast %ne3A_212 : vector<16xi1> to vector<16xi1>
    %ne3A_214 = arith.xori %lt3A_209, %ne3A_213 : vector<16xi1>
    %and3A_215 = arith.andi %ne3A_214, %ne3A_206 : vector<16xi1>
    %add3A_216 = vector.broadcast %select_n3A_201 : i32 to vector<16xi32>
    %add3A_217 = arith.addi %rem3A_203, %add3A_216 : vector<16xi32>
    %select_n3A_218 = arith.select %and3A_215, %add3A_217, %rem3A_203 : vector<16xi1>, vector<16xi32>
    %add3A_219 = arith.constant 9 : i32
    %add3A_220 = vector.broadcast %add3A_219 : i32 to vector<16xi32>
    %add3A_221 = arith.addi %iota3A, %add3A_220 : vector<16xi32>
    %jit3A_222 = arith.constant 16 : i32
    %eq3A_223 = arith.constant 0 : i32
    %eq3A_224 = arith.cmpi eq, %jit3A_222, %eq3A_223 : i32
    %jit3A_225 = arith.constant 1 : i32
    %select_n3A_226 = arith.select %eq3A_224, %jit3A_225, %jit3A_222 : i32
    %rem3A_227 = vector.broadcast %select_n3A_226 : i32 to vector<16xi32>
    %rem3A_228 = arith.remsi %add3A_221, %rem3A_227 : vector<16xi32>
    %ne3A_229 = arith.constant 0 : i32
    %ne3A_230 = vector.broadcast %ne3A_229 : i32 to vector<16xi32>
    %ne3A_231 = arith.cmpi ne, %rem3A_228, %ne3A_230 : vector<16xi32>
    %lt3A_232 = arith.constant 0 : i32
    %lt3A_233 = vector.broadcast %lt3A_232 : i32 to vector<16xi32>
    %lt3A_234 = arith.cmpi slt, %rem3A_228, %lt3A_233 : vector<16xi32>
    %lt3A_235 = arith.constant 0 : i32
    %lt3A_236 = arith.cmpi slt, %select_n3A_226, %lt3A_235 : i32
    %ne3A_237 = vector.broadcast %lt3A_236 : i1 to vector<16xi1>
    %ne3A_238 = vector.broadcast %ne3A_237 : vector<16xi1> to vector<16xi1>
    %ne3A_239 = arith.xori %lt3A_234, %ne3A_238 : vector<16xi1>
    %and3A_240 = arith.andi %ne3A_239, %ne3A_231 : vector<16xi1>
    %add3A_241 = vector.broadcast %select_n3A_226 : i32 to vector<16xi32>
    %add3A_242 = arith.addi %rem3A_228, %add3A_241 : vector<16xi32>
    %select_n3A_243 = arith.select %and3A_240, %add3A_242, %rem3A_228 : vector<16xi1>, vector<16xi32>
    %add3A_244 = arith.constant 10 : i32
    %add3A_245 = vector.broadcast %add3A_244 : i32 to vector<16xi32>
    %add3A_246 = arith.addi %iota3A, %add3A_245 : vector<16xi32>
    %jit3A_247 = arith.constant 16 : i32
    %eq3A_248 = arith.constant 0 : i32
    %eq3A_249 = arith.cmpi eq, %jit3A_247, %eq3A_248 : i32
    %jit3A_250 = arith.constant 1 : i32
    %select_n3A_251 = arith.select %eq3A_249, %jit3A_250, %jit3A_247 : i32
    %rem3A_252 = vector.broadcast %select_n3A_251 : i32 to vector<16xi32>
    %rem3A_253 = arith.remsi %add3A_246, %rem3A_252 : vector<16xi32>
    %ne3A_254 = arith.constant 0 : i32
    %ne3A_255 = vector.broadcast %ne3A_254 : i32 to vector<16xi32>
    %ne3A_256 = arith.cmpi ne, %rem3A_253, %ne3A_255 : vector<16xi32>
    %lt3A_257 = arith.constant 0 : i32
    %lt3A_258 = vector.broadcast %lt3A_257 : i32 to vector<16xi32>
    %lt3A_259 = arith.cmpi slt, %rem3A_253, %lt3A_258 : vector<16xi32>
    %lt3A_260 = arith.constant 0 : i32
    %lt3A_261 = arith.cmpi slt, %select_n3A_251, %lt3A_260 : i32
    %ne3A_262 = vector.broadcast %lt3A_261 : i1 to vector<16xi1>
    %ne3A_263 = vector.broadcast %ne3A_262 : vector<16xi1> to vector<16xi1>
    %ne3A_264 = arith.xori %lt3A_259, %ne3A_263 : vector<16xi1>
    %and3A_265 = arith.andi %ne3A_264, %ne3A_256 : vector<16xi1>
    %add3A_266 = vector.broadcast %select_n3A_251 : i32 to vector<16xi32>
    %add3A_267 = arith.addi %rem3A_253, %add3A_266 : vector<16xi32>
    %select_n3A_268 = arith.select %and3A_265, %add3A_267, %rem3A_253 : vector<16xi1>, vector<16xi32>
    %add3A_269 = arith.constant 11 : i32
    %add3A_270 = vector.broadcast %add3A_269 : i32 to vector<16xi32>
    %add3A_271 = arith.addi %iota3A, %add3A_270 : vector<16xi32>
    %jit3A_272 = arith.constant 16 : i32
    %eq3A_273 = arith.constant 0 : i32
    %eq3A_274 = arith.cmpi eq, %jit3A_272, %eq3A_273 : i32
    %jit3A_275 = arith.constant 1 : i32
    %select_n3A_276 = arith.select %eq3A_274, %jit3A_275, %jit3A_272 : i32
    %rem3A_277 = vector.broadcast %select_n3A_276 : i32 to vector<16xi32>
    %rem3A_278 = arith.remsi %add3A_271, %rem3A_277 : vector<16xi32>
    %ne3A_279 = arith.constant 0 : i32
    %ne3A_280 = vector.broadcast %ne3A_279 : i32 to vector<16xi32>
    %ne3A_281 = arith.cmpi ne, %rem3A_278, %ne3A_280 : vector<16xi32>
    %lt3A_282 = arith.constant 0 : i32
    %lt3A_283 = vector.broadcast %lt3A_282 : i32 to vector<16xi32>
    %lt3A_284 = arith.cmpi slt, %rem3A_278, %lt3A_283 : vector<16xi32>
    %lt3A_285 = arith.constant 0 : i32
    %lt3A_286 = arith.cmpi slt, %select_n3A_276, %lt3A_285 : i32
    %ne3A_287 = vector.broadcast %lt3A_286 : i1 to vector<16xi1>
    %ne3A_288 = vector.broadcast %ne3A_287 : vector<16xi1> to vector<16xi1>
    %ne3A_289 = arith.xori %lt3A_284, %ne3A_288 : vector<16xi1>
    %and3A_290 = arith.andi %ne3A_289, %ne3A_281 : vector<16xi1>
    %add3A_291 = vector.broadcast %select_n3A_276 : i32 to vector<16xi32>
    %add3A_292 = arith.addi %rem3A_278, %add3A_291 : vector<16xi32>
    %select_n3A_293 = arith.select %and3A_290, %add3A_292, %rem3A_278 : vector<16xi1>, vector<16xi32>
    %add3A_294 = arith.constant 12 : i32
    %add3A_295 = vector.broadcast %add3A_294 : i32 to vector<16xi32>
    %add3A_296 = arith.addi %iota3A, %add3A_295 : vector<16xi32>
    %jit3A_297 = arith.constant 16 : i32
    %eq3A_298 = arith.constant 0 : i32
    %eq3A_299 = arith.cmpi eq, %jit3A_297, %eq3A_298 : i32
    %jit3A_300 = arith.constant 1 : i32
    %select_n3A_301 = arith.select %eq3A_299, %jit3A_300, %jit3A_297 : i32
    %rem3A_302 = vector.broadcast %select_n3A_301 : i32 to vector<16xi32>
    %rem3A_303 = arith.remsi %add3A_296, %rem3A_302 : vector<16xi32>
    %ne3A_304 = arith.constant 0 : i32
    %ne3A_305 = vector.broadcast %ne3A_304 : i32 to vector<16xi32>
    %ne3A_306 = arith.cmpi ne, %rem3A_303, %ne3A_305 : vector<16xi32>
    %lt3A_307 = arith.constant 0 : i32
    %lt3A_308 = vector.broadcast %lt3A_307 : i32 to vector<16xi32>
    %lt3A_309 = arith.cmpi slt, %rem3A_303, %lt3A_308 : vector<16xi32>
    %lt3A_310 = arith.constant 0 : i32
    %lt3A_311 = arith.cmpi slt, %select_n3A_301, %lt3A_310 : i32
    %ne3A_312 = vector.broadcast %lt3A_311 : i1 to vector<16xi1>
    %ne3A_313 = vector.broadcast %ne3A_312 : vector<16xi1> to vector<16xi1>
    %ne3A_314 = arith.xori %lt3A_309, %ne3A_313 : vector<16xi1>
    %and3A_315 = arith.andi %ne3A_314, %ne3A_306 : vector<16xi1>
    %add3A_316 = vector.broadcast %select_n3A_301 : i32 to vector<16xi32>
    %add3A_317 = arith.addi %rem3A_303, %add3A_316 : vector<16xi32>
    %select_n3A_318 = arith.select %and3A_315, %add3A_317, %rem3A_303 : vector<16xi1>, vector<16xi32>
    %add3A_319 = arith.constant 13 : i32
    %add3A_320 = vector.broadcast %add3A_319 : i32 to vector<16xi32>
    %add3A_321 = arith.addi %iota3A, %add3A_320 : vector<16xi32>
    %jit3A_322 = arith.constant 16 : i32
    %eq3A_323 = arith.constant 0 : i32
    %eq3A_324 = arith.cmpi eq, %jit3A_322, %eq3A_323 : i32
    %jit3A_325 = arith.constant 1 : i32
    %select_n3A_326 = arith.select %eq3A_324, %jit3A_325, %jit3A_322 : i32
    %rem3A_327 = vector.broadcast %select_n3A_326 : i32 to vector<16xi32>
    %rem3A_328 = arith.remsi %add3A_321, %rem3A_327 : vector<16xi32>
    %ne3A_329 = arith.constant 0 : i32
    %ne3A_330 = vector.broadcast %ne3A_329 : i32 to vector<16xi32>
    %ne3A_331 = arith.cmpi ne, %rem3A_328, %ne3A_330 : vector<16xi32>
    %lt3A_332 = arith.constant 0 : i32
    %lt3A_333 = vector.broadcast %lt3A_332 : i32 to vector<16xi32>
    %lt3A_334 = arith.cmpi slt, %rem3A_328, %lt3A_333 : vector<16xi32>
    %lt3A_335 = arith.constant 0 : i32
    %lt3A_336 = arith.cmpi slt, %select_n3A_326, %lt3A_335 : i32
    %ne3A_337 = vector.broadcast %lt3A_336 : i1 to vector<16xi1>
    %ne3A_338 = vector.broadcast %ne3A_337 : vector<16xi1> to vector<16xi1>
    %ne3A_339 = arith.xori %lt3A_334, %ne3A_338 : vector<16xi1>
    %and3A_340 = arith.andi %ne3A_339, %ne3A_331 : vector<16xi1>
    %add3A_341 = vector.broadcast %select_n3A_326 : i32 to vector<16xi32>
    %add3A_342 = arith.addi %rem3A_328, %add3A_341 : vector<16xi32>
    %select_n3A_343 = arith.select %and3A_340, %add3A_342, %rem3A_328 : vector<16xi1>, vector<16xi32>
    %add3A_344 = arith.constant 14 : i32
    %add3A_345 = vector.broadcast %add3A_344 : i32 to vector<16xi32>
    %add3A_346 = arith.addi %iota3A, %add3A_345 : vector<16xi32>
    %jit3A_347 = arith.constant 16 : i32
    %eq3A_348 = arith.constant 0 : i32
    %eq3A_349 = arith.cmpi eq, %jit3A_347, %eq3A_348 : i32
    %jit3A_350 = arith.constant 1 : i32
    %select_n3A_351 = arith.select %eq3A_349, %jit3A_350, %jit3A_347 : i32
    %rem3A_352 = vector.broadcast %select_n3A_351 : i32 to vector<16xi32>
    %rem3A_353 = arith.remsi %add3A_346, %rem3A_352 : vector<16xi32>
    %ne3A_354 = arith.constant 0 : i32
    %ne3A_355 = vector.broadcast %ne3A_354 : i32 to vector<16xi32>
    %ne3A_356 = arith.cmpi ne, %rem3A_353, %ne3A_355 : vector<16xi32>
    %lt3A_357 = arith.constant 0 : i32
    %lt3A_358 = vector.broadcast %lt3A_357 : i32 to vector<16xi32>
    %lt3A_359 = arith.cmpi slt, %rem3A_353, %lt3A_358 : vector<16xi32>
    %lt3A_360 = arith.constant 0 : i32
    %lt3A_361 = arith.cmpi slt, %select_n3A_351, %lt3A_360 : i32
    %ne3A_362 = vector.broadcast %lt3A_361 : i1 to vector<16xi1>
    %ne3A_363 = vector.broadcast %ne3A_362 : vector<16xi1> to vector<16xi1>
    %ne3A_364 = arith.xori %lt3A_359, %ne3A_363 : vector<16xi1>
    %and3A_365 = arith.andi %ne3A_364, %ne3A_356 : vector<16xi1>
    %add3A_366 = vector.broadcast %select_n3A_351 : i32 to vector<16xi32>
    %add3A_367 = arith.addi %rem3A_353, %add3A_366 : vector<16xi32>
    %select_n3A_368 = arith.select %and3A_365, %add3A_367, %rem3A_353 : vector<16xi1>, vector<16xi32>
    %add3A_369 = arith.constant 15 : i32
    %add3A_370 = vector.broadcast %add3A_369 : i32 to vector<16xi32>
    %add3A_371 = arith.addi %iota3A, %add3A_370 : vector<16xi32>
    %jit3A_372 = arith.constant 16 : i32
    %eq3A_373 = arith.constant 0 : i32
    %eq3A_374 = arith.cmpi eq, %jit3A_372, %eq3A_373 : i32
    %jit3A_375 = arith.constant 1 : i32
    %select_n3A_376 = arith.select %eq3A_374, %jit3A_375, %jit3A_372 : i32
    %rem3A_377 = vector.broadcast %select_n3A_376 : i32 to vector<16xi32>
    %rem3A_378 = arith.remsi %add3A_371, %rem3A_377 : vector<16xi32>
    %ne3A_379 = arith.constant 0 : i32
    %ne3A_380 = vector.broadcast %ne3A_379 : i32 to vector<16xi32>
    %ne3A_381 = arith.cmpi ne, %rem3A_378, %ne3A_380 : vector<16xi32>
    %lt3A_382 = arith.constant 0 : i32
    %lt3A_383 = vector.broadcast %lt3A_382 : i32 to vector<16xi32>
    %lt3A_384 = arith.cmpi slt, %rem3A_378, %lt3A_383 : vector<16xi32>
    %lt3A_385 = arith.constant 0 : i32
    %lt3A_386 = arith.cmpi slt, %select_n3A_376, %lt3A_385 : i32
    %ne3A_387 = vector.broadcast %lt3A_386 : i1 to vector<16xi1>
    %ne3A_388 = vector.broadcast %ne3A_387 : vector<16xi1> to vector<16xi1>
    %ne3A_389 = arith.xori %lt3A_384, %ne3A_388 : vector<16xi1>
    %and3A_390 = arith.andi %ne3A_389, %ne3A_381 : vector<16xi1>
    %add3A_391 = vector.broadcast %select_n3A_376 : i32 to vector<16xi32>
    %add3A_392 = arith.addi %rem3A_378, %add3A_391 : vector<16xi32>
    %select_n3A_393 = arith.select %and3A_390, %add3A_392, %rem3A_378 : vector<16xi1>, vector<16xi32>
    %mul3A_394 = arith.constant 32 : i32
    %mul3A_395 = vector.broadcast %mul3A_394 : i32 to vector<16xi32>
    %mul3A_396 = arith.muli %select_n3A_18, %mul3A_395 : vector<16xi32>
    %add3A_397 = arith.addi %mul3A_396, %iota3A : vector<16xi32>
    %mul3A_398 = arith.constant 32 : i32
    %mul3A_399 = vector.broadcast %mul3A_398 : i32 to vector<16xi32>
    %mul3A_400 = arith.muli %select_n3A_43, %mul3A_399 : vector<16xi32>
    %add3A_401 = arith.addi %mul3A_400, %iota3A : vector<16xi32>
    %mul3A_402 = arith.constant 32 : i32
    %mul3A_403 = vector.broadcast %mul3A_402 : i32 to vector<16xi32>
    %mul3A_404 = arith.muli %select_n3A_68, %mul3A_403 : vector<16xi32>
    %add3A_405 = arith.addi %mul3A_404, %iota3A : vector<16xi32>
    %mul3A_406 = arith.constant 32 : i32
    %mul3A_407 = vector.broadcast %mul3A_406 : i32 to vector<16xi32>
    %mul3A_408 = arith.muli %select_n3A_93, %mul3A_407 : vector<16xi32>
    %add3A_409 = arith.addi %mul3A_408, %iota3A : vector<16xi32>
    %mul3A_410 = arith.constant 32 : i32
    %mul3A_411 = vector.broadcast %mul3A_410 : i32 to vector<16xi32>
    %mul3A_412 = arith.muli %select_n3A_118, %mul3A_411 : vector<16xi32>
    %add3A_413 = arith.addi %mul3A_412, %iota3A : vector<16xi32>
    %mul3A_414 = arith.constant 32 : i32
    %mul3A_415 = vector.broadcast %mul3A_414 : i32 to vector<16xi32>
    %mul3A_416 = arith.muli %select_n3A_143, %mul3A_415 : vector<16xi32>
    %add3A_417 = arith.addi %mul3A_416, %iota3A : vector<16xi32>
    %mul3A_418 = arith.constant 32 : i32
    %mul3A_419 = vector.broadcast %mul3A_418 : i32 to vector<16xi32>
    %mul3A_420 = arith.muli %select_n3A_168, %mul3A_419 : vector<16xi32>
    %add3A_421 = arith.addi %mul3A_420, %iota3A : vector<16xi32>
    %mul3A_422 = arith.constant 32 : i32
    %mul3A_423 = vector.broadcast %mul3A_422 : i32 to vector<16xi32>
    %mul3A_424 = arith.muli %select_n3A_193, %mul3A_423 : vector<16xi32>
    %add3A_425 = arith.addi %mul3A_424, %iota3A : vector<16xi32>
    %mul3A_426 = arith.constant 32 : i32
    %mul3A_427 = vector.broadcast %mul3A_426 : i32 to vector<16xi32>
    %mul3A_428 = arith.muli %select_n3A_218, %mul3A_427 : vector<16xi32>
    %add3A_429 = arith.addi %mul3A_428, %iota3A : vector<16xi32>
    %mul3A_430 = arith.constant 32 : i32
    %mul3A_431 = vector.broadcast %mul3A_430 : i32 to vector<16xi32>
    %mul3A_432 = arith.muli %select_n3A_243, %mul3A_431 : vector<16xi32>
    %add3A_433 = arith.addi %mul3A_432, %iota3A : vector<16xi32>
    %mul3A_434 = arith.constant 32 : i32
    %mul3A_435 = vector.broadcast %mul3A_434 : i32 to vector<16xi32>
    %mul3A_436 = arith.muli %select_n3A_268, %mul3A_435 : vector<16xi32>
    %add3A_437 = arith.addi %mul3A_436, %iota3A : vector<16xi32>
    %mul3A_438 = arith.constant 32 : i32
    %mul3A_439 = vector.broadcast %mul3A_438 : i32 to vector<16xi32>
    %mul3A_440 = arith.muli %select_n3A_293, %mul3A_439 : vector<16xi32>
    %add3A_441 = arith.addi %mul3A_440, %iota3A : vector<16xi32>
    %mul3A_442 = arith.constant 32 : i32
    %mul3A_443 = vector.broadcast %mul3A_442 : i32 to vector<16xi32>
    %mul3A_444 = arith.muli %select_n3A_318, %mul3A_443 : vector<16xi32>
    %add3A_445 = arith.addi %mul3A_444, %iota3A : vector<16xi32>
    %mul3A_446 = arith.constant 32 : i32
    %mul3A_447 = vector.broadcast %mul3A_446 : i32 to vector<16xi32>
    %mul3A_448 = arith.muli %select_n3A_343, %mul3A_447 : vector<16xi32>
    %add3A_449 = arith.addi %mul3A_448, %iota3A : vector<16xi32>
    %mul3A_450 = arith.constant 32 : i32
    %mul3A_451 = vector.broadcast %mul3A_450 : i32 to vector<16xi32>
    %mul3A_452 = arith.muli %select_n3A_368, %mul3A_451 : vector<16xi32>
    %add3A_453 = arith.addi %mul3A_452, %iota3A : vector<16xi32>
    %mul3A_454 = arith.constant 32 : i32
    %mul3A_455 = vector.broadcast %mul3A_454 : i32 to vector<16xi32>
    %mul3A_456 = arith.muli %select_n3A_393, %mul3A_455 : vector<16xi32>
    %add3A_457 = arith.addi %mul3A_456, %iota3A : vector<16xi32>
    %sub3A = arith.constant 7812 : i32
    %sub3A_458 = arith.subi %sub3A, %add3A : i32
    %add3A_459 = arith.constant 32 : i32
    %add3A_460 = arith.addi %sub3A_458, %add3A_459 : i32
    %sub3A_461 = arith.constant 1 : i32
    %sub3A_462 = arith.subi %add3A_460, %sub3A_461 : i32
    %jit3A_463 = arith.constant 32 : i32
    %div3A = arith.divsi %sub3A_462, %jit3A_463 : i32
    %sign3A = arith.constant 0 : i32
    %sign3A_464 = arith.cmpi sgt, %sub3A_462, %sign3A : i32
    %sign3A_465 = arith.extui %sign3A_464 : i1 to i32
    %sign3A_466 = arith.constant 0 : i32
    %sign3A_467 = arith.cmpi slt, %sub3A_462, %sign3A_466 : i32
    %sign3A_468 = arith.extui %sign3A_467 : i1 to i32
    %sign3A_469 = arith.subi %sign3A_465, %sign3A_468 : i32
    %sign3A_470 = arith.constant 0 : i32
    %sign3A_471 = arith.cmpi sgt, %jit3A_463, %sign3A_470 : i32
    %sign3A_472 = arith.extui %sign3A_471 : i1 to i32
    %sign3A_473 = arith.constant 0 : i32
    %sign3A_474 = arith.cmpi slt, %jit3A_463, %sign3A_473 : i32
    %sign3A_475 = arith.extui %sign3A_474 : i1 to i32
    %sign3A_476 = arith.subi %sign3A_472, %sign3A_475 : i32
    %ne3A_477 = arith.cmpi ne, %sign3A_469, %sign3A_476 : i32
    %rem3A_478 = arith.remsi %sub3A_462, %jit3A_463 : i32
    %ne3A_479 = arith.constant 0 : i32
    %ne3A_480 = arith.cmpi ne, %rem3A_478, %ne3A_479 : i32
    %and3A_481 = arith.andi %ne3A_477, %ne3A_480 : i1
    %sub3A_482 = arith.constant 1 : i32
    %sub3A_483 = arith.subi %div3A, %sub3A_482 : i32
    %select_n3A_484 = arith.select %and3A_481, %sub3A_483, %div3A : i32
    %gt3A = arith.constant 0 : i32
    %gt3A_485 = arith.cmpi sgt, %select_n3A_484, %gt3A : i32
    %convert_element_type3A = arith.extui %gt3A_485 : i1 to i32
    %cond3A = arith.constant 0 : i32
    %cond3A_486 = arith.cmpi ne, %convert_element_type3A, %cond3A : i32
    scf.if %cond3A_486 {
      %mul3A_515 = arith.constant 128 : i32
      %mul3A_516 = arith.muli %add3A, %mul3A_515 : i32
      %dma_start3A = arith.constant 0 : i32
      %dma_start3A_517 = tpu.memref_slice %arg2[%dma_start3A, %mul3A_516] : memref<32x1000000xf32, #tpu.memory_space<hbm>> -> memref<32x128xf32, #tpu.memory_space<hbm>>
      %dma_start3A_518 = arith.constant 0 : i32
      %dma_start3A_519 = tpu.memref_slice %arg2[%dma_start3A_518, %mul3A_516] : memref<32x1000000xf32, #tpu.memory_space<hbm>> -> memref<32x128xf32, #tpu.memory_space<hbm>>
      tpu.enqueue_dma source(%dma_start3A_519 : memref<32x128xf32, #tpu.memory_space<hbm>>) target(%arg7 : memref<32x128xf32, #tpu.memory_space<vmem>>) target_semaphore(%arg12 : memref<!tpu.dma_semaphore, #tpu.memory_space<semaphore_mem>>)
    } else {
    }
    %gt3A_487 = arith.constant 1 : i32
    %gt3A_488 = arith.cmpi sgt, %select_n3A_484, %gt3A_487 : i32
    %convert_element_type3A_489 = arith.extui %gt3A_488 : i1 to i32
    %cond3A_490 = arith.constant 0 : i32
    %cond3A_491 = arith.cmpi ne, %convert_element_type3A_489, %cond3A_490 : i32
    scf.if %cond3A_491 {
      %add3A_515 = arith.constant 32 : i32
      %add3A_516 = arith.addi %add3A_515, %add3A : i32
      %mul3A_517 = arith.constant 128 : i32
      %mul3A_518 = arith.muli %add3A_516, %mul3A_517 : i32
      %dma_start3A = arith.constant 0 : i32
      %dma_start3A_519 = tpu.memref_slice %arg2[%dma_start3A, %mul3A_518] : memref<32x1000000xf32, #tpu.memory_space<hbm>> -> memref<32x128xf32, #tpu.memory_space<hbm>>
      %dma_start3A_520 = arith.constant 0 : i32
      %dma_start3A_521 = tpu.memref_slice %arg2[%dma_start3A_520, %mul3A_518] : memref<32x1000000xf32, #tpu.memory_space<hbm>> -> memref<32x128xf32, #tpu.memory_space<hbm>>
      tpu.enqueue_dma source(%dma_start3A_521 : memref<32x128xf32, #tpu.memory_space<hbm>>) target(%arg8 : memref<32x128xf32, #tpu.memory_space<vmem>>) target_semaphore(%arg12 : memref<!tpu.dma_semaphore, #tpu.memory_space<semaphore_mem>>)
    } else {
    }
    %scan3A = arith.constant 0 : i32
    %scan3A_492 = arith.constant 123 : i32
    %scan3A_493 = arith.addi %scan3A, %scan3A_492 : i32
    %scan3A_494 = arith.constant 1 : i32
    scf.for %scan3A_515 = %scan3A to %scan3A_493 step %scan3A_494  : i32 {
      %mul3A_516 = arith.constant 2 : i32
      %mul3A_517 = arith.muli %scan3A_515, %mul3A_516 : i32
      %add3A_518 = arith.constant 0 : i32
      %add3A_519 = arith.addi %add3A_518, %mul3A_517 : i32
      %add3A_520 = arith.constant 0 : i32
      %add3A_521 = arith.addi %add3A_519, %add3A_520 : i32
      %lt3A_522 = arith.cmpi slt, %add3A_521, %select_n3A_484 : i32
      %convert_element_type3A_523 = arith.extui %lt3A_522 : i1 to i32
      %cond3A_524 = arith.constant 0 : i32
      %cond3A_525 = arith.cmpi ne, %convert_element_type3A_523, %cond3A_524 : i32
      scf.if %cond3A_525 {
        %dma_wait3A = arith.constant 0 : i32
        %dma_wait3A_532 = arith.constant 0 : i32
        %dma_wait3A_533 = tpu.memref_slice %arg2[%dma_wait3A, %dma_wait3A_532] : memref<32x1000000xf32, #tpu.memory_space<hbm>> -> memref<32x128xf32, #tpu.memory_space<hbm>>
        %dma_wait3A_534 = arith.constant 0 : i32
        %dma_wait3A_535 = arith.constant 0 : i32
        %dma_wait3A_536 = tpu.memref_slice %arg2[%dma_wait3A_534, %dma_wait3A_535] : memref<32x1000000xf32, #tpu.memory_space<hbm>> -> memref<32x128xf32, #tpu.memory_space<hbm>>
        tpu.wait_dma2 semaphore(%arg12 : memref<!tpu.dma_semaphore, #tpu.memory_space<semaphore_mem>>) src(%dma_wait3A_536 : memref<32x128xf32, #tpu.memory_space<hbm>>) dst(%arg7 : memref<32x128xf32, #tpu.memory_space<vmem>>)
        %ge3A_537 = arith.constant 2 : i32
        %ge3A_538 = arith.cmpi sge, %add3A_521, %ge3A_537 : i32
        %convert_element_type3A_539 = arith.extui %ge3A_538 : i1 to i32
        %cond3A_540 = arith.constant 0 : i32
        %cond3A_541 = arith.cmpi ne, %convert_element_type3A_539, %cond3A_540 : i32
        scf.if %cond3A_541 {
          %dma_wait3A_559 = arith.constant 0 : i32
          %dma_wait3A_560 = tpu.memref_slice %arg5[%dma_wait3A_559] : memref<32000000xf32, #tpu.memory_space<hbm>> -> memref<4096xf32, #tpu.memory_space<hbm>>
          %dma_wait3A_561 = arith.constant 0 : i32
          %dma_wait3A_562 = tpu.memref_slice %arg5[%dma_wait3A_561] : memref<32000000xf32, #tpu.memory_space<hbm>> -> memref<4096xf32, #tpu.memory_space<hbm>>
          tpu.wait_dma2 semaphore(%arg13 : memref<!tpu.dma_semaphore, #tpu.memory_space<semaphore_mem>>) src(%arg9 : memref<4096xf32, #tpu.memory_space<vmem>>) dst(%dma_wait3A_562 : memref<4096xf32, #tpu.memory_space<hbm>>)
        } else {
        }
        %scan3A_542 = arith.constant 0 : i32
        %scan3A_543 = arith.constant 8 : i32
        %scan3A_544 = arith.addi %scan3A_542, %scan3A_543 : i32
        %scan3A_545 = arith.constant 1 : i32
        scf.for %scan3A_559 = %scan3A_542 to %scan3A_544 step %scan3A_545  : i32 {
          %mul3A_560 = arith.constant 1 : i32
          %mul3A_561 = arith.muli %scan3A_559, %mul3A_560 : i32
          %add3A_562 = arith.constant 0 : i32
          %add3A_563 = arith.addi %add3A_562, %mul3A_561 : i32
          %mul3A_564 = arith.constant 16 : i32
          %mul3A_565 = arith.muli %add3A_563, %mul3A_564 : i32
          %add3A_566 = arith.constant 0 : i32
          %add3A_567 = vector.broadcast %add3A_566 : i32 to vector<16xi32>
          %add3A_568 = arith.addi %iota3A, %add3A_567 : vector<16xi32>
          %add3A_569 = vector.broadcast %mul3A_565 : i32 to vector<16xi32>
          %add3A_570 = arith.addi %add3A_569, %select_n3A_18 : vector<16xi32>
          %gather3A = tpu.vector_load_idx %arg7[%add3A_568, %add3A_570] : memref<32x128xf32, #tpu.memory_space<vmem>>[vector<16xi32>, vector<16xi32>], vector<16xf32>,
          %mul3A_571 = arith.constant 32 : i32
          %mul3A_572 = arith.muli %mul3A_565, %mul3A_571 : i32
          %add3A_573 = arith.constant 0 : i32
          %add3A_574 = arith.addi %mul3A_572, %add3A_573 : i32
          %add3A_575 = vector.broadcast %add3A_574 : i32 to vector<16xi32>
          %add3A_576 = arith.addi %add3A_397, %add3A_575 : vector<16xi32>
          tpu.vector_store_idx %arg9[%add3A_576], %gather3A : memref<4096xf32, #tpu.memory_space<vmem>>[vector<16xi32>], vector<16xf32>,
          %add3A_577 = vector.broadcast %mul3A_565 : i32 to vector<16xi32>
          %add3A_578 = arith.addi %add3A_577, %select_n3A_43 : vector<16xi32>
          %gather3A_579 = tpu.vector_load_idx %arg7[%add3A_568, %add3A_578] : memref<32x128xf32, #tpu.memory_space<vmem>>[vector<16xi32>, vector<16xi32>], vector<16xf32>,
          %mul3A_580 = arith.constant 32 : i32
          %mul3A_581 = arith.muli %mul3A_565, %mul3A_580 : i32
          %add3A_582 = arith.constant 0 : i32
          %add3A_583 = arith.addi %mul3A_581, %add3A_582 : i32
          %add3A_584 = vector.broadcast %add3A_583 : i32 to vector<16xi32>
          %add3A_585 = arith.addi %add3A_401, %add3A_584 : vector<16xi32>
          tpu.vector_store_idx %arg9[%add3A_585], %gather3A_579 : memref<4096xf32, #tpu.memory_space<vmem>>[vector<16xi32>], vector<16xf32>,
          %add3A_586 = vector.broadcast %mul3A_565 : i32 to vector<16xi32>
          %add3A_587 = arith.addi %add3A_586, %select_n3A_68 : vector<16xi32>
          %gather3A_588 = tpu.vector_load_idx %arg7[%add3A_568, %add3A_587] : memref<32x128xf32, #tpu.memory_space<vmem>>[vector<16xi32>, vector<16xi32>], vector<16xf32>,
          %mul3A_589 = arith.constant 32 : i32
          %mul3A_590 = arith.muli %mul3A_565, %mul3A_589 : i32
          %add3A_591 = arith.constant 0 : i32
          %add3A_592 = arith.addi %mul3A_590, %add3A_591 : i32
          %add3A_593 = vector.broadcast %add3A_592 : i32 to vector<16xi32>
          %add3A_594 = arith.addi %add3A_405, %add3A_593 : vector<16xi32>
          tpu.vector_store_idx %arg9[%add3A_594], %gather3A_588 : memref<4096xf32, #tpu.memory_space<vmem>>[vector<16xi32>], vector<16xf32>,
          %add3A_595 = vector.broadcast %mul3A_565 : i32 to vector<16xi32>
          %add3A_596 = arith.addi %add3A_595, %select_n3A_93 : vector<16xi32>
          %gather3A_597 = tpu.vector_load_idx %arg7[%add3A_568, %add3A_596] : memref<32x128xf32, #tpu.memory_space<vmem>>[vector<16xi32>, vector<16xi32>], vector<16xf32>,
          %mul3A_598 = arith.constant 32 : i32
          %mul3A_599 = arith.muli %mul3A_565, %mul3A_598 : i32
          %add3A_600 = arith.constant 0 : i32
          %add3A_601 = arith.addi %mul3A_599, %add3A_600 : i32
          %add3A_602 = vector.broadcast %add3A_601 : i32 to vector<16xi32>
          %add3A_603 = arith.addi %add3A_409, %add3A_602 : vector<16xi32>
          tpu.vector_store_idx %arg9[%add3A_603], %gather3A_597 : memref<4096xf32, #tpu.memory_space<vmem>>[vector<16xi32>], vector<16xf32>,
          %add3A_604 = vector.broadcast %mul3A_565 : i32 to vector<16xi32>
          %add3A_605 = arith.addi %add3A_604, %select_n3A_118 : vector<16xi32>
          %gather3A_606 = tpu.vector_load_idx %arg7[%add3A_568, %add3A_605] : memref<32x128xf32, #tpu.memory_space<vmem>>[vector<16xi32>, vector<16xi32>], vector<16xf32>,
          %mul3A_607 = arith.constant 32 : i32
          %mul3A_608 = arith.muli %mul3A_565, %mul3A_607 : i32
          %add3A_609 = arith.constant 0 : i32
          %add3A_610 = arith.addi %mul3A_608, %add3A_609 : i32
          %add3A_611 = vector.broadcast %add3A_610 : i32 to vector<16xi32>
          %add3A_612 = arith.addi %add3A_413, %add3A_611 : vector<16xi32>
          tpu.vector_store_idx %arg9[%add3A_612], %gather3A_606 : memref<4096xf32, #tpu.memory_space<vmem>>[vector<16xi32>], vector<16xf32>,
          %add3A_613 = vector.broadcast %mul3A_565 : i32 to vector<16xi32>
          %add3A_614 = arith.addi %add3A_613, %select_n3A_143 : vector<16xi32>
          %gather3A_615 = tpu.vector_load_idx %arg7[%add3A_568, %add3A_614] : memref<32x128xf32, #tpu.memory_space<vmem>>[vector<16xi32>, vector<16xi32>], vector<16xf32>,
          %mul3A_616 = arith.constant 32 : i32
          %mul3A_617 = arith.muli %mul3A_565, %mul3A_616 : i32
          %add3A_618 = arith.constant 0 : i32
          %add3A_619 = arith.addi %mul3A_617, %add3A_618 : i32
          %add3A_620 = vector.broadcast %add3A_619 : i32 to vector<16xi32>
          %add3A_621 = arith.addi %add3A_417, %add3A_620 : vector<16xi32>
          tpu.vector_store_idx %arg9[%add3A_621], %gather3A_615 : memref<4096xf32, #tpu.memory_space<vmem>>[vector<16xi32>], vector<16xf32>,
          %add3A_622 = vector.broadcast %mul3A_565 : i32 to vector<16xi32>
          %add3A_623 = arith.addi %add3A_622, %select_n3A_168 : vector<16xi32>
          %gather3A_624 = tpu.vector_load_idx %arg7[%add3A_568, %add3A_623] : memref<32x128xf32, #tpu.memory_space<vmem>>[vector<16xi32>, vector<16xi32>], vector<16xf32>,
          %mul3A_625 = arith.constant 32 : i32
          %mul3A_626 = arith.muli %mul3A_565, %mul3A_625 : i32
          %add3A_627 = arith.constant 0 : i32
          %add3A_628 = arith.addi %mul3A_626, %add3A_627 : i32
          %add3A_629 = vector.broadcast %add3A_628 : i32 to vector<16xi32>
          %add3A_630 = arith.addi %add3A_421, %add3A_629 : vector<16xi32>
          tpu.vector_store_idx %arg9[%add3A_630], %gather3A_624 : memref<4096xf32, #tpu.memory_space<vmem>>[vector<16xi32>], vector<16xf32>,
          %add3A_631 = vector.broadcast %mul3A_565 : i32 to vector<16xi32>
          %add3A_632 = arith.addi %add3A_631, %select_n3A_193 : vector<16xi32>
          %gather3A_633 = tpu.vector_load_idx %arg7[%add3A_568, %add3A_632] : memref<32x128xf32, #tpu.memory_space<vmem>>[vector<16xi32>, vector<16xi32>], vector<16xf32>,
          %mul3A_634 = arith.constant 32 : i32
          %mul3A_635 = arith.muli %mul3A_565, %mul3A_634 : i32
          %add3A_636 = arith.constant 0 : i32
          %add3A_637 = arith.addi %mul3A_635, %add3A_636 : i32
          %add3A_638 = vector.broadcast %add3A_637 : i32 to vector<16xi32>
          %add3A_639 = arith.addi %add3A_425, %add3A_638 : vector<16xi32>
          tpu.vector_store_idx %arg9[%add3A_639], %gather3A_633 : memref<4096xf32, #tpu.memory_space<vmem>>[vector<16xi32>], vector<16xf32>,
          %add3A_640 = vector.broadcast %mul3A_565 : i32 to vector<16xi32>
          %add3A_641 = arith.addi %add3A_640, %select_n3A_218 : vector<16xi32>
          %gather3A_642 = tpu.vector_load_idx %arg7[%add3A_568, %add3A_641] : memref<32x128xf32, #tpu.memory_space<vmem>>[vector<16xi32>, vector<16xi32>], vector<16xf32>,
          %mul3A_643 = arith.constant 32 : i32
          %mul3A_644 = arith.muli %mul3A_565, %mul3A_643 : i32
          %add3A_645 = arith.constant 0 : i32
          %add3A_646 = arith.addi %mul3A_644, %add3A_645 : i32
          %add3A_647 = vector.broadcast %add3A_646 : i32 to vector<16xi32>
          %add3A_648 = arith.addi %add3A_429, %add3A_647 : vector<16xi32>
          tpu.vector_store_idx %arg9[%add3A_648], %gather3A_642 : memref<4096xf32, #tpu.memory_space<vmem>>[vector<16xi32>], vector<16xf32>,
          %add3A_649 = vector.broadcast %mul3A_565 : i32 to vector<16xi32>
          %add3A_650 = arith.addi %add3A_649, %select_n3A_243 : vector<16xi32>
          %gather3A_651 = tpu.vector_load_idx %arg7[%add3A_568, %add3A_650] : memref<32x128xf32, #tpu.memory_space<vmem>>[vector<16xi32>, vector<16xi32>], vector<16xf32>,
          %mul3A_652 = arith.constant 32 : i32
          %mul3A_653 = arith.muli %mul3A_565, %mul3A_652 : i32
          %add3A_654 = arith.constant 0 : i32
          %add3A_655 = arith.addi %mul3A_653, %add3A_654 : i32
          %add3A_656 = vector.broadcast %add3A_655 : i32 to vector<16xi32>
          %add3A_657 = arith.addi %add3A_433, %add3A_656 : vector<16xi32>
          tpu.vector_store_idx %arg9[%add3A_657], %gather3A_651 : memref<4096xf32, #tpu.memory_space<vmem>>[vector<16xi32>], vector<16xf32>,
          %add3A_658 = vector.broadcast %mul3A_565 : i32 to vector<16xi32>
          %add3A_659 = arith.addi %add3A_658, %select_n3A_268 : vector<16xi32>
          %gather3A_660 = tpu.vector_load_idx %arg7[%add3A_568, %add3A_659] : memref<32x128xf32, #tpu.memory_space<vmem>>[vector<16xi32>, vector<16xi32>], vector<16xf32>,
          %mul3A_661 = arith.constant 32 : i32
          %mul3A_662 = arith.muli %mul3A_565, %mul3A_661 : i32
          %add3A_663 = arith.constant 0 : i32
          %add3A_664 = arith.addi %mul3A_662, %add3A_663 : i32
          %add3A_665 = vector.broadcast %add3A_664 : i32 to vector<16xi32>
          %add3A_666 = arith.addi %add3A_437, %add3A_665 : vector<16xi32>
          tpu.vector_store_idx %arg9[%add3A_666], %gather3A_660 : memref<4096xf32, #tpu.memory_space<vmem>>[vector<16xi32>], vector<16xf32>,
          %add3A_667 = vector.broadcast %mul3A_565 : i32 to vector<16xi32>
          %add3A_668 = arith.addi %add3A_667, %select_n3A_293 : vector<16xi32>
          %gather3A_669 = tpu.vector_load_idx %arg7[%add3A_568, %add3A_668] : memref<32x128xf32, #tpu.memory_space<vmem>>[vector<16xi32>, vector<16xi32>], vector<16xf32>,
          %mul3A_670 = arith.constant 32 : i32
          %mul3A_671 = arith.muli %mul3A_565, %mul3A_670 : i32
          %add3A_672 = arith.constant 0 : i32
          %add3A_673 = arith.addi %mul3A_671, %add3A_672 : i32
          %add3A_674 = vector.broadcast %add3A_673 : i32 to vector<16xi32>
          %add3A_675 = arith.addi %add3A_441, %add3A_674 : vector<16xi32>
          tpu.vector_store_idx %arg9[%add3A_675], %gather3A_669 : memref<4096xf32, #tpu.memory_space<vmem>>[vector<16xi32>], vector<16xf32>,
          %add3A_676 = vector.broadcast %mul3A_565 : i32 to vector<16xi32>
          %add3A_677 = arith.addi %add3A_676, %select_n3A_318 : vector<16xi32>
          %gather3A_678 = tpu.vector_load_idx %arg7[%add3A_568, %add3A_677] : memref<32x128xf32, #tpu.memory_space<vmem>>[vector<16xi32>, vector<16xi32>], vector<16xf32>,
          %mul3A_679 = arith.constant 32 : i32
          %mul3A_680 = arith.muli %mul3A_565, %mul3A_679 : i32
          %add3A_681 = arith.constant 0 : i32
          %add3A_682 = arith.addi %mul3A_680, %add3A_681 : i32
          %add3A_683 = vector.broadcast %add3A_682 : i32 to vector<16xi32>
          %add3A_684 = arith.addi %add3A_445, %add3A_683 : vector<16xi32>
          tpu.vector_store_idx %arg9[%add3A_684], %gather3A_678 : memref<4096xf32, #tpu.memory_space<vmem>>[vector<16xi32>], vector<16xf32>,
          %add3A_685 = vector.broadcast %mul3A_565 : i32 to vector<16xi32>
          %add3A_686 = arith.addi %add3A_685, %select_n3A_343 : vector<16xi32>
          %gather3A_687 = tpu.vector_load_idx %arg7[%add3A_568, %add3A_686] : memref<32x128xf32, #tpu.memory_space<vmem>>[vector<16xi32>, vector<16xi32>], vector<16xf32>,
          %mul3A_688 = arith.constant 32 : i32
          %mul3A_689 = arith.muli %mul3A_565, %mul3A_688 : i32
          %add3A_690 = arith.constant 0 : i32
          %add3A_691 = arith.addi %mul3A_689, %add3A_690 : i32
          %add3A_692 = vector.broadcast %add3A_691 : i32 to vector<16xi32>
          %add3A_693 = arith.addi %add3A_449, %add3A_692 : vector<16xi32>
          tpu.vector_store_idx %arg9[%add3A_693], %gather3A_687 : memref<4096xf32, #tpu.memory_space<vmem>>[vector<16xi32>], vector<16xf32>,
          %add3A_694 = vector.broadcast %mul3A_565 : i32 to vector<16xi32>
          %add3A_695 = arith.addi %add3A_694, %select_n3A_368 : vector<16xi32>
          %gather3A_696 = tpu.vector_load_idx %arg7[%add3A_568, %add3A_695] : memref<32x128xf32, #tpu.memory_space<vmem>>[vector<16xi32>, vector<16xi32>], vector<16xf32>,
          %mul3A_697 = arith.constant 32 : i32
          %mul3A_698 = arith.muli %mul3A_565, %mul3A_697 : i32
          %add3A_699 = arith.constant 0 : i32
          %add3A_700 = arith.addi %mul3A_698, %add3A_699 : i32
          %add3A_701 = vector.broadcast %add3A_700 : i32 to vector<16xi32>
          %add3A_702 = arith.addi %add3A_453, %add3A_701 : vector<16xi32>
          tpu.vector_store_idx %arg9[%add3A_702], %gather3A_696 : memref<4096xf32, #tpu.memory_space<vmem>>[vector<16xi32>], vector<16xf32>,
          %add3A_703 = vector.broadcast %mul3A_565 : i32 to vector<16xi32>
          %add3A_704 = arith.addi %add3A_703, %select_n3A_393 : vector<16xi32>
          %gather3A_705 = tpu.vector_load_idx %arg7[%add3A_568, %add3A_704] : memref<32x128xf32, #tpu.memory_space<vmem>>[vector<16xi32>, vector<16xi32>], vector<16xf32>,
          %mul3A_706 = arith.constant 32 : i32
          %mul3A_707 = arith.muli %mul3A_565, %mul3A_706 : i32
          %add3A_708 = arith.constant 0 : i32
          %add3A_709 = arith.addi %mul3A_707, %add3A_708 : i32
          %add3A_710 = vector.broadcast %add3A_709 : i32 to vector<16xi32>
          %add3A_711 = arith.addi %add3A_457, %add3A_710 : vector<16xi32>
          tpu.vector_store_idx %arg9[%add3A_711], %gather3A_705 : memref<4096xf32, #tpu.memory_space<vmem>>[vector<16xi32>], vector<16xf32>,
          %add3A_712 = arith.constant 16 : i32
          %add3A_713 = vector.broadcast %add3A_712 : i32 to vector<16xi32>
          %add3A_714 = arith.addi %iota3A, %add3A_713 : vector<16xi32>
          %add3A_715 = vector.broadcast %mul3A_565 : i32 to vector<16xi32>
          %add3A_716 = arith.addi %add3A_715, %select_n3A_18 : vector<16xi32>
          %gather3A_717 = tpu.vector_load_idx %arg7[%add3A_714, %add3A_716] : memref<32x128xf32, #tpu.memory_space<vmem>>[vector<16xi32>, vector<16xi32>], vector<16xf32>,
          %mul3A_718 = arith.constant 32 : i32
          %mul3A_719 = arith.muli %mul3A_565, %mul3A_718 : i32
          %add3A_720 = arith.constant 16 : i32
          %add3A_721 = arith.addi %mul3A_719, %add3A_720 : i32
          %add3A_722 = vector.broadcast %add3A_721 : i32 to vector<16xi32>
          %add3A_723 = arith.addi %add3A_397, %add3A_722 : vector<16xi32>
          tpu.vector_store_idx %arg9[%add3A_723], %gather3A_717 : memref<4096xf32, #tpu.memory_space<vmem>>[vector<16xi32>], vector<16xf32>,
          %add3A_724 = vector.broadcast %mul3A_565 : i32 to vector<16xi32>
          %add3A_725 = arith.addi %add3A_724, %select_n3A_43 : vector<16xi32>
          %gather3A_726 = tpu.vector_load_idx %arg7[%add3A_714, %add3A_725] : memref<32x128xf32, #tpu.memory_space<vmem>>[vector<16xi32>, vector<16xi32>], vector<16xf32>,
          %mul3A_727 = arith.constant 32 : i32
          %mul3A_728 = arith.muli %mul3A_565, %mul3A_727 : i32
          %add3A_729 = arith.constant 16 : i32
          %add3A_730 = arith.addi %mul3A_728, %add3A_729 : i32
          %add3A_731 = vector.broadcast %add3A_730 : i32 to vector<16xi32>
          %add3A_732 = arith.addi %add3A_401, %add3A_731 : vector<16xi32>
          tpu.vector_store_idx %arg9[%add3A_732], %gather3A_726 : memref<4096xf32, #tpu.memory_space<vmem>>[vector<16xi32>], vector<16xf32>,
          %add3A_733 = vector.broadcast %mul3A_565 : i32 to vector<16xi32>
          %add3A_734 = arith.addi %add3A_733, %select_n3A_68 : vector<16xi32>
          %gather3A_735 = tpu.vector_load_idx %arg7[%add3A_714, %add3A_734] : memref<32x128xf32, #tpu.memory_space<vmem>>[vector<16xi32>, vector<16xi32>], vector<16xf32>,
          %mul3A_736 = arith.constant 32 : i32
          %mul3A_737 = arith.muli %mul3A_565, %mul3A_736 : i32
          %add3A_738 = arith.constant 16 : i32
          %add3A_739 = arith.addi %mul3A_737, %add3A_738 : i32
          %add3A_740 = vector.broadcast %add3A_739 : i32 to vector<16xi32>
          %add3A_741 = arith.addi %add3A_405, %add3A_740 : vector<16xi32>
          tpu.vector_store_idx %arg9[%add3A_741], %gather3A_735 : memref<4096xf32, #tpu.memory_space<vmem>>[vector<16xi32>], vector<16xf32>,
          %add3A_742 = vector.broadcast %mul3A_565 : i32 to vector<16xi32>
          %add3A_743 = arith.addi %add3A_742, %select_n3A_93 : vector<16xi32>
          %gather3A_744 = tpu.vector_load_idx %arg7[%add3A_714, %add3A_743] : memref<32x128xf32, #tpu.memory_space<vmem>>[vector<16xi32>, vector<16xi32>], vector<16xf32>,
          %mul3A_745 = arith.constant 32 : i32
          %mul3A_746 = arith.muli %mul3A_565, %mul3A_745 : i32
          %add3A_747 = arith.constant 16 : i32
          %add3A_748 = arith.addi %mul3A_746, %add3A_747 : i32
          %add3A_749 = vector.broadcast %add3A_748 : i32 to vector<16xi32>
          %add3A_750 = arith.addi %add3A_409, %add3A_749 : vector<16xi32>
          tpu.vector_store_idx %arg9[%add3A_750], %gather3A_744 : memref<4096xf32, #tpu.memory_space<vmem>>[vector<16xi32>], vector<16xf32>,
          %add3A_751 = vector.broadcast %mul3A_565 : i32 to vector<16xi32>
          %add3A_752 = arith.addi %add3A_751, %select_n3A_118 : vector<16xi32>
          %gather3A_753 = tpu.vector_load_idx %arg7[%add3A_714, %add3A_752] : memref<32x128xf32, #tpu.memory_space<vmem>>[vector<16xi32>, vector<16xi32>], vector<16xf32>,
          %mul3A_754 = arith.constant 32 : i32
          %mul3A_755 = arith.muli %mul3A_565, %mul3A_754 : i32
          %add3A_756 = arith.constant 16 : i32
          %add3A_757 = arith.addi %mul3A_755, %add3A_756 : i32
          %add3A_758 = vector.broadcast %add3A_757 : i32 to vector<16xi32>
          %add3A_759 = arith.addi %add3A_413, %add3A_758 : vector<16xi32>
          tpu.vector_store_idx %arg9[%add3A_759], %gather3A_753 : memref<4096xf32, #tpu.memory_space<vmem>>[vector<16xi32>], vector<16xf32>,
          %add3A_760 = vector.broadcast %mul3A_565 : i32 to vector<16xi32>
          %add3A_761 = arith.addi %add3A_760, %select_n3A_143 : vector<16xi32>
          %gather3A_762 = tpu.vector_load_idx %arg7[%add3A_714, %add3A_761] : memref<32x128xf32, #tpu.memory_space<vmem>>[vector<16xi32>, vector<16xi32>], vector<16xf32>,
          %mul3A_763 = arith.constant 32 : i32
          %mul3A_764 = arith.muli %mul3A_565, %mul3A_763 : i32
          %add3A_765 = arith.constant 16 : i32
          %add3A_766 = arith.addi %mul3A_764, %add3A_765 : i32
          %add3A_767 = vector.broadcast %add3A_766 : i32 to vector<16xi32>
          %add3A_768 = arith.addi %add3A_417, %add3A_767 : vector<16xi32>
          tpu.vector_store_idx %arg9[%add3A_768], %gather3A_762 : memref<4096xf32, #tpu.memory_space<vmem>>[vector<16xi32>], vector<16xf32>,
          %add3A_769 = vector.broadcast %mul3A_565 : i32 to vector<16xi32>
          %add3A_770 = arith.addi %add3A_769, %select_n3A_168 : vector<16xi32>
          %gather3A_771 = tpu.vector_load_idx %arg7[%add3A_714, %add3A_770] : memref<32x128xf32, #tpu.memory_space<vmem>>[vector<16xi32>, vector<16xi32>], vector<16xf32>,
          %mul3A_772 = arith.constant 32 : i32
          %mul3A_773 = arith.muli %mul3A_565, %mul3A_772 : i32
          %add3A_774 = arith.constant 16 : i32
          %add3A_775 = arith.addi %mul3A_773, %add3A_774 : i32
          %add3A_776 = vector.broadcast %add3A_775 : i32 to vector<16xi32>
          %add3A_777 = arith.addi %add3A_421, %add3A_776 : vector<16xi32>
          tpu.vector_store_idx %arg9[%add3A_777], %gather3A_771 : memref<4096xf32, #tpu.memory_space<vmem>>[vector<16xi32>], vector<16xf32>,
          %add3A_778 = vector.broadcast %mul3A_565 : i32 to vector<16xi32>
          %add3A_779 = arith.addi %add3A_778, %select_n3A_193 : vector<16xi32>
          %gather3A_780 = tpu.vector_load_idx %arg7[%add3A_714, %add3A_779] : memref<32x128xf32, #tpu.memory_space<vmem>>[vector<16xi32>, vector<16xi32>], vector<16xf32>,
          %mul3A_781 = arith.constant 32 : i32
          %mul3A_782 = arith.muli %mul3A_565, %mul3A_781 : i32
          %add3A_783 = arith.constant 16 : i32
          %add3A_784 = arith.addi %mul3A_782, %add3A_783 : i32
          %add3A_785 = vector.broadcast %add3A_784 : i32 to vector<16xi32>
          %add3A_786 = arith.addi %add3A_425, %add3A_785 : vector<16xi32>
          tpu.vector_store_idx %arg9[%add3A_786], %gather3A_780 : memref<4096xf32, #tpu.memory_space<vmem>>[vector<16xi32>], vector<16xf32>,
          %add3A_787 = vector.broadcast %mul3A_565 : i32 to vector<16xi32>
          %add3A_788 = arith.addi %add3A_787, %select_n3A_218 : vector<16xi32>
          %gather3A_789 = tpu.vector_load_idx %arg7[%add3A_714, %add3A_788] : memref<32x128xf32, #tpu.memory_space<vmem>>[vector<16xi32>, vector<16xi32>], vector<16xf32>,
          %mul3A_790 = arith.constant 32 : i32
          %mul3A_791 = arith.muli %mul3A_565, %mul3A_790 : i32
          %add3A_792 = arith.constant 16 : i32
          %add3A_793 = arith.addi %mul3A_791, %add3A_792 : i32
          %add3A_794 = vector.broadcast %add3A_793 : i32 to vector<16xi32>
          %add3A_795 = arith.addi %add3A_429, %add3A_794 : vector<16xi32>
          tpu.vector_store_idx %arg9[%add3A_795], %gather3A_789 : memref<4096xf32, #tpu.memory_space<vmem>>[vector<16xi32>], vector<16xf32>,
          %add3A_796 = vector.broadcast %mul3A_565 : i32 to vector<16xi32>
          %add3A_797 = arith.addi %add3A_796, %select_n3A_243 : vector<16xi32>
          %gather3A_798 = tpu.vector_load_idx %arg7[%add3A_714, %add3A_797] : memref<32x128xf32, #tpu.memory_space<vmem>>[vector<16xi32>, vector<16xi32>], vector<16xf32>,
          %mul3A_799 = arith.constant 32 : i32
          %mul3A_800 = arith.muli %mul3A_565, %mul3A_799 : i32
          %add3A_801 = arith.constant 16 : i32
          %add3A_802 = arith.addi %mul3A_800, %add3A_801 : i32
          %add3A_803 = vector.broadcast %add3A_802 : i32 to vector<16xi32>
          %add3A_804 = arith.addi %add3A_433, %add3A_803 : vector<16xi32>
          tpu.vector_store_idx %arg9[%add3A_804], %gather3A_798 : memref<4096xf32, #tpu.memory_space<vmem>>[vector<16xi32>], vector<16xf32>,
          %add3A_805 = vector.broadcast %mul3A_565 : i32 to vector<16xi32>
          %add3A_806 = arith.addi %add3A_805, %select_n3A_268 : vector<16xi32>
          %gather3A_807 = tpu.vector_load_idx %arg7[%add3A_714, %add3A_806] : memref<32x128xf32, #tpu.memory_space<vmem>>[vector<16xi32>, vector<16xi32>], vector<16xf32>,
          %mul3A_808 = arith.constant 32 : i32
          %mul3A_809 = arith.muli %mul3A_565, %mul3A_808 : i32
          %add3A_810 = arith.constant 16 : i32
          %add3A_811 = arith.addi %mul3A_809, %add3A_810 : i32
          %add3A_812 = vector.broadcast %add3A_811 : i32 to vector<16xi32>
          %add3A_813 = arith.addi %add3A_437, %add3A_812 : vector<16xi32>
          tpu.vector_store_idx %arg9[%add3A_813], %gather3A_807 : memref<4096xf32, #tpu.memory_space<vmem>>[vector<16xi32>], vector<16xf32>,
          %add3A_814 = vector.broadcast %mul3A_565 : i32 to vector<16xi32>
          %add3A_815 = arith.addi %add3A_814, %select_n3A_293 : vector<16xi32>
          %gather3A_816 = tpu.vector_load_idx %arg7[%add3A_714, %add3A_815] : memref<32x128xf32, #tpu.memory_space<vmem>>[vector<16xi32>, vector<16xi32>], vector<16xf32>,
          %mul3A_817 = arith.constant 32 : i32
          %mul3A_818 = arith.muli %mul3A_565, %mul3A_817 : i32
          %add3A_819 = arith.constant 16 : i32
          %add3A_820 = arith.addi %mul3A_818, %add3A_819 : i32
          %add3A_821 = vector.broadcast %add3A_820 : i32 to vector<16xi32>
          %add3A_822 = arith.addi %add3A_441, %add3A_821 : vector<16xi32>
          tpu.vector_store_idx %arg9[%add3A_822], %gather3A_816 : memref<4096xf32, #tpu.memory_space<vmem>>[vector<16xi32>], vector<16xf32>,
          %add3A_823 = vector.broadcast %mul3A_565 : i32 to vector<16xi32>
          %add3A_824 = arith.addi %add3A_823, %select_n3A_318 : vector<16xi32>
          %gather3A_825 = tpu.vector_load_idx %arg7[%add3A_714, %add3A_824] : memref<32x128xf32, #tpu.memory_space<vmem>>[vector<16xi32>, vector<16xi32>], vector<16xf32>,
          %mul3A_826 = arith.constant 32 : i32
          %mul3A_827 = arith.muli %mul3A_565, %mul3A_826 : i32
          %add3A_828 = arith.constant 16 : i32
          %add3A_829 = arith.addi %mul3A_827, %add3A_828 : i32
          %add3A_830 = vector.broadcast %add3A_829 : i32 to vector<16xi32>
          %add3A_831 = arith.addi %add3A_445, %add3A_830 : vector<16xi32>
          tpu.vector_store_idx %arg9[%add3A_831], %gather3A_825 : memref<4096xf32, #tpu.memory_space<vmem>>[vector<16xi32>], vector<16xf32>,
          %add3A_832 = vector.broadcast %mul3A_565 : i32 to vector<16xi32>
          %add3A_833 = arith.addi %add3A_832, %select_n3A_343 : vector<16xi32>
          %gather3A_834 = tpu.vector_load_idx %arg7[%add3A_714, %add3A_833] : memref<32x128xf32, #tpu.memory_space<vmem>>[vector<16xi32>, vector<16xi32>], vector<16xf32>,
          %mul3A_835 = arith.constant 32 : i32
          %mul3A_836 = arith.muli %mul3A_565, %mul3A_835 : i32
          %add3A_837 = arith.constant 16 : i32
          %add3A_838 = arith.addi %mul3A_836, %add3A_837 : i32
          %add3A_839 = vector.broadcast %add3A_838 : i32 to vector<16xi32>
          %add3A_840 = arith.addi %add3A_449, %add3A_839 : vector<16xi32>
          tpu.vector_store_idx %arg9[%add3A_840], %gather3A_834 : memref<4096xf32, #tpu.memory_space<vmem>>[vector<16xi32>], vector<16xf32>,
          %add3A_841 = vector.broadcast %mul3A_565 : i32 to vector<16xi32>
          %add3A_842 = arith.addi %add3A_841, %select_n3A_368 : vector<16xi32>
          %gather3A_843 = tpu.vector_load_idx %arg7[%add3A_714, %add3A_842] : memref<32x128xf32, #tpu.memory_space<vmem>>[vector<16xi32>, vector<16xi32>], vector<16xf32>,
          %mul3A_844 = arith.constant 32 : i32
          %mul3A_845 = arith.muli %mul3A_565, %mul3A_844 : i32
          %add3A_846 = arith.constant 16 : i32
          %add3A_847 = arith.addi %mul3A_845, %add3A_846 : i32
          %add3A_848 = vector.broadcast %add3A_847 : i32 to vector<16xi32>
          %add3A_849 = arith.addi %add3A_453, %add3A_848 : vector<16xi32>
          tpu.vector_store_idx %arg9[%add3A_849], %gather3A_843 : memref<4096xf32, #tpu.memory_space<vmem>>[vector<16xi32>], vector<16xf32>,
          %add3A_850 = vector.broadcast %mul3A_565 : i32 to vector<16xi32>
          %add3A_851 = arith.addi %add3A_850, %select_n3A_393 : vector<16xi32>
          %gather3A_852 = tpu.vector_load_idx %arg7[%add3A_714, %add3A_851] : memref<32x128xf32, #tpu.memory_space<vmem>>[vector<16xi32>, vector<16xi32>], vector<16xf32>,
          %mul3A_853 = arith.constant 32 : i32
          %mul3A_854 = arith.muli %mul3A_565, %mul3A_853 : i32
          %add3A_855 = arith.constant 16 : i32
          %add3A_856 = arith.addi %mul3A_854, %add3A_855 : i32
          %add3A_857 = vector.broadcast %add3A_856 : i32 to vector<16xi32>
          %add3A_858 = arith.addi %add3A_457, %add3A_857 : vector<16xi32>
          tpu.vector_store_idx %arg9[%add3A_858], %gather3A_852 : memref<4096xf32, #tpu.memory_space<vmem>>[vector<16xi32>], vector<16xf32>,
        }
        %scan3A_546 = arith.constant 8 : i32
        %mul3A_547 = arith.constant 32 : i32
        %mul3A_548 = arith.muli %add3A_521, %mul3A_547 : i32
        %add3A_549 = arith.addi %mul3A_548, %add3A : i32
        %mul3A_550 = arith.constant 4096 : i32
        %mul3A_551 = arith.muli %add3A_549, %mul3A_550 : i32
        %dma_start3A = tpu.memref_slice %arg5[%mul3A_551] : memref<32000000xf32, #tpu.memory_space<hbm>> -> memref<4096xf32, #tpu.memory_space<hbm>>
        %dma_start3A_552 = tpu.memref_slice %arg5[%mul3A_551] : memref<32000000xf32, #tpu.memory_space<hbm>> -> memref<4096xf32, #tpu.memory_space<hbm>>
        tpu.enqueue_dma source(%arg9 : memref<4096xf32, #tpu.memory_space<vmem>>) target(%dma_start3A_552 : memref<4096xf32, #tpu.memory_space<hbm>>) target_semaphore(%arg13 : memref<!tpu.dma_semaphore, #tpu.memory_space<semaphore_mem>>)
        %add3A_553 = arith.constant 2 : i32
        %add3A_554 = arith.addi %add3A_521, %add3A_553 : i32
        %lt3A_555 = arith.cmpi slt, %add3A_554, %select_n3A_484 : i32
        %convert_element_type3A_556 = arith.extui %lt3A_555 : i1 to i32
        %cond3A_557 = arith.constant 0 : i32
        %cond3A_558 = arith.cmpi ne, %convert_element_type3A_556, %cond3A_557 : i32
        scf.if %cond3A_558 {
          %add3A_559 = arith.constant 2 : i32
          %add3A_560 = arith.addi %add3A_521, %add3A_559 : i32
          %mul3A_561 = arith.constant 32 : i32
          %mul3A_562 = arith.muli %add3A_560, %mul3A_561 : i32
          %add3A_563 = arith.addi %mul3A_562, %add3A : i32
          %mul3A_564 = arith.constant 128 : i32
          %mul3A_565 = arith.muli %add3A_563, %mul3A_564 : i32
          %dma_start3A_566 = arith.constant 0 : i32
          %dma_start3A_567 = tpu.memref_slice %arg2[%dma_start3A_566, %mul3A_565] : memref<32x1000000xf32, #tpu.memory_space<hbm>> -> memref<32x128xf32, #tpu.memory_space<hbm>>
          %dma_start3A_568 = arith.constant 0 : i32
          %dma_start3A_569 = tpu.memref_slice %arg2[%dma_start3A_568, %mul3A_565] : memref<32x1000000xf32, #tpu.memory_space<hbm>> -> memref<32x128xf32, #tpu.memory_space<hbm>>
          tpu.enqueue_dma source(%dma_start3A_569 : memref<32x128xf32, #tpu.memory_space<hbm>>) target(%arg7 : memref<32x128xf32, #tpu.memory_space<vmem>>) target_semaphore(%arg12 : memref<!tpu.dma_semaphore, #tpu.memory_space<semaphore_mem>>)
        } else {
        }
      } else {
      }
      %add3A_526 = arith.constant 1 : i32
      %add3A_527 = arith.addi %add3A_519, %add3A_526 : i32
      %lt3A_528 = arith.cmpi slt, %add3A_527, %select_n3A_484 : i32
      %convert_element_type3A_529 = arith.extui %lt3A_528 : i1 to i32
      %cond3A_530 = arith.constant 0 : i32
      %cond3A_531 = arith.cmpi ne, %convert_element_type3A_529, %cond3A_530 : i32
      scf.if %cond3A_531 {
        %dma_wait3A = arith.constant 0 : i32
        %dma_wait3A_532 = arith.constant 0 : i32
        %dma_wait3A_533 = tpu.memref_slice %arg2[%dma_wait3A, %dma_wait3A_532] : memref<32x1000000xf32, #tpu.memory_space<hbm>> -> memref<32x128xf32, #tpu.memory_space<hbm>>
        %dma_wait3A_534 = arith.constant 0 : i32
        %dma_wait3A_535 = arith.constant 0 : i32
        %dma_wait3A_536 = tpu.memref_slice %arg2[%dma_wait3A_534, %dma_wait3A_535] : memref<32x1000000xf32, #tpu.memory_space<hbm>> -> memref<32x128xf32, #tpu.memory_space<hbm>>
        tpu.wait_dma2 semaphore(%arg12 : memref<!tpu.dma_semaphore, #tpu.memory_space<semaphore_mem>>) src(%dma_wait3A_536 : memref<32x128xf32, #tpu.memory_space<hbm>>) dst(%arg7 : memref<32x128xf32, #tpu.memory_space<vmem>>)
        %ge3A_537 = arith.constant 2 : i32
        %ge3A_538 = arith.cmpi sge, %add3A_527, %ge3A_537 : i32
        %convert_element_type3A_539 = arith.extui %ge3A_538 : i1 to i32
        %cond3A_540 = arith.constant 0 : i32
        %cond3A_541 = arith.cmpi ne, %convert_element_type3A_539, %cond3A_540 : i32
        scf.if %cond3A_541 {
          %dma_wait3A_559 = arith.constant 0 : i32
          %dma_wait3A_560 = tpu.memref_slice %arg5[%dma_wait3A_559] : memref<32000000xf32, #tpu.memory_space<hbm>> -> memref<4096xf32, #tpu.memory_space<hbm>>
          %dma_wait3A_561 = arith.constant 0 : i32
          %dma_wait3A_562 = tpu.memref_slice %arg5[%dma_wait3A_561] : memref<32000000xf32, #tpu.memory_space<hbm>> -> memref<4096xf32, #tpu.memory_space<hbm>>
          tpu.wait_dma2 semaphore(%arg13 : memref<!tpu.dma_semaphore, #tpu.memory_space<semaphore_mem>>) src(%arg9 : memref<4096xf32, #tpu.memory_space<vmem>>) dst(%dma_wait3A_562 : memref<4096xf32, #tpu.memory_space<hbm>>)
        } else {
        }
        %scan3A_542 = arith.constant 0 : i32
        %scan3A_543 = arith.constant 8 : i32
        %scan3A_544 = arith.addi %scan3A_542, %scan3A_543 : i32
        %scan3A_545 = arith.constant 1 : i32
        scf.for %scan3A_559 = %scan3A_542 to %scan3A_544 step %scan3A_545  : i32 {
          %mul3A_560 = arith.constant 1 : i32
          %mul3A_561 = arith.muli %scan3A_559, %mul3A_560 : i32
          %add3A_562 = arith.constant 0 : i32
          %add3A_563 = arith.addi %add3A_562, %mul3A_561 : i32
          %mul3A_564 = arith.constant 16 : i32
          %mul3A_565 = arith.muli %add3A_563, %mul3A_564 : i32
          %add3A_566 = arith.constant 0 : i32
          %add3A_567 = vector.broadcast %add3A_566 : i32 to vector<16xi32>
          %add3A_568 = arith.addi %iota3A, %add3A_567 : vector<16xi32>
          %add3A_569 = vector.broadcast %mul3A_565 : i32 to vector<16xi32>
          %add3A_570 = arith.addi %add3A_569, %select_n3A_18 : vector<16xi32>
          %gather3A = tpu.vector_load_idx %arg8[%add3A_568, %add3A_570] : memref<32x128xf32, #tpu.memory_space<vmem>>[vector<16xi32>, vector<16xi32>], vector<16xf32>,
          %mul3A_571 = arith.constant 32 : i32
          %mul3A_572 = arith.muli %mul3A_565, %mul3A_571 : i32
          %add3A_573 = arith.constant 0 : i32
          %add3A_574 = arith.addi %mul3A_572, %add3A_573 : i32
          %add3A_575 = vector.broadcast %add3A_574 : i32 to vector<16xi32>
          %add3A_576 = arith.addi %add3A_397, %add3A_575 : vector<16xi32>
          tpu.vector_store_idx %arg10[%add3A_576], %gather3A : memref<4096xf32, #tpu.memory_space<vmem>>[vector<16xi32>], vector<16xf32>,
          %add3A_577 = vector.broadcast %mul3A_565 : i32 to vector<16xi32>
          %add3A_578 = arith.addi %add3A_577, %select_n3A_43 : vector<16xi32>
          %gather3A_579 = tpu.vector_load_idx %arg8[%add3A_568, %add3A_578] : memref<32x128xf32, #tpu.memory_space<vmem>>[vector<16xi32>, vector<16xi32>], vector<16xf32>,
          %mul3A_580 = arith.constant 32 : i32
          %mul3A_581 = arith.muli %mul3A_565, %mul3A_580 : i32
          %add3A_582 = arith.constant 0 : i32
          %add3A_583 = arith.addi %mul3A_581, %add3A_582 : i32
          %add3A_584 = vector.broadcast %add3A_583 : i32 to vector<16xi32>
          %add3A_585 = arith.addi %add3A_401, %add3A_584 : vector<16xi32>
          tpu.vector_store_idx %arg10[%add3A_585], %gather3A_579 : memref<4096xf32, #tpu.memory_space<vmem>>[vector<16xi32>], vector<16xf32>,
          %add3A_586 = vector.broadcast %mul3A_565 : i32 to vector<16xi32>
          %add3A_587 = arith.addi %add3A_586, %select_n3A_68 : vector<16xi32>
          %gather3A_588 = tpu.vector_load_idx %arg8[%add3A_568, %add3A_587] : memref<32x128xf32, #tpu.memory_space<vmem>>[vector<16xi32>, vector<16xi32>], vector<16xf32>,
          %mul3A_589 = arith.constant 32 : i32
          %mul3A_590 = arith.muli %mul3A_565, %mul3A_589 : i32
          %add3A_591 = arith.constant 0 : i32
          %add3A_592 = arith.addi %mul3A_590, %add3A_591 : i32
          %add3A_593 = vector.broadcast %add3A_592 : i32 to vector<16xi32>
          %add3A_594 = arith.addi %add3A_405, %add3A_593 : vector<16xi32>
          tpu.vector_store_idx %arg10[%add3A_594], %gather3A_588 : memref<4096xf32, #tpu.memory_space<vmem>>[vector<16xi32>], vector<16xf32>,
          %add3A_595 = vector.broadcast %mul3A_565 : i32 to vector<16xi32>
          %add3A_596 = arith.addi %add3A_595, %select_n3A_93 : vector<16xi32>
          %gather3A_597 = tpu.vector_load_idx %arg8[%add3A_568, %add3A_596] : memref<32x128xf32, #tpu.memory_space<vmem>>[vector<16xi32>, vector<16xi32>], vector<16xf32>,
          %mul3A_598 = arith.constant 32 : i32
          %mul3A_599 = arith.muli %mul3A_565, %mul3A_598 : i32
          %add3A_600 = arith.constant 0 : i32
          %add3A_601 = arith.addi %mul3A_599, %add3A_600 : i32
          %add3A_602 = vector.broadcast %add3A_601 : i32 to vector<16xi32>
          %add3A_603 = arith.addi %add3A_409, %add3A_602 : vector<16xi32>
          tpu.vector_store_idx %arg10[%add3A_603], %gather3A_597 : memref<4096xf32, #tpu.memory_space<vmem>>[vector<16xi32>], vector<16xf32>,
          %add3A_604 = vector.broadcast %mul3A_565 : i32 to vector<16xi32>
          %add3A_605 = arith.addi %add3A_604, %select_n3A_118 : vector<16xi32>
          %gather3A_606 = tpu.vector_load_idx %arg8[%add3A_568, %add3A_605] : memref<32x128xf32, #tpu.memory_space<vmem>>[vector<16xi32>, vector<16xi32>], vector<16xf32>,
          %mul3A_607 = arith.constant 32 : i32
          %mul3A_608 = arith.muli %mul3A_565, %mul3A_607 : i32
          %add3A_609 = arith.constant 0 : i32
          %add3A_610 = arith.addi %mul3A_608, %add3A_609 : i32
          %add3A_611 = vector.broadcast %add3A_610 : i32 to vector<16xi32>
          %add3A_612 = arith.addi %add3A_413, %add3A_611 : vector<16xi32>
          tpu.vector_store_idx %arg10[%add3A_612], %gather3A_606 : memref<4096xf32, #tpu.memory_space<vmem>>[vector<16xi32>], vector<16xf32>,
          %add3A_613 = vector.broadcast %mul3A_565 : i32 to vector<16xi32>
          %add3A_614 = arith.addi %add3A_613, %select_n3A_143 : vector<16xi32>
          %gather3A_615 = tpu.vector_load_idx %arg8[%add3A_568, %add3A_614] : memref<32x128xf32, #tpu.memory_space<vmem>>[vector<16xi32>, vector<16xi32>], vector<16xf32>,
          %mul3A_616 = arith.constant 32 : i32
          %mul3A_617 = arith.muli %mul3A_565, %mul3A_616 : i32
          %add3A_618 = arith.constant 0 : i32
          %add3A_619 = arith.addi %mul3A_617, %add3A_618 : i32
          %add3A_620 = vector.broadcast %add3A_619 : i32 to vector<16xi32>
          %add3A_621 = arith.addi %add3A_417, %add3A_620 : vector<16xi32>
          tpu.vector_store_idx %arg10[%add3A_621], %gather3A_615 : memref<4096xf32, #tpu.memory_space<vmem>>[vector<16xi32>], vector<16xf32>,
          %add3A_622 = vector.broadcast %mul3A_565 : i32 to vector<16xi32>
          %add3A_623 = arith.addi %add3A_622, %select_n3A_168 : vector<16xi32>
          %gather3A_624 = tpu.vector_load_idx %arg8[%add3A_568, %add3A_623] : memref<32x128xf32, #tpu.memory_space<vmem>>[vector<16xi32>, vector<16xi32>], vector<16xf32>,
          %mul3A_625 = arith.constant 32 : i32
          %mul3A_626 = arith.muli %mul3A_565, %mul3A_625 : i32
          %add3A_627 = arith.constant 0 : i32
          %add3A_628 = arith.addi %mul3A_626, %add3A_627 : i32
          %add3A_629 = vector.broadcast %add3A_628 : i32 to vector<16xi32>
          %add3A_630 = arith.addi %add3A_421, %add3A_629 : vector<16xi32>
          tpu.vector_store_idx %arg10[%add3A_630], %gather3A_624 : memref<4096xf32, #tpu.memory_space<vmem>>[vector<16xi32>], vector<16xf32>,
          %add3A_631 = vector.broadcast %mul3A_565 : i32 to vector<16xi32>
          %add3A_632 = arith.addi %add3A_631, %select_n3A_193 : vector<16xi32>
          %gather3A_633 = tpu.vector_load_idx %arg8[%add3A_568, %add3A_632] : memref<32x128xf32, #tpu.memory_space<vmem>>[vector<16xi32>, vector<16xi32>], vector<16xf32>,
          %mul3A_634 = arith.constant 32 : i32
          %mul3A_635 = arith.muli %mul3A_565, %mul3A_634 : i32
          %add3A_636 = arith.constant 0 : i32
          %add3A_637 = arith.addi %mul3A_635, %add3A_636 : i32
          %add3A_638 = vector.broadcast %add3A_637 : i32 to vector<16xi32>
          %add3A_639 = arith.addi %add3A_425, %add3A_638 : vector<16xi32>
          tpu.vector_store_idx %arg10[%add3A_639], %gather3A_633 : memref<4096xf32, #tpu.memory_space<vmem>>[vector<16xi32>], vector<16xf32>,
          %add3A_640 = vector.broadcast %mul3A_565 : i32 to vector<16xi32>
          %add3A_641 = arith.addi %add3A_640, %select_n3A_218 : vector<16xi32>
          %gather3A_642 = tpu.vector_load_idx %arg8[%add3A_568, %add3A_641] : memref<32x128xf32, #tpu.memory_space<vmem>>[vector<16xi32>, vector<16xi32>], vector<16xf32>,
          %mul3A_643 = arith.constant 32 : i32
          %mul3A_644 = arith.muli %mul3A_565, %mul3A_643 : i32
          %add3A_645 = arith.constant 0 : i32
          %add3A_646 = arith.addi %mul3A_644, %add3A_645 : i32
          %add3A_647 = vector.broadcast %add3A_646 : i32 to vector<16xi32>
          %add3A_648 = arith.addi %add3A_429, %add3A_647 : vector<16xi32>
          tpu.vector_store_idx %arg10[%add3A_648], %gather3A_642 : memref<4096xf32, #tpu.memory_space<vmem>>[vector<16xi32>], vector<16xf32>,
          %add3A_649 = vector.broadcast %mul3A_565 : i32 to vector<16xi32>
          %add3A_650 = arith.addi %add3A_649, %select_n3A_243 : vector<16xi32>
          %gather3A_651 = tpu.vector_load_idx %arg8[%add3A_568, %add3A_650] : memref<32x128xf32, #tpu.memory_space<vmem>>[vector<16xi32>, vector<16xi32>], vector<16xf32>,
          %mul3A_652 = arith.constant 32 : i32
          %mul3A_653 = arith.muli %mul3A_565, %mul3A_652 : i32
          %add3A_654 = arith.constant 0 : i32
          %add3A_655 = arith.addi %mul3A_653, %add3A_654 : i32
          %add3A_656 = vector.broadcast %add3A_655 : i32 to vector<16xi32>
          %add3A_657 = arith.addi %add3A_433, %add3A_656 : vector<16xi32>
          tpu.vector_store_idx %arg10[%add3A_657], %gather3A_651 : memref<4096xf32, #tpu.memory_space<vmem>>[vector<16xi32>], vector<16xf32>,
          %add3A_658 = vector.broadcast %mul3A_565 : i32 to vector<16xi32>
          %add3A_659 = arith.addi %add3A_658, %select_n3A_268 : vector<16xi32>
          %gather3A_660 = tpu.vector_load_idx %arg8[%add3A_568, %add3A_659] : memref<32x128xf32, #tpu.memory_space<vmem>>[vector<16xi32>, vector<16xi32>], vector<16xf32>,
          %mul3A_661 = arith.constant 32 : i32
          %mul3A_662 = arith.muli %mul3A_565, %mul3A_661 : i32
          %add3A_663 = arith.constant 0 : i32
          %add3A_664 = arith.addi %mul3A_662, %add3A_663 : i32
          %add3A_665 = vector.broadcast %add3A_664 : i32 to vector<16xi32>
          %add3A_666 = arith.addi %add3A_437, %add3A_665 : vector<16xi32>
          tpu.vector_store_idx %arg10[%add3A_666], %gather3A_660 : memref<4096xf32, #tpu.memory_space<vmem>>[vector<16xi32>], vector<16xf32>,
          %add3A_667 = vector.broadcast %mul3A_565 : i32 to vector<16xi32>
          %add3A_668 = arith.addi %add3A_667, %select_n3A_293 : vector<16xi32>
          %gather3A_669 = tpu.vector_load_idx %arg8[%add3A_568, %add3A_668] : memref<32x128xf32, #tpu.memory_space<vmem>>[vector<16xi32>, vector<16xi32>], vector<16xf32>,
          %mul3A_670 = arith.constant 32 : i32
          %mul3A_671 = arith.muli %mul3A_565, %mul3A_670 : i32
          %add3A_672 = arith.constant 0 : i32
          %add3A_673 = arith.addi %mul3A_671, %add3A_672 : i32
          %add3A_674 = vector.broadcast %add3A_673 : i32 to vector<16xi32>
          %add3A_675 = arith.addi %add3A_441, %add3A_674 : vector<16xi32>
          tpu.vector_store_idx %arg10[%add3A_675], %gather3A_669 : memref<4096xf32, #tpu.memory_space<vmem>>[vector<16xi32>], vector<16xf32>,
          %add3A_676 = vector.broadcast %mul3A_565 : i32 to vector<16xi32>
          %add3A_677 = arith.addi %add3A_676, %select_n3A_318 : vector<16xi32>
          %gather3A_678 = tpu.vector_load_idx %arg8[%add3A_568, %add3A_677] : memref<32x128xf32, #tpu.memory_space<vmem>>[vector<16xi32>, vector<16xi32>], vector<16xf32>,
          %mul3A_679 = arith.constant 32 : i32
          %mul3A_680 = arith.muli %mul3A_565, %mul3A_679 : i32
          %add3A_681 = arith.constant 0 : i32
          %add3A_682 = arith.addi %mul3A_680, %add3A_681 : i32
          %add3A_683 = vector.broadcast %add3A_682 : i32 to vector<16xi32>
          %add3A_684 = arith.addi %add3A_445, %add3A_683 : vector<16xi32>
          tpu.vector_store_idx %arg10[%add3A_684], %gather3A_678 : memref<4096xf32, #tpu.memory_space<vmem>>[vector<16xi32>], vector<16xf32>,
          %add3A_685 = vector.broadcast %mul3A_565 : i32 to vector<16xi32>
          %add3A_686 = arith.addi %add3A_685, %select_n3A_343 : vector<16xi32>
          %gather3A_687 = tpu.vector_load_idx %arg8[%add3A_568, %add3A_686] : memref<32x128xf32, #tpu.memory_space<vmem>>[vector<16xi32>, vector<16xi32>], vector<16xf32>,
          %mul3A_688 = arith.constant 32 : i32
          %mul3A_689 = arith.muli %mul3A_565, %mul3A_688 : i32
          %add3A_690 = arith.constant 0 : i32
          %add3A_691 = arith.addi %mul3A_689, %add3A_690 : i32
          %add3A_692 = vector.broadcast %add3A_691 : i32 to vector<16xi32>
          %add3A_693 = arith.addi %add3A_449, %add3A_692 : vector<16xi32>
          tpu.vector_store_idx %arg10[%add3A_693], %gather3A_687 : memref<4096xf32, #tpu.memory_space<vmem>>[vector<16xi32>], vector<16xf32>,
          %add3A_694 = vector.broadcast %mul3A_565 : i32 to vector<16xi32>
          %add3A_695 = arith.addi %add3A_694, %select_n3A_368 : vector<16xi32>
          %gather3A_696 = tpu.vector_load_idx %arg8[%add3A_568, %add3A_695] : memref<32x128xf32, #tpu.memory_space<vmem>>[vector<16xi32>, vector<16xi32>], vector<16xf32>,
          %mul3A_697 = arith.constant 32 : i32
          %mul3A_698 = arith.muli %mul3A_565, %mul3A_697 : i32
          %add3A_699 = arith.constant 0 : i32
          %add3A_700 = arith.addi %mul3A_698, %add3A_699 : i32
          %add3A_701 = vector.broadcast %add3A_700 : i32 to vector<16xi32>
          %add3A_702 = arith.addi %add3A_453, %add3A_701 : vector<16xi32>
          tpu.vector_store_idx %arg10[%add3A_702], %gather3A_696 : memref<4096xf32, #tpu.memory_space<vmem>>[vector<16xi32>], vector<16xf32>,
          %add3A_703 = vector.broadcast %mul3A_565 : i32 to vector<16xi32>
          %add3A_704 = arith.addi %add3A_703, %select_n3A_393 : vector<16xi32>
          %gather3A_705 = tpu.vector_load_idx %arg8[%add3A_568, %add3A_704] : memref<32x128xf32, #tpu.memory_space<vmem>>[vector<16xi32>, vector<16xi32>], vector<16xf32>,
          %mul3A_706 = arith.constant 32 : i32
          %mul3A_707 = arith.muli %mul3A_565, %mul3A_706 : i32
          %add3A_708 = arith.constant 0 : i32
          %add3A_709 = arith.addi %mul3A_707, %add3A_708 : i32
          %add3A_710 = vector.broadcast %add3A_709 : i32 to vector<16xi32>
          %add3A_711 = arith.addi %add3A_457, %add3A_710 : vector<16xi32>
          tpu.vector_store_idx %arg10[%add3A_711], %gather3A_705 : memref<4096xf32, #tpu.memory_space<vmem>>[vector<16xi32>], vector<16xf32>,
          %add3A_712 = arith.constant 16 : i32
          %add3A_713 = vector.broadcast %add3A_712 : i32 to vector<16xi32>
          %add3A_714 = arith.addi %iota3A, %add3A_713 : vector<16xi32>
          %add3A_715 = vector.broadcast %mul3A_565 : i32 to vector<16xi32>
          %add3A_716 = arith.addi %add3A_715, %select_n3A_18 : vector<16xi32>
          %gather3A_717 = tpu.vector_load_idx %arg8[%add3A_714, %add3A_716] : memref<32x128xf32, #tpu.memory_space<vmem>>[vector<16xi32>, vector<16xi32>], vector<16xf32>,
          %mul3A_718 = arith.constant 32 : i32
          %mul3A_719 = arith.muli %mul3A_565, %mul3A_718 : i32
          %add3A_720 = arith.constant 16 : i32
          %add3A_721 = arith.addi %mul3A_719, %add3A_720 : i32
          %add3A_722 = vector.broadcast %add3A_721 : i32 to vector<16xi32>
          %add3A_723 = arith.addi %add3A_397, %add3A_722 : vector<16xi32>
          tpu.vector_store_idx %arg10[%add3A_723], %gather3A_717 : memref<4096xf32, #tpu.memory_space<vmem>>[vector<16xi32>], vector<16xf32>,
          %add3A_724 = vector.broadcast %mul3A_565 : i32 to vector<16xi32>
          %add3A_725 = arith.addi %add3A_724, %select_n3A_43 : vector<16xi32>
          %gather3A_726 = tpu.vector_load_idx %arg8[%add3A_714, %add3A_725] : memref<32x128xf32, #tpu.memory_space<vmem>>[vector<16xi32>, vector<16xi32>], vector<16xf32>,
          %mul3A_727 = arith.constant 32 : i32
          %mul3A_728 = arith.muli %mul3A_565, %mul3A_727 : i32
          %add3A_729 = arith.constant 16 : i32
          %add3A_730 = arith.addi %mul3A_728, %add3A_729 : i32
          %add3A_731 = vector.broadcast %add3A_730 : i32 to vector<16xi32>
          %add3A_732 = arith.addi %add3A_401, %add3A_731 : vector<16xi32>
          tpu.vector_store_idx %arg10[%add3A_732], %gather3A_726 : memref<4096xf32, #tpu.memory_space<vmem>>[vector<16xi32>], vector<16xf32>,
          %add3A_733 = vector.broadcast %mul3A_565 : i32 to vector<16xi32>
          %add3A_734 = arith.addi %add3A_733, %select_n3A_68 : vector<16xi32>
          %gather3A_735 = tpu.vector_load_idx %arg8[%add3A_714, %add3A_734] : memref<32x128xf32, #tpu.memory_space<vmem>>[vector<16xi32>, vector<16xi32>], vector<16xf32>,
          %mul3A_736 = arith.constant 32 : i32
          %mul3A_737 = arith.muli %mul3A_565, %mul3A_736 : i32
          %add3A_738 = arith.constant 16 : i32
          %add3A_739 = arith.addi %mul3A_737, %add3A_738 : i32
          %add3A_740 = vector.broadcast %add3A_739 : i32 to vector<16xi32>
          %add3A_741 = arith.addi %add3A_405, %add3A_740 : vector<16xi32>
          tpu.vector_store_idx %arg10[%add3A_741], %gather3A_735 : memref<4096xf32, #tpu.memory_space<vmem>>[vector<16xi32>], vector<16xf32>,
          %add3A_742 = vector.broadcast %mul3A_565 : i32 to vector<16xi32>
          %add3A_743 = arith.addi %add3A_742, %select_n3A_93 : vector<16xi32>
          %gather3A_744 = tpu.vector_load_idx %arg8[%add3A_714, %add3A_743] : memref<32x128xf32, #tpu.memory_space<vmem>>[vector<16xi32>, vector<16xi32>], vector<16xf32>,
          %mul3A_745 = arith.constant 32 : i32
          %mul3A_746 = arith.muli %mul3A_565, %mul3A_745 : i32
          %add3A_747 = arith.constant 16 : i32
          %add3A_748 = arith.addi %mul3A_746, %add3A_747 : i32
          %add3A_749 = vector.broadcast %add3A_748 : i32 to vector<16xi32>
          %add3A_750 = arith.addi %add3A_409, %add3A_749 : vector<16xi32>
          tpu.vector_store_idx %arg10[%add3A_750], %gather3A_744 : memref<4096xf32, #tpu.memory_space<vmem>>[vector<16xi32>], vector<16xf32>,
          %add3A_751 = vector.broadcast %mul3A_565 : i32 to vector<16xi32>
          %add3A_752 = arith.addi %add3A_751, %select_n3A_118 : vector<16xi32>
          %gather3A_753 = tpu.vector_load_idx %arg8[%add3A_714, %add3A_752] : memref<32x128xf32, #tpu.memory_space<vmem>>[vector<16xi32>, vector<16xi32>], vector<16xf32>,
          %mul3A_754 = arith.constant 32 : i32
          %mul3A_755 = arith.muli %mul3A_565, %mul3A_754 : i32
          %add3A_756 = arith.constant 16 : i32
          %add3A_757 = arith.addi %mul3A_755, %add3A_756 : i32
          %add3A_758 = vector.broadcast %add3A_757 : i32 to vector<16xi32>
          %add3A_759 = arith.addi %add3A_413, %add3A_758 : vector<16xi32>
          tpu.vector_store_idx %arg10[%add3A_759], %gather3A_753 : memref<4096xf32, #tpu.memory_space<vmem>>[vector<16xi32>], vector<16xf32>,
          %add3A_760 = vector.broadcast %mul3A_565 : i32 to vector<16xi32>
          %add3A_761 = arith.addi %add3A_760, %select_n3A_143 : vector<16xi32>
          %gather3A_762 = tpu.vector_load_idx %arg8[%add3A_714, %add3A_761] : memref<32x128xf32, #tpu.memory_space<vmem>>[vector<16xi32>, vector<16xi32>], vector<16xf32>,
          %mul3A_763 = arith.constant 32 : i32
          %mul3A_764 = arith.muli %mul3A_565, %mul3A_763 : i32
          %add3A_765 = arith.constant 16 : i32
          %add3A_766 = arith.addi %mul3A_764, %add3A_765 : i32
          %add3A_767 = vector.broadcast %add3A_766 : i32 to vector<16xi32>
          %add3A_768 = arith.addi %add3A_417, %add3A_767 : vector<16xi32>
          tpu.vector_store_idx %arg10[%add3A_768], %gather3A_762 : memref<4096xf32, #tpu.memory_space<vmem>>[vector<16xi32>], vector<16xf32>,
          %add3A_769 = vector.broadcast %mul3A_565 : i32 to vector<16xi32>
          %add3A_770 = arith.addi %add3A_769, %select_n3A_168 : vector<16xi32>
          %gather3A_771 = tpu.vector_load_idx %arg8[%add3A_714, %add3A_770] : memref<32x128xf32, #tpu.memory_space<vmem>>[vector<16xi32>, vector<16xi32>], vector<16xf32>,
          %mul3A_772 = arith.constant 32 : i32
          %mul3A_773 = arith.muli %mul3A_565, %mul3A_772 : i32
          %add3A_774 = arith.constant 16 : i32
          %add3A_775 = arith.addi %mul3A_773, %add3A_774 : i32
          %add3A_776 = vector.broadcast %add3A_775 : i32 to vector<16xi32>
          %add3A_777 = arith.addi %add3A_421, %add3A_776 : vector<16xi32>
          tpu.vector_store_idx %arg10[%add3A_777], %gather3A_771 : memref<4096xf32, #tpu.memory_space<vmem>>[vector<16xi32>], vector<16xf32>,
          %add3A_778 = vector.broadcast %mul3A_565 : i32 to vector<16xi32>
          %add3A_779 = arith.addi %add3A_778, %select_n3A_193 : vector<16xi32>
          %gather3A_780 = tpu.vector_load_idx %arg8[%add3A_714, %add3A_779] : memref<32x128xf32, #tpu.memory_space<vmem>>[vector<16xi32>, vector<16xi32>], vector<16xf32>,
          %mul3A_781 = arith.constant 32 : i32
          %mul3A_782 = arith.muli %mul3A_565, %mul3A_781 : i32
          %add3A_783 = arith.constant 16 : i32
          %add3A_784 = arith.addi %mul3A_782, %add3A_783 : i32
          %add3A_785 = vector.broadcast %add3A_784 : i32 to vector<16xi32>
          %add3A_786 = arith.addi %add3A_425, %add3A_785 : vector<16xi32>
          tpu.vector_store_idx %arg10[%add3A_786], %gather3A_780 : memref<4096xf32, #tpu.memory_space<vmem>>[vector<16xi32>], vector<16xf32>,
          %add3A_787 = vector.broadcast %mul3A_565 : i32 to vector<16xi32>
          %add3A_788 = arith.addi %add3A_787, %select_n3A_218 : vector<16xi32>
          %gather3A_789 = tpu.vector_load_idx %arg8[%add3A_714, %add3A_788] : memref<32x128xf32, #tpu.memory_space<vmem>>[vector<16xi32>, vector<16xi32>], vector<16xf32>,
          %mul3A_790 = arith.constant 32 : i32
          %mul3A_791 = arith.muli %mul3A_565, %mul3A_790 : i32
          %add3A_792 = arith.constant 16 : i32
          %add3A_793 = arith.addi %mul3A_791, %add3A_792 : i32
          %add3A_794 = vector.broadcast %add3A_793 : i32 to vector<16xi32>
          %add3A_795 = arith.addi %add3A_429, %add3A_794 : vector<16xi32>
          tpu.vector_store_idx %arg10[%add3A_795], %gather3A_789 : memref<4096xf32, #tpu.memory_space<vmem>>[vector<16xi32>], vector<16xf32>,
          %add3A_796 = vector.broadcast %mul3A_565 : i32 to vector<16xi32>
          %add3A_797 = arith.addi %add3A_796, %select_n3A_243 : vector<16xi32>
          %gather3A_798 = tpu.vector_load_idx %arg8[%add3A_714, %add3A_797] : memref<32x128xf32, #tpu.memory_space<vmem>>[vector<16xi32>, vector<16xi32>], vector<16xf32>,
          %mul3A_799 = arith.constant 32 : i32
          %mul3A_800 = arith.muli %mul3A_565, %mul3A_799 : i32
          %add3A_801 = arith.constant 16 : i32
          %add3A_802 = arith.addi %mul3A_800, %add3A_801 : i32
          %add3A_803 = vector.broadcast %add3A_802 : i32 to vector<16xi32>
          %add3A_804 = arith.addi %add3A_433, %add3A_803 : vector<16xi32>
          tpu.vector_store_idx %arg10[%add3A_804], %gather3A_798 : memref<4096xf32, #tpu.memory_space<vmem>>[vector<16xi32>], vector<16xf32>,
          %add3A_805 = vector.broadcast %mul3A_565 : i32 to vector<16xi32>
          %add3A_806 = arith.addi %add3A_805, %select_n3A_268 : vector<16xi32>
          %gather3A_807 = tpu.vector_load_idx %arg8[%add3A_714, %add3A_806] : memref<32x128xf32, #tpu.memory_space<vmem>>[vector<16xi32>, vector<16xi32>], vector<16xf32>,
          %mul3A_808 = arith.constant 32 : i32
          %mul3A_809 = arith.muli %mul3A_565, %mul3A_808 : i32
          %add3A_810 = arith.constant 16 : i32
          %add3A_811 = arith.addi %mul3A_809, %add3A_810 : i32
          %add3A_812 = vector.broadcast %add3A_811 : i32 to vector<16xi32>
          %add3A_813 = arith.addi %add3A_437, %add3A_812 : vector<16xi32>
          tpu.vector_store_idx %arg10[%add3A_813], %gather3A_807 : memref<4096xf32, #tpu.memory_space<vmem>>[vector<16xi32>], vector<16xf32>,
          %add3A_814 = vector.broadcast %mul3A_565 : i32 to vector<16xi32>
          %add3A_815 = arith.addi %add3A_814, %select_n3A_293 : vector<16xi32>
          %gather3A_816 = tpu.vector_load_idx %arg8[%add3A_714, %add3A_815] : memref<32x128xf32, #tpu.memory_space<vmem>>[vector<16xi32>, vector<16xi32>], vector<16xf32>,
          %mul3A_817 = arith.constant 32 : i32
          %mul3A_818 = arith.muli %mul3A_565, %mul3A_817 : i32
          %add3A_819 = arith.constant 16 : i32
          %add3A_820 = arith.addi %mul3A_818, %add3A_819 : i32
          %add3A_821 = vector.broadcast %add3A_820 : i32 to vector<16xi32>
          %add3A_822 = arith.addi %add3A_441, %add3A_821 : vector<16xi32>
          tpu.vector_store_idx %arg10[%add3A_822], %gather3A_816 : memref<4096xf32, #tpu.memory_space<vmem>>[vector<16xi32>], vector<16xf32>,
          %add3A_823 = vector.broadcast %mul3A_565 : i32 to vector<16xi32>
          %add3A_824 = arith.addi %add3A_823, %select_n3A_318 : vector<16xi32>
          %gather3A_825 = tpu.vector_load_idx %arg8[%add3A_714, %add3A_824] : memref<32x128xf32, #tpu.memory_space<vmem>>[vector<16xi32>, vector<16xi32>], vector<16xf32>,
          %mul3A_826 = arith.constant 32 : i32
          %mul3A_827 = arith.muli %mul3A_565, %mul3A_826 : i32
          %add3A_828 = arith.constant 16 : i32
          %add3A_829 = arith.addi %mul3A_827, %add3A_828 : i32
          %add3A_830 = vector.broadcast %add3A_829 : i32 to vector<16xi32>
          %add3A_831 = arith.addi %add3A_445, %add3A_830 : vector<16xi32>
          tpu.vector_store_idx %arg10[%add3A_831], %gather3A_825 : memref<4096xf32, #tpu.memory_space<vmem>>[vector<16xi32>], vector<16xf32>,
          %add3A_832 = vector.broadcast %mul3A_565 : i32 to vector<16xi32>
          %add3A_833 = arith.addi %add3A_832, %select_n3A_343 : vector<16xi32>
          %gather3A_834 = tpu.vector_load_idx %arg8[%add3A_714, %add3A_833] : memref<32x128xf32, #tpu.memory_space<vmem>>[vector<16xi32>, vector<16xi32>], vector<16xf32>,
          %mul3A_835 = arith.constant 32 : i32
          %mul3A_836 = arith.muli %mul3A_565, %mul3A_835 : i32
          %add3A_837 = arith.constant 16 : i32
          %add3A_838 = arith.addi %mul3A_836, %add3A_837 : i32
          %add3A_839 = vector.broadcast %add3A_838 : i32 to vector<16xi32>
          %add3A_840 = arith.addi %add3A_449, %add3A_839 : vector<16xi32>
          tpu.vector_store_idx %arg10[%add3A_840], %gather3A_834 : memref<4096xf32, #tpu.memory_space<vmem>>[vector<16xi32>], vector<16xf32>,
          %add3A_841 = vector.broadcast %mul3A_565 : i32 to vector<16xi32>
          %add3A_842 = arith.addi %add3A_841, %select_n3A_368 : vector<16xi32>
          %gather3A_843 = tpu.vector_load_idx %arg8[%add3A_714, %add3A_842] : memref<32x128xf32, #tpu.memory_space<vmem>>[vector<16xi32>, vector<16xi32>], vector<16xf32>,
          %mul3A_844 = arith.constant 32 : i32
          %mul3A_845 = arith.muli %mul3A_565, %mul3A_844 : i32
          %add3A_846 = arith.constant 16 : i32
          %add3A_847 = arith.addi %mul3A_845, %add3A_846 : i32
          %add3A_848 = vector.broadcast %add3A_847 : i32 to vector<16xi32>
          %add3A_849 = arith.addi %add3A_453, %add3A_848 : vector<16xi32>
          tpu.vector_store_idx %arg10[%add3A_849], %gather3A_843 : memref<4096xf32, #tpu.memory_space<vmem>>[vector<16xi32>], vector<16xf32>,
          %add3A_850 = vector.broadcast %mul3A_565 : i32 to vector<16xi32>
          %add3A_851 = arith.addi %add3A_850, %select_n3A_393 : vector<16xi32>
          %gather3A_852 = tpu.vector_load_idx %arg8[%add3A_714, %add3A_851] : memref<32x128xf32, #tpu.memory_space<vmem>>[vector<16xi32>, vector<16xi32>], vector<16xf32>,
          %mul3A_853 = arith.constant 32 : i32
          %mul3A_854 = arith.muli %mul3A_565, %mul3A_853 : i32
          %add3A_855 = arith.constant 16 : i32
          %add3A_856 = arith.addi %mul3A_854, %add3A_855 : i32
          %add3A_857 = vector.broadcast %add3A_856 : i32 to vector<16xi32>
          %add3A_858 = arith.addi %add3A_457, %add3A_857 : vector<16xi32>
          tpu.vector_store_idx %arg10[%add3A_858], %gather3A_852 : memref<4096xf32, #tpu.memory_space<vmem>>[vector<16xi32>], vector<16xf32>,
        }
        %scan3A_546 = arith.constant 8 : i32
        %mul3A_547 = arith.constant 32 : i32
        %mul3A_548 = arith.muli %add3A_527, %mul3A_547 : i32
        %add3A_549 = arith.addi %mul3A_548, %add3A : i32
        %mul3A_550 = arith.constant 4096 : i32
        %mul3A_551 = arith.muli %add3A_549, %mul3A_550 : i32
        %dma_start3A = tpu.memref_slice %arg5[%mul3A_551] : memref<32000000xf32, #tpu.memory_space<hbm>> -> memref<4096xf32, #tpu.memory_space<hbm>>
        %dma_start3A_552 = tpu.memref_slice %arg5[%mul3A_551] : memref<32000000xf32, #tpu.memory_space<hbm>> -> memref<4096xf32, #tpu.memory_space<hbm>>
        tpu.enqueue_dma source(%arg10 : memref<4096xf32, #tpu.memory_space<vmem>>) target(%dma_start3A_552 : memref<4096xf32, #tpu.memory_space<hbm>>) target_semaphore(%arg13 : memref<!tpu.dma_semaphore, #tpu.memory_space<semaphore_mem>>)
        %add3A_553 = arith.constant 2 : i32
        %add3A_554 = arith.addi %add3A_527, %add3A_553 : i32
        %lt3A_555 = arith.cmpi slt, %add3A_554, %select_n3A_484 : i32
        %convert_element_type3A_556 = arith.extui %lt3A_555 : i1 to i32
        %cond3A_557 = arith.constant 0 : i32
        %cond3A_558 = arith.cmpi ne, %convert_element_type3A_556, %cond3A_557 : i32
        scf.if %cond3A_558 {
          %add3A_559 = arith.constant 2 : i32
          %add3A_560 = arith.addi %add3A_527, %add3A_559 : i32
          %mul3A_561 = arith.constant 32 : i32
          %mul3A_562 = arith.muli %add3A_560, %mul3A_561 : i32
          %add3A_563 = arith.addi %mul3A_562, %add3A : i32
          %mul3A_564 = arith.constant 128 : i32
          %mul3A_565 = arith.muli %add3A_563, %mul3A_564 : i32
          %dma_start3A_566 = arith.constant 0 : i32
          %dma_start3A_567 = tpu.memref_slice %arg2[%dma_start3A_566, %mul3A_565] : memref<32x1000000xf32, #tpu.memory_space<hbm>> -> memref<32x128xf32, #tpu.memory_space<hbm>>
          %dma_start3A_568 = arith.constant 0 : i32
          %dma_start3A_569 = tpu.memref_slice %arg2[%dma_start3A_568, %mul3A_565] : memref<32x1000000xf32, #tpu.memory_space<hbm>> -> memref<32x128xf32, #tpu.memory_space<hbm>>
          tpu.enqueue_dma source(%dma_start3A_569 : memref<32x128xf32, #tpu.memory_space<hbm>>) target(%arg8 : memref<32x128xf32, #tpu.memory_space<vmem>>) target_semaphore(%arg12 : memref<!tpu.dma_semaphore, #tpu.memory_space<semaphore_mem>>)
        } else {
        }
      } else {
      }
    }
    %scan3A_495 = arith.constant 123 : i32
    %ge3A = arith.constant 2 : i32
    %ge3A_496 = arith.cmpi sge, %select_n3A_484, %ge3A : i32
    %convert_element_type3A_497 = arith.extui %ge3A_496 : i1 to i32
    %cond3A_498 = arith.constant 0 : i32
    %cond3A_499 = arith.cmpi ne, %convert_element_type3A_497, %cond3A_498 : i32
    scf.if %cond3A_499 {
      %dma_wait3A = arith.constant 0 : i32
      %dma_wait3A_515 = tpu.memref_slice %arg5[%dma_wait3A] : memref<32000000xf32, #tpu.memory_space<hbm>> -> memref<4096xf32, #tpu.memory_space<hbm>>
      %dma_wait3A_516 = arith.constant 0 : i32
      %dma_wait3A_517 = tpu.memref_slice %arg5[%dma_wait3A_516] : memref<32000000xf32, #tpu.memory_space<hbm>> -> memref<4096xf32, #tpu.memory_space<hbm>>
      tpu.wait_dma2 semaphore(%arg13 : memref<!tpu.dma_semaphore, #tpu.memory_space<semaphore_mem>>) src(%arg9 : memref<4096xf32, #tpu.memory_space<vmem>>) dst(%dma_wait3A_517 : memref<4096xf32, #tpu.memory_space<hbm>>)
    } else {
    }
    %ge3A_500 = arith.constant 1 : i32
    %ge3A_501 = arith.cmpi sge, %select_n3A_484, %ge3A_500 : i32
    %convert_element_type3A_502 = arith.extui %ge3A_501 : i1 to i32
    %cond3A_503 = arith.constant 0 : i32
    %cond3A_504 = arith.cmpi ne, %convert_element_type3A_502, %cond3A_503 : i32
    scf.if %cond3A_504 {
      %dma_wait3A = arith.constant 0 : i32
      %dma_wait3A_515 = tpu.memref_slice %arg5[%dma_wait3A] : memref<32000000xf32, #tpu.memory_space<hbm>> -> memref<4096xf32, #tpu.memory_space<hbm>>
      %dma_wait3A_516 = arith.constant 0 : i32
      %dma_wait3A_517 = tpu.memref_slice %arg5[%dma_wait3A_516] : memref<32000000xf32, #tpu.memory_space<hbm>> -> memref<4096xf32, #tpu.memory_space<hbm>>
      tpu.wait_dma2 semaphore(%arg13 : memref<!tpu.dma_semaphore, #tpu.memory_space<semaphore_mem>>) src(%arg9 : memref<4096xf32, #tpu.memory_space<vmem>>) dst(%dma_wait3A_517 : memref<4096xf32, #tpu.memory_space<hbm>>)
    } else {
    }
    %eq3A_505 = arith.constant 4 : i32
    %eq3A_506 = arith.cmpi eq, %add3A, %eq3A_505 : i32
    %convert_element_type3A_507 = arith.extui %eq3A_506 : i1 to i32
    %cond3A_508 = arith.constant 0 : i32
    %cond3A_509 = arith.cmpi ne, %convert_element_type3A_507, %cond3A_508 : i32
    scf.if %cond3A_509 {
      "tpu.region"() ({
        %run_scoped3A = tpu.sem_alloc : memref<!tpu.dma_semaphore, #tpu.memory_space<semaphore_mem>>
        %dma_start3A = arith.constant 0 : i32
        %dma_start3A_515 = tpu.memref_slice %arg9[%dma_start3A] : memref<4096xf32, #tpu.memory_space<vmem>> -> memref<2048xf32, #tpu.memory_space<vmem>>
        %dma_start3A_516 = arith.constant 0 : i32
        %dma_start3A_517 = tpu.memref_slice %arg9[%dma_start3A_516] : memref<4096xf32, #tpu.memory_space<vmem>> -> memref<2048xf32, #tpu.memory_space<vmem>>
        tpu.enqueue_dma source(%arg4 : memref<2048xf32, #tpu.memory_space<hbm>>) target(%dma_start3A_517 : memref<2048xf32, #tpu.memory_space<vmem>>) target_semaphore(%run_scoped3A : memref<!tpu.dma_semaphore, #tpu.memory_space<semaphore_mem>>)
        %dma_wait3A = arith.constant 0 : i32
        %dma_wait3A_518 = tpu.memref_slice %arg9[%dma_wait3A] : memref<4096xf32, #tpu.memory_space<vmem>> -> memref<2048xf32, #tpu.memory_space<vmem>>
        %dma_wait3A_519 = arith.constant 0 : i32
        %dma_wait3A_520 = tpu.memref_slice %arg9[%dma_wait3A_519] : memref<4096xf32, #tpu.memory_space<vmem>> -> memref<2048xf32, #tpu.memory_space<vmem>>
        tpu.wait_dma2 semaphore(%run_scoped3A : memref<!tpu.dma_semaphore, #tpu.memory_space<semaphore_mem>>) src(%arg4 : memref<2048xf32, #tpu.memory_space<hbm>>) dst(%dma_wait3A_520 : memref<2048xf32, #tpu.memory_space<vmem>>)
        tpu.yield
      }) : () -> ()
      "tpu.region"() ({
        %run_scoped3A = tpu.sem_alloc : memref<!tpu.dma_semaphore, #tpu.memory_space<semaphore_mem>>
        %dma_start3A = arith.constant 0 : i32
        %dma_start3A_515 = tpu.memref_slice %arg9[%dma_start3A] : memref<4096xf32, #tpu.memory_space<vmem>> -> memref<2048xf32, #tpu.memory_space<vmem>>
        %dma_start3A_516 = arith.constant 31997952 : i32
        %dma_start3A_517 = tpu.memref_slice %arg5[%dma_start3A_516] : memref<32000000xf32, #tpu.memory_space<hbm>> -> memref<2048xf32, #tpu.memory_space<hbm>>
        %dma_start3A_518 = arith.constant 31997952 : i32
        %dma_start3A_519 = tpu.memref_slice %arg5[%dma_start3A_518] : memref<32000000xf32, #tpu.memory_space<hbm>> -> memref<2048xf32, #tpu.memory_space<hbm>>
        %dma_start3A_520 = arith.constant 0 : i32
        %dma_start3A_521 = tpu.memref_slice %arg9[%dma_start3A_520] : memref<4096xf32, #tpu.memory_space<vmem>> -> memref<2048xf32, #tpu.memory_space<vmem>>
        tpu.enqueue_dma source(%dma_start3A_521 : memref<2048xf32, #tpu.memory_space<vmem>>) target(%dma_start3A_519 : memref<2048xf32, #tpu.memory_space<hbm>>) target_semaphore(%run_scoped3A : memref<!tpu.dma_semaphore, #tpu.memory_space<semaphore_mem>>)
        %dma_wait3A = arith.constant 0 : i32
        %dma_wait3A_522 = tpu.memref_slice %arg9[%dma_wait3A] : memref<4096xf32, #tpu.memory_space<vmem>> -> memref<2048xf32, #tpu.memory_space<vmem>>
        %dma_wait3A_523 = arith.constant 31997952 : i32
        %dma_wait3A_524 = tpu.memref_slice %arg5[%dma_wait3A_523] : memref<32000000xf32, #tpu.memory_space<hbm>> -> memref<2048xf32, #tpu.memory_space<hbm>>
        %dma_wait3A_525 = arith.constant 31997952 : i32
        %dma_wait3A_526 = tpu.memref_slice %arg5[%dma_wait3A_525] : memref<32000000xf32, #tpu.memory_space<hbm>> -> memref<2048xf32, #tpu.memory_space<hbm>>
        %dma_wait3A_527 = arith.constant 0 : i32
        %dma_wait3A_528 = tpu.memref_slice %arg9[%dma_wait3A_527] : memref<4096xf32, #tpu.memory_space<vmem>> -> memref<2048xf32, #tpu.memory_space<vmem>>
        tpu.wait_dma2 semaphore(%run_scoped3A : memref<!tpu.dma_semaphore, #tpu.memory_space<semaphore_mem>>) src(%dma_wait3A_528 : memref<2048xf32, #tpu.memory_space<vmem>>) dst(%dma_wait3A_526 : memref<2048xf32, #tpu.memory_space<hbm>>)
        tpu.yield
      }) : () -> ()
    } else {
    }
    %scan3A_510 = arith.constant 0 : i32
    %scan3A_511 = arith.constant 56 : i32
    %scan3A_512 = arith.addi %scan3A_510, %scan3A_511 : i32
    %scan3A_513 = arith.constant 1 : i32
    scf.for %scan3A_515 = %scan3A_510 to %scan3A_512 step %scan3A_513  : i32 {
      %mul3A_516 = arith.constant 1 : i32
      %mul3A_517 = arith.muli %scan3A_515, %mul3A_516 : i32
      %add3A_518 = arith.constant 0 : i32
      %add3A_519 = arith.addi %add3A_518, %mul3A_517 : i32
      %jit3A_520 = arith.constant 32 : i32
      %eq3A_521 = arith.constant 0 : i32
      %eq3A_522 = arith.cmpi eq, %jit3A_520, %eq3A_521 : i32
      %jit3A_523 = arith.constant 1 : i32
      %select_n3A_524 = arith.select %eq3A_522, %jit3A_523, %jit3A_520 : i32
      %rem3A_525 = arith.remsi %add3A_519, %select_n3A_524 : i32
      %ne3A_526 = arith.constant 0 : i32
      %ne3A_527 = arith.cmpi ne, %rem3A_525, %ne3A_526 : i32
      %lt3A_528 = arith.constant 0 : i32
      %lt3A_529 = arith.cmpi slt, %rem3A_525, %lt3A_528 : i32
      %lt3A_530 = arith.constant 0 : i32
      %lt3A_531 = arith.cmpi slt, %select_n3A_524, %lt3A_530 : i32
      %ne3A_532 = arith.xori %lt3A_529, %lt3A_531 : i1
      %and3A_533 = arith.andi %ne3A_532, %ne3A_527 : i1
      %add3A_534 = arith.addi %rem3A_525, %select_n3A_524 : i32
      %select_n3A_535 = arith.select %and3A_533, %add3A_534, %rem3A_525 : i32
      %eq3A_536 = arith.cmpi eq, %select_n3A_535, %add3A : i32
      %convert_element_type3A_537 = arith.extui %eq3A_536 : i1 to i32
      %cond3A_538 = arith.constant 0 : i32
      %cond3A_539 = arith.cmpi ne, %convert_element_type3A_537, %cond3A_538 : i32
      scf.if %cond3A_539 {
        %jit3A_540 = arith.constant 8 : i32
        %div3A_541 = arith.divsi %add3A_519, %jit3A_540 : i32
        %sign3A_542 = arith.constant 0 : i32
        %sign3A_543 = arith.cmpi sgt, %add3A_519, %sign3A_542 : i32
        %sign3A_544 = arith.extui %sign3A_543 : i1 to i32
        %sign3A_545 = arith.constant 0 : i32
        %sign3A_546 = arith.cmpi slt, %add3A_519, %sign3A_545 : i32
        %sign3A_547 = arith.extui %sign3A_546 : i1 to i32
        %sign3A_548 = arith.subi %sign3A_544, %sign3A_547 : i32
        %sign3A_549 = arith.constant 0 : i32
        %sign3A_550 = arith.cmpi sgt, %jit3A_540, %sign3A_549 : i32
        %sign3A_551 = arith.extui %sign3A_550 : i1 to i32
        %sign3A_552 = arith.constant 0 : i32
        %sign3A_553 = arith.cmpi slt, %jit3A_540, %sign3A_552 : i32
        %sign3A_554 = arith.extui %sign3A_553 : i1 to i32
        %sign3A_555 = arith.subi %sign3A_551, %sign3A_554 : i32
        %ne3A_556 = arith.cmpi ne, %sign3A_548, %sign3A_555 : i32
        %rem3A_557 = arith.remsi %add3A_519, %jit3A_540 : i32
        %ne3A_558 = arith.constant 0 : i32
        %ne3A_559 = arith.cmpi ne, %rem3A_557, %ne3A_558 : i32
        %and3A_560 = arith.andi %ne3A_556, %ne3A_559 : i1
        %sub3A_561 = arith.constant 1 : i32
        %sub3A_562 = arith.subi %div3A_541, %sub3A_561 : i32
        %select_n3A_563 = arith.select %and3A_560, %sub3A_562, %div3A_541 : i32
        %jit3A_564 = arith.constant 8 : i32
        %eq3A_565 = arith.constant 0 : i32
        %eq3A_566 = arith.cmpi eq, %jit3A_564, %eq3A_565 : i32
        %jit3A_567 = arith.constant 1 : i32
        %select_n3A_568 = arith.select %eq3A_566, %jit3A_567, %jit3A_564 : i32
        %rem3A_569 = arith.remsi %add3A_519, %select_n3A_568 : i32
        %ne3A_570 = arith.constant 0 : i32
        %ne3A_571 = arith.cmpi ne, %rem3A_569, %ne3A_570 : i32
        %lt3A_572 = arith.constant 0 : i32
        %lt3A_573 = arith.cmpi slt, %rem3A_569, %lt3A_572 : i32
        %lt3A_574 = arith.constant 0 : i32
        %lt3A_575 = arith.cmpi slt, %select_n3A_568, %lt3A_574 : i32
        %ne3A_576 = arith.xori %lt3A_573, %lt3A_575 : i1
        %and3A_577 = arith.andi %ne3A_576, %ne3A_571 : i1
        %add3A_578 = arith.addi %rem3A_569, %select_n3A_568 : i32
        %select_n3A_579 = arith.select %and3A_577, %add3A_578, %rem3A_569 : i32
        %eq3A_580 = arith.constant 6 : i32
        %eq3A_581 = arith.cmpi eq, %select_n3A_563, %eq3A_580 : i32
        %jit3A_582 = arith.constant 2 : i32
        %jit3A_583 = arith.constant 8 : i32
        %select_n3A_584 = arith.select %eq3A_581, %jit3A_582, %jit3A_583 : i32
        %mul3A_585 = arith.constant 8 : i32
        %mul3A_586 = arith.muli %select_n3A_563, %mul3A_585 : i32
        %mul3A_587 = arith.constant 2048 : i32
        %mul3A_588 = arith.muli %select_n3A_579, %mul3A_587 : i32
        "tpu.region"() ({
          %run_scoped3A = tpu.sem_alloc : memref<!tpu.dma_semaphore, #tpu.memory_space<semaphore_mem>>
          %dma_start3A = tpu.memref_slice %arg3[%mul3A_586, %mul3A_588] : memref<50x16384xi32, #tpu.memory_space<hbm>> -> memref<8x2048xi32, #tpu.memory_space<hbm>>
          %dma_start3A_607 = tpu.memref_slice %arg3[%mul3A_586, %mul3A_588] : memref<50x16384xi32, #tpu.memory_space<hbm>> -> memref<8x2048xi32, #tpu.memory_space<hbm>>
          tpu.enqueue_dma source(%dma_start3A_607 : memref<8x2048xi32, #tpu.memory_space<hbm>>) target(%arg11 : memref<8x2048xi32, #tpu.memory_space<vmem>>) target_semaphore(%run_scoped3A : memref<!tpu.dma_semaphore, #tpu.memory_space<semaphore_mem>>)
          %dma_wait3A = tpu.memref_slice %arg3[%mul3A_586, %mul3A_588] : memref<50x16384xi32, #tpu.memory_space<hbm>> -> memref<8x2048xi32, #tpu.memory_space<hbm>>
          %dma_wait3A_608 = tpu.memref_slice %arg3[%mul3A_586, %mul3A_588] : memref<50x16384xi32, #tpu.memory_space<hbm>> -> memref<8x2048xi32, #tpu.memory_space<hbm>>
          tpu.wait_dma2 semaphore(%run_scoped3A : memref<!tpu.dma_semaphore, #tpu.memory_space<semaphore_mem>>) src(%dma_wait3A_608 : memref<8x2048xi32, #tpu.memory_space<hbm>>) dst(%arg11 : memref<8x2048xi32, #tpu.memory_space<vmem>>)
          tpu.yield
        }) : () -> ()
        %sub3A_589 = arith.constant 0 : i32
        %sub3A_590 = arith.subi %select_n3A_584, %sub3A_589 : i32
        %sub3A_591 = arith.constant 1 : i32
        %sub3A_592 = arith.constant 1 : i32
        %sub3A_593 = arith.subi %sub3A_591, %sub3A_592 : i32
        %add3A_594 = arith.addi %sub3A_590, %sub3A_593 : i32
        %div3A_595 = arith.constant 1 : i32
        %div3A_596 = arith.divsi %add3A_594, %div3A_595 : i32
        %while3A = arith.constant 1 : i32
        %while3A_597 = arith.constant 0 : i32
        %while3A_598 = arith.constant 0 : i32
        %while3A_599 = arith.subi %div3A_596, %while3A_598 : i32
        %while3A_600 = arith.addi %while3A_598, %while3A_599 : i32
        %while3A_601 = arith.constant 1 : i32
        %while3A_602 = arith.divsi %while3A_599, %while3A_601 : i32
        %while3A_603 = arith.muli %while3A_602, %while3A_601 : i32
        %while3A_604 = arith.addi %while3A_598, %while3A_603 : i32
        %while3A_605 = arith.constant 1 : i32
        scf.for %while3A_607 = %while3A_598 to %while3A_604 step %while3A_605  : i32 {
          %mul3A_608 = arith.muli %while3A_607, %while3A : i32
          %add3A_609 = arith.addi %while3A_597, %mul3A_608 : i32
          %mul3A_610 = arith.constant 8 : i32
          %mul3A_611 = arith.muli %select_n3A_563, %mul3A_610 : i32
          %add3A_612 = arith.addi %mul3A_611, %add3A_609 : i32
          %mul3A_613 = arith.constant 16384 : i32
          %mul3A_614 = arith.muli %add3A_612, %mul3A_613 : i32
          %mul3A_615 = arith.constant 2048 : i32
          %mul3A_616 = arith.muli %select_n3A_579, %mul3A_615 : i32
          %add3A_617 = arith.addi %mul3A_614, %mul3A_616 : i32
          %dma_start3A = arith.constant 0 : i32
          %dma_start3A_618 = tpu.memref_slice %arg11[%add3A_609, %dma_start3A] : memref<8x2048xi32, #tpu.memory_space<vmem>> -> memref<1x2048xi32, #tpu.memory_space<vmem>>
          %dma_start3A_619 = tpu.memref_squeeze %dma_start3A_618 : memref<1x2048xi32, #tpu.memory_space<vmem>> -> memref<2048xi32, #tpu.memory_space<vmem>>
          %dma_start3A_620 = tpu.memref_slice %arg6[%add3A_617] : memref<819200xi32, #tpu.memory_space<hbm>> -> memref<2048xi32, #tpu.memory_space<hbm>>
          %dma_start3A_621 = tpu.memref_slice %arg6[%add3A_617] : memref<819200xi32, #tpu.memory_space<hbm>> -> memref<2048xi32, #tpu.memory_space<hbm>>
          %dma_start3A_622 = arith.constant 0 : i32
          %dma_start3A_623 = tpu.memref_slice %arg11[%add3A_609, %dma_start3A_622] : memref<8x2048xi32, #tpu.memory_space<vmem>> -> memref<1x2048xi32, #tpu.memory_space<vmem>>
          %dma_start3A_624 = tpu.memref_squeeze %dma_start3A_623 : memref<1x2048xi32, #tpu.memory_space<vmem>> -> memref<2048xi32, #tpu.memory_space<vmem>>
          tpu.enqueue_dma source(%dma_start3A_624 : memref<2048xi32, #tpu.memory_space<vmem>>) target(%dma_start3A_621 : memref<2048xi32, #tpu.memory_space<hbm>>) target_semaphore(%arg14 : memref<!tpu.dma_semaphore, #tpu.memory_space<semaphore_mem>>)
          %dma_wait3A = arith.constant 0 : i32
          %dma_wait3A_625 = tpu.memref_slice %arg11[%add3A_609, %dma_wait3A] : memref<8x2048xi32, #tpu.memory_space<vmem>> -> memref<1x2048xi32, #tpu.memory_space<vmem>>
          %dma_wait3A_626 = tpu.memref_squeeze %dma_wait3A_625 : memref<1x2048xi32, #tpu.memory_space<vmem>> -> memref<2048xi32, #tpu.memory_space<vmem>>
          %dma_wait3A_627 = arith.constant 0 : i32
          %dma_wait3A_628 = tpu.memref_slice %arg6[%dma_wait3A_627] : memref<819200xi32, #tpu.memory_space<hbm>> -> memref<2048xi32, #tpu.memory_space<hbm>>
          %dma_wait3A_629 = arith.constant 0 : i32
          %dma_wait3A_630 = tpu.memref_slice %arg6[%dma_wait3A_629] : memref<819200xi32, #tpu.memory_space<hbm>> -> memref<2048xi32, #tpu.memory_space<hbm>>
          %dma_wait3A_631 = arith.constant 0 : i32
          %dma_wait3A_632 = tpu.memref_slice %arg11[%add3A_609, %dma_wait3A_631] : memref<8x2048xi32, #tpu.memory_space<vmem>> -> memref<1x2048xi32, #tpu.memory_space<vmem>>
          %dma_wait3A_633 = tpu.memref_squeeze %dma_wait3A_632 : memref<1x2048xi32, #tpu.memory_space<vmem>> -> memref<2048xi32, #tpu.memory_space<vmem>>
          tpu.wait_dma2 semaphore(%arg14 : memref<!tpu.dma_semaphore, #tpu.memory_space<semaphore_mem>>) src(%dma_wait3A_633 : memref<2048xi32, #tpu.memory_space<vmem>>) dst(%dma_wait3A_630 : memref<2048xi32, #tpu.memory_space<hbm>>)
        }
        %while3A_606 = arith.constant 1 : i32
        scf.for %while3A_607 = %while3A_604 to %while3A_600 step %while3A_606  : i32 {
          %mul3A_608 = arith.muli %while3A_607, %while3A : i32
          %add3A_609 = arith.addi %while3A_597, %mul3A_608 : i32
          %mul3A_610 = arith.constant 8 : i32
          %mul3A_611 = arith.muli %select_n3A_563, %mul3A_610 : i32
          %add3A_612 = arith.addi %mul3A_611, %add3A_609 : i32
          %mul3A_613 = arith.constant 16384 : i32
          %mul3A_614 = arith.muli %add3A_612, %mul3A_613 : i32
          %mul3A_615 = arith.constant 2048 : i32
          %mul3A_616 = arith.muli %select_n3A_579, %mul3A_615 : i32
          %add3A_617 = arith.addi %mul3A_614, %mul3A_616 : i32
          %dma_start3A = arith.constant 0 : i32
          %dma_start3A_618 = tpu.memref_slice %arg11[%add3A_609, %dma_start3A] : memref<8x2048xi32, #tpu.memory_space<vmem>> -> memref<1x2048xi32, #tpu.memory_space<vmem>>
          %dma_start3A_619 = tpu.memref_squeeze %dma_start3A_618 : memref<1x2048xi32, #tpu.memory_space<vmem>> -> memref<2048xi32, #tpu.memory_space<vmem>>
          %dma_start3A_620 = tpu.memref_slice %arg6[%add3A_617] : memref<819200xi32, #tpu.memory_space<hbm>> -> memref<2048xi32, #tpu.memory_space<hbm>>
          %dma_start3A_621 = tpu.memref_slice %arg6[%add3A_617] : memref<819200xi32, #tpu.memory_space<hbm>> -> memref<2048xi32, #tpu.memory_space<hbm>>
          %dma_start3A_622 = arith.constant 0 : i32
          %dma_start3A_623 = tpu.memref_slice %arg11[%add3A_609, %dma_start3A_622] : memref<8x2048xi32, #tpu.memory_space<vmem>> -> memref<1x2048xi32, #tpu.memory_space<vmem>>
          %dma_start3A_624 = tpu.memref_squeeze %dma_start3A_623 : memref<1x2048xi32, #tpu.memory_space<vmem>> -> memref<2048xi32, #tpu.memory_space<vmem>>
          tpu.enqueue_dma source(%dma_start3A_624 : memref<2048xi32, #tpu.memory_space<vmem>>) target(%dma_start3A_621 : memref<2048xi32, #tpu.memory_space<hbm>>) target_semaphore(%arg14 : memref<!tpu.dma_semaphore, #tpu.memory_space<semaphore_mem>>)
          %dma_wait3A = arith.constant 0 : i32
          %dma_wait3A_625 = tpu.memref_slice %arg11[%add3A_609, %dma_wait3A] : memref<8x2048xi32, #tpu.memory_space<vmem>> -> memref<1x2048xi32, #tpu.memory_space<vmem>>
          %dma_wait3A_626 = tpu.memref_squeeze %dma_wait3A_625 : memref<1x2048xi32, #tpu.memory_space<vmem>> -> memref<2048xi32, #tpu.memory_space<vmem>>
          %dma_wait3A_627 = arith.constant 0 : i32
          %dma_wait3A_628 = tpu.memref_slice %arg6[%dma_wait3A_627] : memref<819200xi32, #tpu.memory_space<hbm>> -> memref<2048xi32, #tpu.memory_space<hbm>>
          %dma_wait3A_629 = arith.constant 0 : i32
          %dma_wait3A_630 = tpu.memref_slice %arg6[%dma_wait3A_629] : memref<819200xi32, #tpu.memory_space<hbm>> -> memref<2048xi32, #tpu.memory_space<hbm>>
          %dma_wait3A_631 = arith.constant 0 : i32
          %dma_wait3A_632 = tpu.memref_slice %arg11[%add3A_609, %dma_wait3A_631] : memref<8x2048xi32, #tpu.memory_space<vmem>> -> memref<1x2048xi32, #tpu.memory_space<vmem>>
          %dma_wait3A_633 = tpu.memref_squeeze %dma_wait3A_632 : memref<1x2048xi32, #tpu.memory_space<vmem>> -> memref<2048xi32, #tpu.memory_space<vmem>>
          tpu.wait_dma2 semaphore(%arg14 : memref<!tpu.dma_semaphore, #tpu.memory_space<semaphore_mem>>) src(%dma_wait3A_633 : memref<2048xi32, #tpu.memory_space<vmem>>) dst(%dma_wait3A_630 : memref<2048xi32, #tpu.memory_space<hbm>>)
        }
      } else {
      }
    }
    %scan3A_514 = arith.constant 56 : i32
    return
  }
}

</mosaic_0001>

<sc_bundles>
// kernel: _embed.4.cloned.1.call-start
scs
__scs_entry_jumppad:
0x0: {  	(pc) =	sbr.rel $0x88, $3  }
0x1: {  	(tag) =	ssettag $0x0;
	lr =	simm.s32 $0x1  }
0x2: {  	[smem:$0x3F9F] =	sst lr;
	_ =	strace $0xD0000000  }
0x3: {  	_ = 	snop  }
0x4: {  	_ = 	snop  }
0x5: {  	_ = 	snop  }
0x6: {  	_ = 	snop  }
0x7: {  	_ = 	snop  }
__scs_overlays_trampoline_lowered:
0x8: {  	[smem:$0x3FAE] =	sst s0  }
0x9: {  	[smem:$0x3FAF] =	sst s1  }
0xa: {  	[smem:$0x3FB0] =	sst s2  }
0xb: {  	[smem:$0x3FB1] =	sst s3  }
0xc: {  	[smem:$0x3FB2] =	sst s4  }
0xd: {  	[smem:$0x3FB3] =	sst s5  }
0xe: {  	[smem:$0x3FB4] =	sst s6  }
0xf: {  	[smem:$0x3FB5] =	sst s7  }
0x10: {  	[smem:$0x3FB6] =	sst s8  }
0x11: {  	[smem:$0x3FB7] =	sst s9;
	s0 =	simm.s32 @!p0 $0x0  }
0x12: {  	s1 =	sld [smem:$0x3F9D];
	s0 =	simm.s32 @p0 $0x1  }
0x13: {  	[smem:$0x3FB8] =	sst s0;
	s0 =	simm.s32 @!p1 $0x0  }
0x14: {  	s2 =	sld [smem:$0x3F9C];
	s0 =	simm.s32 @p1 $0x1  }
0x15: {  	[smem:$0x3FB9] =	sst s0;
	s0 =	simm.s32 @!p2 $0x0  }
0x16: {  	s3 =	sld [smem:$0x3FDB];
	s0 =	simm.s32 @p2 $0x1  }
0x17: {  	s4 =	simm.s32 $0x1BF5;
	[smem:$0x3FBB] =	sst s0  }
0x18: {  	s0 =	sld [smem:$0x3F9E];
	_ =	swait.ge [sflag:s4], $0x0  }
0x19: {  	s7 =	sld [smem:$0x3F9F]  }
0x1a: {  	s8 =	sadd.s32 $0xFFFFE003, lr  }
0x1b: {  	s9 =	sadd.s32 $0xFFFFFEF7, lr;
	s5 =	simm.s32 $0xFFFFFFFF;
	p2 =	slt.u32 s8, $0xFFFFF086  }
0x1c: {  	p1 =	slt.u32 s9, $0xF7A;
	s5 =	simm.s32 @!p2 $0x0  }
0x1d: {  	s5 =	simm.s32 @p1 $0x1;
	p0 =	seq.s32 s7, s2  }
0x1e: {  	s7 =	smul.u32 @!p0 $0xF7A, s2;
	p2 =	seq.s32 @!p0 s5, $0x0  }
0x1f: {  	s9 =	smul.u32 $0xF7A, s1;
	s8 =	simm.s32 @!p0 $0x1BF5;
	p2 =	por !p2, p0  }
0x20: {  	[sflag:s8] =	ssyncset.s32 @!p0 $0xFFFFF086;
	s6 =	sadd.s32 @!p0 s3, s7;
	s7 =	simm.s32 @!p0 $0x108  }
0x21: {  	s3 =	sadd.s32 s3, s9;
	s6 =	sadd.s32 @!p0 $0x88, s6;
	s7 =	simm.s32 @p2 $0x1082  }
0x22: {  	[simem:s7], [sflag:s8] =	dma.local @!p0 [hbm:s6], $0xF7A  }
0x23: {  	s9 =	sor.u32 $0xD0000000, s2;
	s6 =	simm.s32 $0x108;
	_ =	swait.ge @!p0 [sflag:s8], $0x0  }
0x24: {  	s3 =	sadd.s32 $0x88, s3;
	s6 =	simm.s32 @!p1 $0x1082;
	[sflag:s4] =	ssyncset.s32 $0xFFFFF086  }
0x25: {  	[simem:s6], [sflag:s4] =	dma.local [hbm:s3], $0xF7A  }
0x26: {  	[smem:$0x3F9F] =	sst s1;
	(tag) =	ssettag s2;
	_ =	strace s9  }
0x27: {  	s1 =	sld [smem:$0x3FAF]  }
0x28: {  	s2 =	sld [smem:$0x3FB0]  }
0x29: {  	s4 =	sld [smem:$0x3FB2]  }
0x2a: {  	p0 =	seq.s32 s5, $0x0;
	s5 =	sld [smem:$0x3FB3]  }
0x2b: {  	s6 =	sld [smem:$0x3FB4]  }
0x2c: {  	s7 =	sld [smem:$0x3FB5]  }
0x2d: {  	s3 =	simm.s32 $0x108;
	s8 =	sld [smem:$0x3FB6]  }
0x2e: {  	s3 =	simm.s32 @!p0 $0x1082;
	s9 =	sld [smem:$0x3FB7]  }
0x2f: {  	lr =	sadd.s32 s0, s3;
	s0 =	sld [smem:$0x3FAE]  }
0x30: {  	s3 =	sld [smem:$0x3FB1]  }
0x31: {  	[smem:$0x3FBA] =	sst s10  }
0x32: {  	s10 =	sld [smem:$0x3FB8];
	_ =	sdelay $0x3  }
0x33: {  	p0 =	seq.s32 s10, $0x1;
	s10 =	sld [smem:$0x3FBA];
	_ =	sdelay $0x3  }
0x34: {  	[smem:$0x3FBA] =	sst s10  }
0x35: {  	s10 =	sld [smem:$0x3FB9];
	_ =	sdelay $0x3  }
0x36: {  	p1 =	seq.s32 s10, $0x1;
	s10 =	sld [smem:$0x3FBA];
	_ =	sdelay $0x3  }
0x37: {  	[smem:$0x3FBA] =	sst s10  }
0x38: {  	s10 =	sld [smem:$0x3FBB]  }
0x39: {  	_ = 	snop;
	(pc) =	sbr.ind lr, $3  }
0x3a: {  	_ = 	snop  }
0x3b: {  	_ = 	snop  }
0x3c: {  	p2 =	seq.s32 s10, $0x1;
	s10 =	sld [smem:$0x3FBA]  }
0x3d: {  	_ =	shalt  }
0x3e: {  	_ =	shalt  }
0x3f: {  	_ =	shalt  }
0x40: {  	_ =	shalt  }
0x41: {  	_ =	shalt  }
0x42: {  	_ =	shalt  }
0x43: {  	_ =	shalt  }
0x44: {  	_ =	shalt  }
0x45: {  	_ =	shalt  }
0x46: {  	_ =	shalt  }
0x47: {  	_ =	shalt  }
0x48: {  	_ =	shalt  }
0x49: {  	_ =	shalt  }
0x4a: {  	_ =	shalt  }
0x4b: {  	_ =	shalt  }
0x4c: {  	_ =	shalt  }
0x4d: {  	_ =	shalt  }
0x4e: {  	_ =	shalt  }
0x4f: {  	_ =	shalt  }
0x50: {  	_ =	shalt  }
0x51: {  	_ =	shalt  }
0x52: {  	_ =	shalt  }
0x53: {  	_ =	shalt  }
0x54: {  	_ =	shalt  }
0x55: {  	_ =	shalt  }
0x56: {  	_ =	shalt  }
0x57: {  	_ =	shalt  }
0x58: {  	_ =	shalt  }
0x59: {  	_ =	shalt  }
0x5a: {  	_ =	shalt  }
0x5b: {  	_ =	shalt  }
0x5c: {  	_ =	shalt  }
0x5d: {  	_ =	shalt  }
0x5e: {  	_ =	shalt  }
0x5f: {  	_ =	shalt  }
0x60: {  	_ =	shalt  }
0x61: {  	_ =	shalt  }
0x62: {  	_ =	shalt  }
0x63: {  	_ =	shalt  }
0x64: {  	_ =	shalt  }
0x65: {  	_ =	shalt  }
0x66: {  	_ =	shalt  }
0x67: {  	_ =	shalt  }
0x68: {  	_ =	shalt  }
0x69: {  	_ =	shalt  }
0x6a: {  	_ =	shalt  }
0x6b: {  	_ =	shalt  }
0x6c: {  	_ =	shalt  }
0x6d: {  	_ =	shalt  }
0x6e: {  	_ =	shalt  }
0x6f: {  	_ =	shalt  }
0x70: {  	_ =	shalt  }
0x71: {  	_ =	shalt  }
0x72: {  	_ =	shalt  }
0x73: {  	_ =	shalt  }
0x74: {  	_ =	shalt  }
0x75: {  	_ =	shalt  }
0x76: {  	_ =	shalt  }
0x77: {  	_ =	shalt  }
0x78: {  	_ =	shalt  }
0x79: {  	_ =	shalt  }
0x7a: {  	_ =	shalt  }
0x7b: {  	_ =	shalt  }
0x7c: {  	_ =	shalt  }
0x7d: {  	_ =	shalt  }
0x7e: {  	_ =	shalt  }
0x7f: {  	_ =	shalt  }
0x80: {  	_ =	shalt  }
0x81: {  	_ =	shalt  }
0x82: {  	_ =	shalt  }
0x83: {  	_ =	shalt  }
0x84: {  	_ =	shalt  }
0x85: {  	_ =	shalt  }
0x86: {  	_ =	shalt  }
0x87: {  	_ =	shalt  }
.Lfunc_end0:
.L_simem_size_0:
called_computation.1_lowered:
.L_overlay_start_0:
0x88: {  	s2 =	sld [smem:$0x3FD9]  }
0x89: {  	s3 =	sld [smem:$0x3FFE];
	_ =	sdelay $0x1  }
0x8a: {  	s1 =	srdreg.scid  }
0x8b: {  	s0 =	sand.u32 $0x1, s1  }
0x8c: {  	s17 =	sshll.u32 s0, $0xA;
	s2 =	sadd.s32 s3, s2  }
0x8d: {  	s2 =	sadd.s32 s2, s17  }
0x8e: {  	[smem:$0x3FC6] =	sst s2  }
0x8f: {  	_ = 	snop  }
0x90: {  	s2 =	sld [smem:$0x3FC9]  }
0x91: {  	s18 =	sld [smem:$0x3FC8]  }
0x92: {  	s4 =	sld [smem:$0x3FD0];
	(tm) =	ssettm $0x1  }
0x93: {  	s5 =	sld [smem:$0x3FFB];
	_ =	sdelay $0x3  }
0x94: {  	_ =	strace s5  }
0x95: {  	s5 =	sld [smem:$0x3FFC];
	_ =	sdelay $0x3  }
0x96: {  	_ =	strace s5  }
0x97: {  	s5 =	sld [smem:$0x3FFD];
	_ =	sdelay $0x3  }
0x98: {  	_ =	strace s5  }
0x99: {  	_ =	strace $0x8FFFFFFF  }
0x9a: {  	s19 =	sld [smem:$0x3FDB];
	_ =	sdelay $0x1  }
0x9b: {  	s6 =	simm.s32 $_scs_section_size  }
0x9c: {  	s7 =	simm.s32 $_size__tile_overlayer_lowered;
	s8 =	simm.s32 $_tile_overlayer_lowered  }
0x9d: {  	s22 =	simm.s32 $0x1BFF;
	s21 =	sshll.u32 s8, $0x1;
	s5 =	sadd.s32 s6, s19  }
0x9e: {  	s9 =	simm.s32 $0x0;
	s20 =	sshll.u32 s7, $0x1;
	s7 =	sadd.s32 s21, s5  }
0x9f: {  	[timem:s9], [sflag:s22] =	dma.local [hbm:s7], s20  }
0xa0: {  	_ =	swait.ge [sflag:s22], s20  }
0xa1: {  	s6 =	ssub.s32 $0x0, s20;
	[sflag:s22] =	ssyncset.done $0x0  }
0xa2: {  	[sflag:s22] =	ssyncadd.s32 s6;
	_ =	sdelay $0x1  }
0xa3: {  	s23 =	simm.s32 $0x1B8B  }
0xa4: {  	_ =	swait.ge [sflag:s23], $0x1  }
0xa5: {  	[sflag:s23] =	ssyncset.done $0x0  }
0xa6: {  	s25 =	simm.s32 $0x1B8E;
	s24 =	sld [smem:$0x3FFE];
	[sflag:s23] =	ssyncadd.s32 $0xFFFFFFFF  }
0xa7: {  	s26 =	simm.s32 $execute0_lowered;
	[smem:$0x3FD2] =	sst s25  }
0xa8: {  	s7 =	sshll.u32 s26, $0x1;
	_ =	strace $0x80000046;
	[dreg:$0x1] =	wrdreg $0xFFFFFFFF  }
0xa9: {  	s28 =	simm.s32 $_size_execute0_lowered;
	s5 =	sadd.s32 s5, s7;
	[dreg:$0x0] =	wrdreg $0x0  }
0xaa: {  	s7 =	sshll.u32 s28, $0x1;
	[dreg:$0x2] =	wrdreg s5  }
0xab: {  	[dreg:$0x3] =	wrdreg s7  }
0xac: {  	[dreg:$0x4] =	wrdreg $0xC0  }
0xad: {  	_ =	task [dreg:s9], $0x5FFFF  }
0xae: {  	[dreg:$0x1] =	wrdreg $0xFFFFFFFF  }
0xaf: {  	[dreg:$0x0] =	wrdreg $0x60  }
0xb0: {  	[dreg:$0x2] =	wrdreg s18  }
0xb1: {  	[dreg:$0x3] =	wrdreg s2  }
0xb2: {  	[dreg:$0x4] =	wrdreg s4  }
0xb3: {  	[dreg:$0x5] =	wrdreg s24  }
0xb4: {  	[dreg:$0x6] =	wrdreg $0x9  }
0xb5: {  	_ =	task.clear_ibuf [dreg:s9], $0x7FFFF;
	_ =	strace $0x90000046  }
0xb6: {  	s29 =	simm.s32 $0x9;
	_ =	strace $0x80000048  }
0xb7: {  	_ =	swait.ge [sflag:s29], $0x1  }
0xb8: {  	[sflag:s29] =	ssyncadd.s32 $0xFFFFFFFF  }
0xb9: {  	_ =	strace $0x90000048  }
0xba: {  	_ =	sfence  }
0xbb: {  	s30 =	sld [smem:$0x0];
	_ =	sdelay $0x2  }
0xbc: {  	s31 =	sshll.u32 s1, $0xD;
	s1 =	sshrl.u32 s1, $0x2  }
0xbd: {  	s3 =	sand.u32 $0x4000, s31;
	s1 =	sadd.s32 s1, s30  }
0xbe: {  	s0 =	sor.u32 s3, s0;
	s1 =	sshll.u32 s1, $0x11  }
0xbf: {  	s0 =	sor.u32 s1, s0  }
0xc0: {  	s0 =	sadd.s32 $0x8F2B, s0  }
0xc1: {  	[sflag:s0] =	ssyncadd.remote.s32 $0x1  }
0xc2: {  	_ =	sfence.sel $0xFFFF  }
0xc3: {  	[dreg:$0x0] =	wrdreg $0xFFFFFFFF;
	(pc) =	sbr.abs _section_cstart, $3  }
0xc4: {  	[dreg:$0x1] =	wrdreg $0xFFFFFFFF  }
0xc5: {  	_ =	task.clear_ibuf [dreg:s9], $0x2FFFF;
	_ =	strace $0x9FFFFFFF  }
0xc6: {  	(tm) =	ssettm $0x7FFFFFFF  }
0xc7: {  	_ =	shalt  }
tec
execute0_lowered:
.L_overlay_start_1:
0x0: {  	(tag) =	ssettag $0x1  }
0x1: {  	vm10 =	vcmask $0x300;
	vm9 =	vcmask $0x704  }
0x2: {  	vm8 =	vcmask $0xB08;
	vm7 =	vcmask $0xF0C;
	vm6 =	vcmask $0x1310  }
0x3: {  	vm5 =	vcmask $0x1714;
	vm4 =	vcmask $0x1B18;
	v0 =	vimm.s32 $0x83624120  }
0x4: {  	vm3 =	vcmask $0x1F1C;
	vm2 =	vcmask $0x2320;
	vm1 =	vcmask $0x2724  }
0x5: {  	vm0 =	vcmask $0x2B28;
	v1 =	vimm.s32 $0xE6C5A4;
	vm11 =	vcmask $0xF00  }
0x6: {  	v2 =	vimm.s32 $0xA3826140;
	v3 =	vimm.s32 $0x168;
	vm12 =	vcmask $0x1B10  }
0x7: {  	v4 =	vimm.s32 $0xE2C1A0;
	vm13 =	vcmask $0xB00;
	vm14 =	vcmask $0x1F14  }
0x8: {  	v7 =	vimm.s32 $0x10F;
	v8 =	vimm.s32 $0x12F;
	v10 =	vimm.s32 $0x8BEECDAC  }
0x9: {  	v12 =	vimm.s32 $0x14F;
	vm15 =	vcmask $0x3324;
	v13 =	vimm.s32 $0xCBAA89EC  }
0xa: {  	v14 =	vimm.s32 $0x783;
	v15 =	vimm.s32 $0x784;
	v16 =	vimm.s32 $0x785  }
0xb: {  	v18 =	vimm.s32 $0x786;
	v19 =	vimm.s32 $0x787;
	v20 =	vimm.s32 $0x788  }
0xc: {  	v21 =	vimm.s32 $0x789;
	v22 =	vimm.s32 $0x78A;
	v23 =	vimm.s32 $0x78B  }
0xd: {  	v24 =	vimm.s32 $0x78C;
	v25 =	vimm.s32 $0x78D;
	v26 =	vimm.s32 $0x78E  }
0xe: {  	v27 =	vimm.s32 $0xF80;
	v28 =	vimm.s32 $0xF81;
	v29 =	vimm.s32 $0xF82  }
0xf: {  	v30 =	vimm.s32 $0xF83;
	v31 =	vimm.s32 $0xF84;
	v32 =	vimm.s32 $0xF85  }
0x10: {  	v33 =	vimm.s32 $0xF86;
	v34 =	vimm.s32 $0xF87;
	v35 =	vimm.s32 $0xF88  }
0x11: {  	v36 =	vimm.s32 $0xF89;
	v37 =	vimm.s32 $0xF8A;
	v38 =	vimm.s32 $0xF8B  }
0x12: {  	v39 =	vimm.s32 $0xF8C;
	v40 =	vimm.s32 $0xF8D;
	v41 =	vimm.s32 $0xF8E  }
0x13: {  	v42 =	vimm.s32 $0x100;
	v45 =	vimm.s32 $0xC3A28160;
	v47 =	vimm.s32 $0xE3C2A180  }
0x14: {  	v49 =	vlaneseq.u32;
	v0 =	vunpack.c.0.s8.s32 v0;
	v1 =	vunpack.c.0.s8.s32 v1  }
0x15: {  	v2 =	vunpack.c.0.s8.s32 v2;
	v3 =	vsel vm9, $0x189, v3;
	v4 =	vunpack.c.0.s8.s32 v4  }
0x16: {  	v7 =	vsel vm10, $0x120, v7;
	v8 =	vsel vm10, $0x140, v8;
	v10 =	vunpack.c.0.s8.s32 v10  }
0x17: {  	v14 =	vsel vm10, $0x4, v14;
	v15 =	vsel vm10, $0x5, v15;
	v16 =	vsel vm10, $0x6, v16  }
0x18: {  	v18 =	vsel vm10, $0x7, v18;
	v19 =	vsel vm10, $0x8, v19;
	v20 =	vsel vm10, $0x9, v20  }
0x19: {  	v21 =	vsel vm10, $0xA, v21;
	v22 =	vsel vm10, $0xB, v22;
	v23 =	vsel vm10, $0xC, v23  }
0x1a: {  	v24 =	vsel vm10, $0xD, v24;
	v25 =	vsel vm10, $0xE, v25;
	v26 =	vsel vm10, $0xF, v26  }
0x1b: {  	v27 =	vsel vm10, $0x801, v27;
	v28 =	vsel vm10, $0x802, v28;
	v29 =	vsel vm10, $0x803, v29  }
0x1c: {  	v30 =	vsel vm10, $0x804, v30;
	v31 =	vsel vm10, $0x805, v31;
	v32 =	vsel vm10, $0x806, v32  }
0x1d: {  	v33 =	vsel vm10, $0x807, v33;
	v34 =	vsel vm10, $0x808, v34;
	v35 =	vsel vm10, $0x809, v35  }
0x1e: {  	v36 =	vsel vm10, $0x80A, v36;
	v37 =	vsel vm10, $0x80B, v37;
	v38 =	vsel vm10, $0x80C, v38  }
0x1f: {  	v39 =	vsel vm10, $0x80D, v39;
	v40 =	vsel vm10, $0x80E, v40;
	v41 =	vsel vm10, $0x80F, v41  }
0x20: {  	v42 =	vsel vm9, $0x121, v42;
	v45 =	vunpack.c.0.s8.s32 v45;
	v47 =	vunpack.c.0.s8.s32 v47  }
0x21: {  	v3 =	vsel vm8, $0x1AA, v3;
	v7 =	vsel vm9, $0x141, v7;
	v8 =	vsel vm9, $0x161, v8  }
0x22: {  	v14 =	vsel vm9, $0x85, v14;
	v15 =	vsel vm9, $0x86, v15;
	v16 =	vsel vm9, $0x87, v16  }
0x23: {  	v18 =	vsel vm9, $0x88, v18;
	v19 =	vsel vm9, $0x89, v19;
	v20 =	vsel vm9, $0x8A, v20  }
0x24: {  	v21 =	vsel vm9, $0x8B, v21;
	v22 =	vsel vm9, $0x8C, v22;
	v23 =	vsel vm9, $0x8D, v23  }
0x25: {  	v24 =	vsel vm9, $0x8E, v24;
	v25 =	vsel vm9, $0x8F, v25;
	v26 =	vsel vm9, $0x80, v26  }
0x26: {  	v27 =	vsel vm9, $0x882, v27;
	v28 =	vsel vm9, $0x883, v28;
	v29 =	vsel vm9, $0x884, v29  }
0x27: {  	v30 =	vsel vm9, $0x885, v30;
	v31 =	vsel vm9, $0x886, v31;
	v32 =	vsel vm9, $0x887, v32  }
0x28: {  	v33 =	vsel vm9, $0x888, v33;
	v34 =	vsel vm9, $0x889, v34;
	v35 =	vsel vm9, $0x88A, v35  }
0x29: {  	v36 =	vsel vm9, $0x88B, v36;
	v37 =	vsel vm9, $0x88C, v37;
	v38 =	vsel vm9, $0x88D, v38  }
0x2a: {  	v39 =	vsel vm9, $0x88E, v39;
	v40 =	vsel vm9, $0x88F, v40;
	v41 =	vsel vm9, $0x880, v41  }
0x2b: {  	v42 =	vsel vm8, $0x142, v42;
	v0 =	vand.u32 $0xFF, v0;
	v1 =	vand.u32 $0xFF, v1  }
0x2c: {  	v2 =	vand.u32 $0xFF, v2;
	v3 =	vsel vm7, $0x1CB, v3;
	v7 =	vsel vm8, $0x162, v7  }
0x2d: {  	v10 =	vand.u32 $0xFF, v10;
	v14 =	vsel vm8, $0x106, v14;
	v15 =	vsel vm8, $0x107, v15  }
0x2e: {  	v16 =	vsel vm8, $0x108, v16;
	v18 =	vsel vm8, $0x109, v18;
	v19 =	vsel vm8, $0x10A, v19  }
0x2f: {  	v20 =	vsel vm8, $0x10B, v20;
	v21 =	vsel vm8, $0x10C, v21;
	v22 =	vsel vm8, $0x10D, v22  }
0x30: {  	v23 =	vsel vm8, $0x10E, v23;
	v24 =	vsel vm8, $0x10F, v24;
	v25 =	vsel vm8, $0x100, v25  }
0x31: {  	v26 =	vsel vm8, $0x101, v26;
	v27 =	vsel vm8, $0x903, v27;
	v28 =	vsel vm8, $0x904, v28  }
0x32: {  	v29 =	vsel vm8, $0x905, v29;
	v30 =	vsel vm8, $0x906, v30;
	v31 =	vsel vm8, $0x907, v31  }
0x33: {  	v32 =	vsel vm8, $0x908, v32;
	v33 =	vsel vm8, $0x909, v33;
	v34 =	vsel vm8, $0x90A, v34  }
0x34: {  	v35 =	vsel vm8, $0x90B, v35;
	v36 =	vsel vm8, $0x90C, v36;
	v37 =	vsel vm8, $0x90D, v37  }
0x35: {  	v38 =	vsel vm8, $0x90E, v38;
	v39 =	vsel vm8, $0x90F, v39;
	v40 =	vsel vm8, $0x900, v40  }
0x36: {  	v41 =	vsel vm8, $0x901, v41;
	v42 =	vsel vm7, $0x163, v42;
	v45 =	vand.u32 $0xFF, v45  }
0x37: {  	v47 =	vand.u32 $0xFF, v47;
	v0 =	vnsel vm11, $0xF, v0;
	v9 =	vnsel vm11, $0x2F, v2  }
0x38: {  	v2 =	vand.u32 $0xFF, v4;
	vm11 =	vcmask $0x1F10;
	v4 =	vimm.s32 $0xCF  }
0x39: {  	v14 =	vsel vm7, $0x187, v14;
	v15 =	vsel vm7, $0x188, v15;
	v16 =	vsel vm7, $0x189, v16  }
0x3a: {  	v18 =	vsel vm7, $0x18A, v18;
	v19 =	vsel vm7, $0x18B, v19;
	v20 =	vsel vm7, $0x18C, v20  }
0x3b: {  	v21 =	vsel vm7, $0x18D, v21;
	v22 =	vsel vm7, $0x18E, v22;
	v23 =	vsel vm7, $0x18F, v23  }
0x3c: {  	v24 =	vsel vm7, $0x180, v24;
	v25 =	vsel vm7, $0x181, v25;
	v26 =	vsel vm7, $0x182, v26  }
0x3d: {  	v27 =	vsel vm7, $0x984, v27;
	v28 =	vsel vm7, $0x985, v28;
	v29 =	vsel vm7, $0x986, v29  }
0x3e: {  	v30 =	vsel vm7, $0x987, v30;
	v31 =	vsel vm7, $0x988, v31;
	v32 =	vsel vm7, $0x989, v32  }
0x3f: {  	v33 =	vsel vm7, $0x98A, v33;
	v34 =	vsel vm7, $0x98B, v34;
	v35 =	vsel vm7, $0x98C, v35  }
0x40: {  	v36 =	vsel vm7, $0x98D, v36;
	v37 =	vsel vm7, $0x98E, v37;
	v38 =	vsel vm7, $0x98F, v38  }
0x41: {  	v39 =	vsel vm7, $0x980, v39;
	v40 =	vsel vm7, $0x981, v40;
	v41 =	vsel vm7, $0x982, v41  }
0x42: {  	v45 =	vsel vm6, $0xE4, v45;
	v47 =	vsel vm6, $0x104, v47;
	v42 =	vsel vm6, $0x184, v42  }
0x43: {  	v6 =	vsel vm12, v1, v0;
	v0 =	vsel vm6, $0x1EC, v3;
	v1 =	vimm.s32 $0x4F2E0D00  }
0x44: {  	v3 =	vimm.s32 $0x188;
	v2 =	vnsel vm13, $0x8F, v2;
	vm13 =	vcmask $0x3B2C  }
0x45: {  	v4 =	vsel vm10, $0xE0, v4;
	vm12 =	vcmask $0x2B1C;
	v9 =	vsel vm6, $0xC4, v9  }
0x46: {  	v14 =	vsel vm6, $0x208, v14;
	v15 =	vsel vm6, $0x209, v15;
	v16 =	vsel vm6, $0x20A, v16  }
0x47: {  	v18 =	vsel vm6, $0x20B, v18;
	v19 =	vsel vm6, $0x20C, v19;
	v20 =	vsel vm6, $0x20D, v20  }
0x48: {  	v21 =	vsel vm6, $0x20E, v21;
	v22 =	vsel vm6, $0x20F, v22;
	v23 =	vsel vm6, $0x200, v23  }
0x49: {  	v24 =	vsel vm6, $0x201, v24;
	v25 =	vsel vm6, $0x202, v25;
	v26 =	vsel vm6, $0x203, v26  }
0x4a: {  	v27 =	vsel vm6, $0xA05, v27;
	v28 =	vsel vm6, $0xA06, v28;
	v29 =	vsel vm6, $0xA07, v29  }
0x4b: {  	v30 =	vsel vm6, $0xA08, v30;
	v31 =	vsel vm6, $0xA09, v31;
	v32 =	vsel vm6, $0xA0A, v32  }
0x4c: {  	v33 =	vsel vm6, $0xA0B, v33;
	v34 =	vsel vm6, $0xA0C, v34;
	v35 =	vsel vm6, $0xA0D, v35  }
0x4d: {  	v36 =	vsel vm6, $0xA0E, v36;
	v37 =	vsel vm6, $0xA0F, v37;
	v38 =	vsel vm6, $0xA00, v38  }
0x4e: {  	v39 =	vsel vm6, $0xA01, v39;
	v40 =	vsel vm6, $0xA02, v40;
	v41 =	vsel vm6, $0xA03, v41  }
0x4f: {  	v45 =	vsel vm5, $0x105, v45;
	v47 =	vsel vm5, $0x125, v47;
	v42 =	vsel vm5, $0x1A5, v42  }
0x50: {  	v1 =	vunpack.c.0.s8.s32 v1;
	v3 =	vsel vm9, $0x1A9, v3;
	v2 =	vsel vm7, $0x103, v2  }
0x51: {  	v9 =	vsel vm5, $0xE5, v9;
	v14 =	vsel vm5, $0x289, v14;
	v15 =	vsel vm5, $0x28A, v15  }
0x52: {  	v16 =	vsel vm5, $0x28B, v16;
	v18 =	vsel vm5, $0x28C, v18;
	v19 =	vsel vm5, $0x28D, v19  }
0x53: {  	v20 =	vsel vm5, $0x28E, v20;
	v21 =	vsel vm5, $0x28F, v21;
	v22 =	vsel vm5, $0x280, v22  }
0x54: {  	v23 =	vsel vm5, $0x281, v23;
	v24 =	vsel vm5, $0x282, v24;
	v25 =	vsel vm5, $0x283, v25  }
0x55: {  	v26 =	vsel vm5, $0x284, v26;
	v27 =	vsel vm5, $0xA86, v27;
	v28 =	vsel vm5, $0xA87, v28  }
0x56: {  	v29 =	vsel vm5, $0xA88, v29;
	v30 =	vsel vm5, $0xA89, v30;
	v31 =	vsel vm5, $0xA8A, v31  }
0x57: {  	v32 =	vsel vm5, $0xA8B, v32;
	v33 =	vsel vm5, $0xA8C, v33;
	v34 =	vsel vm5, $0xA8D, v34  }
0x58: {  	v35 =	vsel vm5, $0xA8E, v35;
	v36 =	vsel vm5, $0xA8F, v36;
	v37 =	vsel vm5, $0xA80, v37  }
0x59: {  	v38 =	vsel vm5, $0xA81, v38;
	v39 =	vsel vm5, $0xA82, v39;
	v40 =	vsel vm5, $0xA83, v40  }
0x5a: {  	v41 =	vsel vm5, $0xA84, v41;
	v45 =	vsel vm4, $0x126, v45;
	v47 =	vsel vm4, $0x146, v47  }
0x5b: {  	v42 =	vsel vm4, $0x1C6, v42;
	v6 =	vsel vm3, $0x107, v6;
	v9 =	vsel vm4, $0x106, v9  }
0x5c: {  	v14 =	vsel vm4, $0x30A, v14;
	v15 =	vsel vm4, $0x30B, v15;
	v16 =	vsel vm4, $0x30C, v16  }
0x5d: {  	v18 =	vsel vm4, $0x30D, v18;
	v19 =	vsel vm4, $0x30E, v19;
	v20 =	vsel vm4, $0x30F, v20  }
0x5e: {  	v21 =	vsel vm4, $0x300, v21;
	v22 =	vsel vm4, $0x301, v22;
	v23 =	vsel vm4, $0x302, v23  }
0x5f: {  	v24 =	vsel vm4, $0x303, v24;
	v25 =	vsel vm4, $0x304, v25;
	v26 =	vsel vm4, $0x305, v26  }
0x60: {  	v27 =	vsel vm4, $0xB07, v27;
	v28 =	vsel vm4, $0xB08, v28;
	v29 =	vsel vm4, $0xB09, v29  }
0x61: {  	v30 =	vsel vm4, $0xB0A, v30;
	v31 =	vsel vm4, $0xB0B, v31;
	v32 =	vsel vm4, $0xB0C, v32  }
0x62: {  	v33 =	vsel vm4, $0xB0D, v33;
	v34 =	vsel vm4, $0xB0E, v34;
	v35 =	vsel vm4, $0xB0F, v35  }
0x63: {  	v36 =	vsel vm4, $0xB00, v36;
	v37 =	vsel vm4, $0xB01, v37;
	v38 =	vsel vm4, $0xB02, v38  }
0x64: {  	v39 =	vsel vm4, $0xB03, v39;
	v40 =	vsel vm4, $0xB04, v40;
	v41 =	vsel vm4, $0xB05, v41  }
0x65: {  	v43 =	vsel vm3, $0x147, v45;
	v56 =	vsel vm3, $0x167, v47;
	v42 =	vsel vm3, $0x1E7, v42  }
0x66: {  	v6 =	vsel vm2, $0x128, v6;
	v0 =	vsel vm14, v1, v0;
	v1 =	vsel vm6, $0x124, v2  }
0x67: {  	vm14 =	vcmask $0x3728;
	v9 =	vsel vm3, $0x127, v9;
	v14 =	vsel vm3, $0x38B, v14  }
0x68: {  	v15 =	vsel vm3, $0x38C, v15;
	v16 =	vsel vm3, $0x38D, v16;
	v18 =	vsel vm3, $0x38E, v18  }
0x69: {  	v19 =	vsel vm3, $0x38F, v19;
	v20 =	vsel vm3, $0x380, v20;
	v21 =	vsel vm3, $0x381, v21  }
0x6a: {  	v22 =	vsel vm3, $0x382, v22;
	v23 =	vsel vm3, $0x383, v23;
	v24 =	vsel vm3, $0x384, v24  }
0x6b: {  	v25 =	vsel vm3, $0x385, v25;
	v26 =	vsel vm3, $0x386, v26;
	v27 =	vsel vm3, $0xB88, v27  }
0x6c: {  	v28 =	vsel vm3, $0xB89, v28;
	v29 =	vsel vm3, $0xB8A, v29;
	v30 =	vsel vm3, $0xB8B, v30  }
0x6d: {  	v31 =	vsel vm3, $0xB8C, v31;
	v32 =	vsel vm3, $0xB8D, v32;
	v33 =	vsel vm3, $0xB8E, v33  }
0x6e: {  	v34 =	vsel vm3, $0xB8F, v34;
	v35 =	vsel vm3, $0xB80, v35;
	v36 =	vsel vm3, $0xB81, v36  }
0x6f: {  	v37 =	vsel vm3, $0xB82, v37;
	v38 =	vsel vm3, $0xB83, v38;
	v39 =	vsel vm3, $0xB84, v39  }
0x70: {  	v40 =	vsel vm3, $0xB85, v40;
	v41 =	vsel vm3, $0xB86, v41;
	v6 =	vsel vm1, $0x149, v6  }
0x71: {  	[tilespmem:$0x1FFA0] =	vst v0;
	v0 =	vsel vm8, $0x1CA, v3;
	v3 =	vimm.s32 $0x6F4E2D0C;
	v9 =	vsel vm2, $0x148, v9  }
0x72: {  	v14 =	vsel vm2, $0x40C, v14;
	v15 =	vsel vm2, $0x40D, v15;
	v16 =	vsel vm2, $0x40E, v16  }
0x73: {  	v18 =	vsel vm2, $0x40F, v18;
	v19 =	vsel vm2, $0x400, v19;
	v20 =	vsel vm2, $0x401, v20  }
0x74: {  	v21 =	vsel vm2, $0x402, v21;
	v22 =	vsel vm2, $0x403, v22;
	v23 =	vsel vm2, $0x404, v23  }
0x75: {  	v24 =	vsel vm2, $0x405, v24;
	v25 =	vsel vm2, $0x406, v25;
	v26 =	vsel vm2, $0x407, v26  }
0x76: {  	v27 =	vsel vm2, $0xC09, v27;
	v28 =	vsel vm2, $0xC0A, v28;
	v29 =	vsel vm2, $0xC0B, v29  }
0x77: {  	v30 =	vsel vm2, $0xC0C, v30;
	v31 =	vsel vm2, $0xC0D, v31;
	v32 =	vsel vm2, $0xC0E, v32  }
0x78: {  	v33 =	vsel vm2, $0xC0F, v33;
	v34 =	vsel vm2, $0xC00, v34;
	v35 =	vsel vm2, $0xC01, v35  }
0x79: {  	v36 =	vsel vm2, $0xC02, v36;
	v37 =	vsel vm2, $0xC03, v37;
	v38 =	vsel vm2, $0xC04, v38  }
0x7a: {  	v39 =	vsel vm2, $0xC05, v39;
	v40 =	vsel vm2, $0xC06, v40;
	v41 =	vsel vm2, $0xC07, v41  }
0x7b: {  	v6 =	vsel vm0, $0x16A, v6;
	v2 =	vsel vm7, $0x1EB, v0;
	v0 =	vsel vm5, $0x145, v1  }
0x7c: {  	v1 =	vimm.s32 $0xAF;
	v5 =	vunpack.c.0.s8.s32 v3;
	v3 =	vimm.s32 $0xB6E4D2C  }
0x7d: {  	v9 =	vsel vm1, $0x169, v9;
	v14 =	vsel vm1, $0x48D, v14;
	v15 =	vsel vm1, $0x48E, v15  }
0x7e: {  	v16 =	vsel vm1, $0x48F, v16;
	v18 =	vsel vm1, $0x480, v18;
	v19 =	vsel vm1, $0x481, v19  }
0x7f: {  	v20 =	vsel vm1, $0x482, v20;
	v21 =	vsel vm1, $0x483, v21;
	v22 =	vsel vm1, $0x484, v22  }
0x80: {  	v23 =	vsel vm1, $0x485, v23;
	v24 =	vsel vm1, $0x486, v24;
	v25 =	vsel vm1, $0x487, v25  }
0x81: {  	v26 =	vsel vm1, $0x488, v26;
	v27 =	vsel vm1, $0xC8A, v27;
	v28 =	vsel vm1, $0xC8B, v28  }
0x82: {  	v29 =	vsel vm1, $0xC8C, v29;
	v30 =	vsel vm1, $0xC8D, v30;
	v31 =	vsel vm1, $0xC8E, v31  }
0x83: {  	v32 =	vsel vm1, $0xC8F, v32;
	v33 =	vsel vm1, $0xC80, v33;
	v34 =	vsel vm1, $0xC81, v34  }
0x84: {  	v35 =	vsel vm1, $0xC82, v35;
	v36 =	vsel vm1, $0xC83, v36;
	v37 =	vsel vm1, $0xC84, v37  }
0x85: {  	v38 =	vsel vm1, $0xC85, v38;
	v39 =	vsel vm1, $0xC86, v39;
	v40 =	vsel vm1, $0xC87, v40  }
0x86: {  	v41 =	vsel vm1, $0xC88, v41;
	v0 =	vsel vm4, $0x166, v0;
	v1 =	vsel vm10, $0xC0, v1  }
0x87: {  	v3 =	vunpack.c.0.s8.s32 v3;
	v9 =	vsel vm0, $0x18A, v9;
	v14 =	vsel vm0, $0x50E, v14  }
0x88: {  	v15 =	vsel vm0, $0x50F, v15;
	v16 =	vsel vm0, $0x500, v16;
	v18 =	vsel vm0, $0x501, v18  }
0x89: {  	v19 =	vsel vm0, $0x502, v19;
	v20 =	vsel vm0, $0x503, v20;
	v21 =	vsel vm0, $0x504, v21  }
0x8a: {  	v22 =	vsel vm0, $0x505, v22;
	v23 =	vsel vm0, $0x506, v23;
	v24 =	vsel vm0, $0x507, v24  }
0x8b: {  	v25 =	vsel vm0, $0x508, v25;
	v26 =	vsel vm0, $0x509, v26;
	v27 =	vsel vm0, $0xD0B, v27  }
0x8c: {  	v28 =	vsel vm0, $0xD0C, v28;
	v29 =	vsel vm0, $0xD0D, v29;
	v30 =	vsel vm0, $0xD0E, v30  }
0x8d: {  	v31 =	vsel vm0, $0xD0F, v31;
	v32 =	vsel vm0, $0xD00, v32;
	v33 =	vsel vm0, $0xD01, v33  }
0x8e: {  	v34 =	vsel vm0, $0xD02, v34;
	v35 =	vsel vm0, $0xD03, v35;
	v36 =	vsel vm0, $0xD04, v36  }
0x8f: {  	v37 =	vsel vm0, $0xD05, v37;
	v38 =	vsel vm0, $0xD06, v38;
	v39 =	vsel vm0, $0xD07, v39  }
0x90: {  	v40 =	vsel vm0, $0xD08, v40;
	v0 =	vsel vm3, $0x187, v0;
	v1 =	vsel vm9, $0xE1, v1  }
0x91: {  	v2 =	vsel vm11, v5, v2;
	v5 =	vimm.s32 $0xEFCEAD8C;
	v0 =	vsel vm2, $0x1A8, v0  }
0x92: {  	v1 =	vsel vm8, $0x102, v1;
	v3 =	vand.u32 $0xFF, v3;
	v0 =	vsel vm1, $0x1C9, v0  }
0x93: {  	[tilespmem:$0x1FFC0] =	vst v2;
	v2 =	vimm.s32 $0x6B4A2908;
	v1 =	vsel vm7, $0x123, v1;
	v0 =	vsel vm0, $0x1EA, v0  }
0x94: {  	v1 =	vsel vm6, $0x144, v1;
	v0 =	vsel vm13, v3, v0;
	v3 =	vsel vm9, $0x101, v4  }
0x95: {  	v5 =	vunpack.c.0.s8.s32 v5;
	v1 =	vsel vm5, $0x165, v1;
	v3 =	vsel vm8, $0x122, v3  }
0x96: {  	v4 =	vimm.s32 $0x2B0A6D4C;
	v1 =	vsel vm4, $0x186, v1;
	v3 =	vsel vm7, $0x143, v3  }
0x97: {  	v4 =	vunpack.c.0.s8.s32 v4;
	v1 =	vsel vm3, $0x1A7, v1;
	v3 =	vsel vm6, $0x164, v3  }
0x98: {  	v2 =	vunpack.c.0.s8.s32 v2;
	v1 =	vsel vm2, $0x1C8, v1;
	v3 =	vsel vm5, $0x185, v3  }
0x99: {  	v4 =	vand.u32 $0xFF, v4;
	v1 =	vsel vm1, $0x1E9, v1;
	v3 =	vsel vm4, $0x1A6, v3  }
0x9a: {  	v11 =	vsel vm14, v4, v1;
	v1 =	vsel vm3, $0x1C7, v3;
	v3 =	vsel vm7, $0x183, v7  }
0x9b: {  	v4 =	vsel vm2, $0x1E8, v1;
	v1 =	vsel vm6, $0x1A4, v3;
	v3 =	vimm.s32 $0x76A4928  }
0x9c: {  	v5 =	vand.u32 $0xFF, v5;
	v2 =	vand.u32 $0xFF, v2;
	v3 =	vunpack.c.0.s8.s32 v3  }
0x9d: {  	v41 =	vsel vm0, $0xD09, v41;
	v2 =	vsel vm11, v5, v2;
	v1 =	vsel vm5, $0x1C5, v1  }
0x9e: {  	v7 =	vimm.s32 $0x4B2A096C;
	v1 =	vsel vm4, $0x1E6, v1;
	v3 =	vand.u32 $0xFF, v3  }
0x9f: {  	v1 =	vsel vm12, v3, v1;
	v3 =	vsel vm8, $0x182, v8;
	v8 =	vimm.s32 $0x27066948  }
0xa0: {  	v7 =	vunpack.c.0.s8.s32 v7;
	v3 =	vsel vm7, $0x1A3, v3;
	v8 =	vunpack.c.0.s8.s32 v8  }
0xa1: {  	v1 =	vsel vm13, v10, v1;
	v10 =	vimm.s32 $0xAB8AEDCC;
	v3 =	vsel vm6, $0x1C4, v3  }
0xa2: {  	vm13 =	vcmask $0x2718;
	v3 =	vsel vm5, $0x1E5, v3;
	v8 =	vand.u32 $0xFF, v8  }
0xa3: {  	v10 =	vunpack.c.0.s8.s32 v10;
	v3 =	vsel vm13, v8, v3;
	v8 =	vsel vm10, $0x160, v12  }
0xa4: {  	v7 =	vand.u32 $0xFF, v7;
	v12 =	vimm.s32 $0x47260568;
	v8 =	vsel vm9, $0x181, v8  }
0xa5: {  	v10 =	vand.u32 $0xFF, v10;
	v12 =	vunpack.c.0.s8.s32 v12;
	v8 =	vsel vm8, $0x1A2, v8  }
0xa6: {  	v17 =	vsel vm14, v10, v3;
	v3 =	vsel vm7, $0x1C3, v8;
	v8 =	vunpack.c.0.s8.s32 v13  }
0xa7: {  	vm14 =	vcmask $0x2314;
	v10 =	vand.u32 $0xFF, v12;
	v3 =	vsel vm6, $0x1E4, v3  }
0xa8: {  	v4 =	vsel vm15, v7, v4;
	v3 =	vsel vm14, v10, v3;
	v7 =	vand.u32 $0xFF, v8  }
0xa9: {  	v5 =	vimm.s32 $0x18F;
	v3 =	vsel vm15, v7, v3;
	v7 =	vimm.s32 $0x16F  }
0xaa: {  	v5 =	vsel vm10, $0x1A0, v5;
	v8 =	vimm.s32 $0x67462504;
	v7 =	vsel vm10, $0x180, v7  }
0xab: {  	v12 =	vimm.s32 $0x1AF;
	v8 =	vunpack.c.0.s8.s32 v8;
	v7 =	vsel vm9, $0x1A1, v7  }
0xac: {  	v13 =	vimm.s32 $0x1CF;
	v10 =	vimm.s32 $0xEBCAA988;
	v7 =	vsel vm8, $0x1C2, v7  }
0xad: {  	v10 =	vunpack.c.0.s8.s32 v10;
	v8 =	vand.u32 $0xFF, v8;
	v7 =	vsel vm7, $0x1E3, v7  }
0xae: {  	[tilespmem:$0x1FFE0] =	vst v2;
	v13 =	vsel vm10, $0x1E0, v13;
	vm15 =	vcmask $0x2F20;
	v2 =	vsel vm11, v8, v7  }
0xaf: {  	v7 =	vand.u32 $0xFF, v10;
	v8 =	vimm.s32 $0x3664524;
	v10 =	vsel vm9, $0x1C1, v5  }
0xb0: {  	v8 =	vunpack.c.0.s8.s32 v8;
	v5 =	vsel vm15, v7, v2;
	v7 =	vimm.s32 $0x87EAC9A8  }
0xb1: {  	v2 =	vsel vm8, $0x1E2, v10;
	v10 =	vimm.s32 $0x23026544;
	v7 =	vunpack.c.0.s8.s32 v7  }
0xb2: {  	vm15 =	vcmask $0x1B0C;
	v10 =	vunpack.c.0.s8.s32 v10;
	v8 =	vand.u32 $0xFF, v8  }
0xb3: {  	v2 =	vsel vm15, v8, v2;
	v7 =	vand.u32 $0xFF, v7;
	v8 =	vsel vm10, $0x1C0, v12  }
0xb4: {  	v10 =	vand.u32 $0xFF, v10;
	vm15 =	vcmask $0x1708;
	v12 =	vimm.s32 $0xC7A685E8  }
0xb5: {  	v8 =	vsel vm9, $0x1E1, v8;
	v2 =	vsel vm12, v7, v2;
	v12 =	vunpack.c.0.s8.s32 v12  }
0xb6: {  	vm12 =	vcmask $0x2F2C;
	v7 =	vsel vm15, v10, v8;
	v8 =	vimm.s32 $0x43220164  }
0xb7: {  	v10 =	vimm.s32 $0xA786E9C8;
	vm15 =	vcmask $0x1304;
	v6 =	vsel vm12, $0x18B, v6  }
0xb8: {  	v9 =	vsel vm12, $0x1AB, v9;
	v14 =	vsel vm12, $0x58F, v14;
	v15 =	vsel vm12, $0x580, v15  }
0xb9: {  	v16 =	vsel vm12, $0x581, v16;
	v18 =	vsel vm12, $0x582, v18;
	v19 =	vsel vm12, $0x583, v19  }
0xba: {  	v20 =	vsel vm12, $0x584, v20;
	v21 =	vsel vm12, $0x585, v21;
	v22 =	vsel vm12, $0x586, v22  }
0xbb: {  	v23 =	vsel vm12, $0x587, v23;
	v24 =	vsel vm12, $0x588, v24;
	v57 =	vsel vm12, $0x10B, v2  }
0xbc: {  	v25 =	vsel vm12, $0x589, v25;
	v26 =	vsel vm12, $0x58A, v26;
	v27 =	vsel vm12, $0xD8C, v27  }
0xbd: {  	v28 =	vsel vm12, $0xD8D, v28;
	v29 =	vsel vm12, $0xD8E, v29;
	v30 =	vsel vm12, $0xD8F, v30  }
0xbe: {  	v31 =	vsel vm12, $0xD80, v31;
	v32 =	vsel vm12, $0xD81, v32;
	v33 =	vsel vm12, $0xD82, v33  }
0xbf: {  	v34 =	vsel vm12, $0xD83, v34;
	v35 =	vsel vm12, $0xD84, v35;
	v36 =	vsel vm12, $0xD85, v36  }
0xc0: {  	v37 =	vsel vm12, $0xD86, v37;
	v38 =	vsel vm12, $0xD87, v38;
	v8 =	vunpack.c.0.s8.s32 v8  }
0xc1: {  	v39 =	vsel vm12, $0xD88, v39;
	v40 =	vsel vm12, $0xD89, v40;
	v10 =	vunpack.c.0.s8.s32 v10  }
0xc2: {  	v41 =	vsel vm12, $0xD8A, v41;
	v2 =	vmul.u32 $0x81, v49;
	v8 =	vand.u32 $0xFF, v8  }
0xc3: {  	v12 =	vand.u32 $0xFF, v12;
	v10 =	vand.u32 $0xFF, v10;
	v8 =	vsel vm15, v8, v13  }
0xc4: {  	v7 =	vsel vm13, v10, v7;
	v10 =	vimm.s32 $0x780;
	v13 =	vimm.s32 $0x782  }
0xc5: {  	vm13 =	vcmask $0x3330;
	vm15 =	vcmask $0x3B38;
	v8 =	vsel vm14, v12, v8  }
0xc6: {  	v10 =	vsel vm10, $0x1, v10;
	v12 =	vimm.s32 $0x781;
	v13 =	vsel vm10, $0x3, v13  }
0xc7: {  	v7 =	vsel vm0, $0x10A, v7;
	v6 =	vsel vm13, $0x1AC, v6;
	v9 =	vsel vm13, $0x1CC, v9  }
0xc8: {  	v14 =	vsel vm13, $0x600, v14;
	v15 =	vsel vm13, $0x601, v15;
	v16 =	vsel vm13, $0x602, v16  }
0xc9: {  	v18 =	vsel vm13, $0x603, v18;
	v19 =	vsel vm13, $0x604, v19;
	v20 =	vsel vm13, $0x605, v20  }
0xca: {  	v21 =	vsel vm13, $0x606, v21;
	v22 =	vsel vm13, $0x607, v22;
	v23 =	vsel vm13, $0x608, v23  }
0xcb: {  	[tilespmem:$0x1FFF0] =	vst v42;
	v5 =	vsel vm13, $0x10C, v5;
	v24 =	vsel vm13, $0x609, v24;
	v42 =	vsel vm13, $0x12C, v57  }
0xcc: {  	v25 =	vsel vm13, $0x60A, v25;
	v26 =	vsel vm13, $0x60B, v26;
	v27 =	vsel vm13, $0xE0D, v27  }
0xcd: {  	v28 =	vsel vm13, $0xE0E, v28;
	v29 =	vsel vm13, $0xE0F, v29;
	v30 =	vsel vm13, $0xE00, v30  }
0xce: {  	v31 =	vsel vm13, $0xE01, v31;
	v32 =	vsel vm13, $0xE02, v32;
	v33 =	vsel vm13, $0xE03, v33  }
0xcf: {  	v34 =	vsel vm13, $0xE04, v34;
	v35 =	vsel vm13, $0xE05, v35;
	v36 =	vsel vm13, $0xE06, v36  }
0xd0: {  	v37 =	vsel vm13, $0xE07, v37;
	v38 =	vsel vm13, $0xE08, v38;
	v39 =	vsel vm13, $0xE09, v39  }
0xd1: {  	v40 =	vsel vm13, $0xE0A, v40;
	v41 =	vsel vm13, $0xE0B, v41;
	vm14 =	vcmask $0x3734  }
0xd2: {  	v11 =	vsel vm15, $0x8E, v11;
	v17 =	vsel vm15, $0x10E, v17;
	v12 =	vsel vm10, $0x2, v12  }
0xd3: {  	v10 =	vsel vm9, $0x82, v10;
	v13 =	vsel vm9, $0x84, v13;
	v8 =	vsel vm1, $0x109, v8  }
0xd4: {  	v7 =	vsel vm12, $0x12B, v7;
	v6 =	vsel vm14, $0x1CD, v6;
	v9 =	vsel vm14, $0x1ED, v9  }
0xd5: {  	v14 =	vsel vm14, $0x681, v14;
	v15 =	vsel vm14, $0x682, v15;
	v16 =	vsel vm14, $0x683, v16  }
0xd6: {  	v18 =	vsel vm14, $0x684, v18;
	v50 =	vsel vm14, $0x8D, v4;
	v19 =	vsel vm14, $0x685, v19  }
0xd7: {  	v20 =	vsel vm14, $0x686, v20;
	v21 =	vsel vm14, $0x687, v21;
	v22 =	vsel vm14, $0x688, v22  }
0xd8: {  	v51 =	vsel vm14, $0x10D, v3;
	v23 =	vsel vm14, $0x689, v23;
	v52 =	vsel vm14, $0x12D, v5  }
0xd9: {  	v24 =	vsel vm14, $0x68A, v24;
	v42 =	vsel vm14, $0x14D, v42;
	v25 =	vsel vm14, $0x68B, v25  }
0xda: {  	[tilespmem:$0x1FFD0] =	vst v56;
	v26 =	vsel vm14, $0x68C, v26;
	v55 =	vsel vm14, $0xE8E, v27;
	v56 =	vsel vm14, $0xE8F, v28  }
0xdb: {  	v57 =	vsel vm14, $0xE80, v29;
	v58 =	vsel vm14, $0xE81, v30;
	v59 =	vsel vm14, $0xE82, v31  }
0xdc: {  	v60 =	vsel vm14, $0xE83, v32;
	v61 =	vsel vm14, $0xE84, v33;
	v62 =	vsel vm14, $0xE85, v34  }
0xdd: {  	[tilespmem:$0x1FFB0] =	vst v43;
	v63 =	vsel vm14, $0xE86, v35;
	v43 =	vsel vm14, $0xE87, v36;
	v44 =	vsel vm14, $0xE88, v37  }
0xde: {  	v47 =	vsel vm14, $0xE89, v38;
	v46 =	vsel vm14, $0xE8A, v39;
	v45 =	vsel vm14, $0xE8B, v40  }
0xdf: {  	v48 =	vsel vm14, $0xE8C, v41;
	v12 =	vsel vm9, $0x83, v12;
	v10 =	vsel vm8, $0x103, v10  }
0xe0: {  	v13 =	vsel vm8, $0x105, v13;
	v8 =	vsel vm0, $0x12A, v8;
	v7 =	vsel vm13, $0x14C, v7  }
0xe1: {  	v4 =	vsel vm15, $0x1EE, v6;
	v6 =	vsel vm15, $0xE, v9;
	v9 =	vsel vm15, $0x703, v15  }
0xe2: {  	v15 =	vsel vm15, $0x707, v20;
	v20 =	vsel vm15, $0x70A, v23;
	v23 =	vsel vm15, $0x16E, v42  }
0xe3: {  	s3 =	rddreg [dreg:$0x0];
	s4 =	srdreg.scid;
	v26 =	vsel vm15, $0x70D, v26;
	v28 =	vsel vm15, $0xF0F, v55;
	v29 =	vsel vm15, $0xF00, v56  }
0xe4: {  	s0 =	rddreg [dreg:$0x1];
	s6 =	sand.u32 $0x1, s4;
	s4 =	simm.s32 $0x0;
	v30 =	vsel vm15, $0xF01, v57;
	v31 =	vsel vm15, $0xF02, v58;
	v32 =	vsel vm15, $0xF03, v59  }
0xe5: {  	[smem:$0x7FF] =	sst s4;
	v33 =	vsel vm15, $0xF04, v60;
	v34 =	vsel vm15, $0xF05, v61;
	v35 =	vsel vm15, $0xF06, v62  }
0xe6: {  	s10 =	rddreg [dreg:$0x3];
	_ =	strace $0x80000047;
	v36 =	vsel vm15, $0xF07, v63;
	v37 =	vsel vm15, $0xF08, v43;
	v38 =	vsel vm15, $0xF09, v44  }
0xe7: {  	v39 =	vsel vm15, $0xF0A, v47;
	v40 =	vsel vm15, $0xF0B, v46;
	v41 =	vsel vm15, $0xF0C, v45;
	v58 =	vld [tilespmem:$0x1FFA0]  }
0xe8: {  	v42 =	vsel vm15, $0xF0D, v48;
	v59 =	vld [tilespmem:$0x1FFB0];
	v45 =	vmul.u32 $0x21, v49;
	v47 =	vor.u32 $0x800, v2  }
0xe9: {  	v60 =	vld [tilespmem:$0x1FFC0];
	v12 =	vsel vm8, $0x104, v12;
	v10 =	vsel vm7, $0x184, v10;
	v13 =	vsel vm7, $0x186, v13  }
0xea: {  	v61 =	vld [tilespmem:$0x1FFD0];
	v8 =	vsel vm12, $0x14B, v8;
	v53 =	vsel vm14, $0x16D, v7;
	v12 =	vsel vm7, $0x185, v12  }
0xeb: {  	v62 =	vld [tilespmem:$0x1FFE0];
	v10 =	vsel vm6, $0x205, v10;
	v13 =	vsel vm6, $0x207, v13;
	v8 =	vsel vm13, $0x16C, v8  }
0xec: {  	v63 =	vld [tilespmem:$0x1FFF0];
	v12 =	vsel vm6, $0x206, v12;
	v10 =	vsel vm5, $0x286, v10;
	v13 =	vsel vm5, $0x288, v13  }
0xed: {  	v54 =	vsel vm14, $0x18D, v8;
	v8 =	vsel vm15, $0x702, v14;
	v14 =	vsel vm15, $0x706, v19  }
0xee: {  	v19 =	vsel vm15, $0x12E, v51;
	v12 =	vsel vm5, $0x287, v12;
	v10 =	vsel vm4, $0x307, v10  }
0xef: {  	v13 =	vsel vm4, $0x309, v13;
	v27 =	vsel vm15, $0x1AE, v54;
	v12 =	vsel vm4, $0x308, v12  }
0xf0: {  	v10 =	vsel vm3, $0x388, v10;
	v13 =	vsel vm3, $0x38A, v13;
	v43 =	vcombine.low v59, v58  }
0xf1: {  	s1 =	stileid.u32;
	v44 =	vcombine.low v61, v60;
	v46 =	vcombine.low v63, v62;
	v12 =	vsel vm3, $0x389, v12  }
0xf2: {  	s13 =	simm.s32 $0x7A1400;
	s14 =	simm.s32 $0x1000;
	s15 =	simm.s32 $0x1;
	v10 =	vsel vm2, $0x409, v10;
	v13 =	vsel vm2, $0x40B, v13;
	v12 =	vsel vm2, $0x40A, v12  }
0xf3: {  	s16 =	simm.s32 $0x2000;
	s17 =	simm.s32 $0x3000;
	s18 =	simm.s32 $0x2;
	v10 =	vsel vm1, $0x48A, v10;
	v13 =	vsel vm1, $0x48C, v13;
	v12 =	vsel vm1, $0x48B, v12  }
0xf4: {  	s19 =	simm.s32 $0x4000;
	s20 =	simm.s32 $0x4;
	s5 =	sshll.u32 s1, $0x1;
	v10 =	vsel vm0, $0x50B, v10;
	v13 =	vsel vm0, $0x50D, v13;
	v12 =	vsel vm0, $0x50C, v12  }
0xf5: {  	s21 =	simm.s32 $0x3;
	s22 =	simm.s32 $0x0;
	s5 =	sor.u32 s6, s5;
	v10 =	vsel vm12, $0x58C, v10;
	v13 =	vsel vm12, $0x58E, v13;
	v12 =	vsel vm12, $0x58D, v12  }
0xf6: {  	s30 =	sadd.s32 $0x3D1A00, s10;
	s6 =	ssub.s32 $0x2, s6;
	s7 =	sshll.u32 s5, $0x9;
	v10 =	vsel vm13, $0x60D, v10;
	v13 =	vsel vm13, $0x60F, v13;
	v12 =	vsel vm13, $0x60E, v12  }
.Ltmp0:
0xf7: {  	s9 =	sshrl.u32 s6, $0x1;
	s11 =	sshll.u32 s5, $0x7;
	v10 =	vsel vm14, $0x68E, v10;
	v13 =	vsel vm14, $0x680, v13;
	v12 =	vsel vm14, $0x68F, v12;
	(pc) =	sbr.rel .LBB2_1-.Ltmp0, $4  }
0xf8: {  	s31 =	ssub.s32 $0x1EA3, s5;
	p0 =	sne.s32 s5, $0x4;
	s8 =	sadd.s32 s7, s10;
	v3 =	vsel vm15, $0x70F, v10;
	v7 =	vsel vm15, $0x701, v13;
	v10 =	vsel vm15, $0x704, v16  }
0xf9: {  	s12 =	ssub.s32 s6, s9;
	s6 =	sadd.s32 s3, s11;
	s10 =	sadd.s32 $0x3D1800, s10;
	v13 =	vsel vm15, $0xAE, v50;
	v16 =	vsel vm15, $0x708, v21;
	v21 =	vsel vm15, $0x14E, v52  }
0xfa: {  	s9 =	sshrl.u32 s31, $0x5;
	s11 =	simm.s32 $0x400;
	s7 =	sadd.s32 $0x1000, s6;
	v5 =	vsel vm15, $0x700, v12;
	v12 =	vsel vm15, $0x705, v18;
	v18 =	vsel vm15, $0x709, v22  }
0xfb: {  	s8 =	sadd.s32 $0x1000, s8;
	s12 =	smax.u32 s12, $0x1;
	[dreg:$0x5] =	wrdreg s30;
	v22 =	vsel vm15, $0x70B, v24;
	v24 =	vsel vm15, $0x70C, v25;
	v25 =	vsel vm15, $0x18E, v53  }
.LBB2_20:
0xfc: {  	s22 =	sadd.s32 $0x1, s22  }
0xfd: {  	p1 =	sne.s32 s22, s12  }
.Ltmp1:
0xfe: {  	_ = 	snop;
	(pc) =	sbr.rel @!p1 .LBB2_21-.Ltmp1, $1  }
0xff: {  	_ =	sdelay $0x3  }
.LBB2_1:
.Ltmp2:
0x100: {  	(pc) =	sbr.rel .LBB2_2-.Ltmp2, $4  }
0x101: {  	_ = 	snop  }
0x102: {  	[tilespmem:s4], [sflag:$0x1] =	stream.strided.gather [hbm4b:s6+s11], $0x1000, s13, s11, $0x38;
	[tilespmem:$0x8000] =	vst v63  }
0x103: {  	s23 =	simm.s32 $0x0  }
0x104: {  	[tilespmem:s14], [sflag:$0x1] =	stream.strided.gather [hbm4b:s7+s11], $0x1000, s13, s11, $0x38;
	[tilespmem:$0x8000] =	vst v63  }
.LBB2_10:
0x105: {  	s23 =	sadd.s32 $0x1, s23  }
0x106: {  	p1 =	sne.s32 s23, $0x7B  }
.Ltmp3:
0x107: {  	_ = 	snop;
	(pc) =	sbr.rel @!p1 .LBB2_11-.Ltmp3, $1  }
0x108: {  	_ =	sdelay $0x3  }
.LBB2_2:
0x109: {  	s24 =	sshll.u32 s23, $0x1  }
0x10a: {  	p2 =	sge.u32 s24, s9  }
.Ltmp4:
0x10b: {  	_ = 	snop;
	(pc) =	sbr.rel @p2 .LBB2_6-.Ltmp4, $2  }
0x10c: {  	_ =	sdelay $0x2  }
0x10d: {  	p1 =	seq.s32 s23, $0x0  }
0x10e: {  	_ =	swait.ge [sflag:s15], $0x1000;
	s26 =	simm.s32 $0x0  }
0x10f: {  	[sflag:s15] =	ssyncset.done $0x0;
	v48 =	vor.u32 s26, v2  }
0x110: {  	s3 =	simm.s32 @!p1 $0x2;
	[sflag:s15] =	ssyncadd.s32 $0xFFFFF000  }
0x111: {  	_ =	swait.ge @!p1 [sflag:s3], $0x1000  }
0x112: {  	[sflag:s3] =	ssyncset.done @!p1 $0x0  }
0x113: {  	[sflag:s3] =	ssyncadd.s32 @!p1 $0xFFFFF000  }
0x114: {  	v49 =	vor.u32 s26, v45;
	v48 =	vld.idx.msk [tilespmem:v48+s4+$0x0], $0xffff  }
0x115: {  	v50 =	vor.u32 s26, v3;
	_ =	sdelay $0x3  }
0x116: {  	[tilespmem:v49+s16+$0x0] =	vst.idx.msk $0xffff, v48  }
0x117: {  	v52 =	vor.u32 s26, v4;
	v48 =	vld.idx.msk [tilespmem:v50+s4+$0x0], $0xffff  }
0x118: {  	v53 =	vor.u32 s26, v5;
	_ =	sdelay $0x3  }
0x119: {  	[tilespmem:v52+s16+$0x0] =	vst.idx.msk $0xffff, v48  }
0x11a: {  	v54 =	vor.u32 s26, v6;
	v48 =	vld.idx.msk [tilespmem:v53+s4+$0x0], $0xffff  }
0x11b: {  	v55 =	vor.u32 s26, v7;
	_ =	sdelay $0x3  }
0x11c: {  	[tilespmem:v54+s16+$0x0] =	vst.idx.msk $0xffff, v48  }
0x11d: {  	v56 =	vor.u32 s26, v43;
	v48 =	vld.idx.msk [tilespmem:v55+s4+$0x0], $0xffff  }
0x11e: {  	v57 =	vor.u32 s26, v8;
	_ =	sdelay $0x3  }
0x11f: {  	[tilespmem:v56+s16+$0x0] =	vst.idx.msk $0xffff, v48  }
0x120: {  	v58 =	vor.u32 s26, v44;
	v48 =	vld.idx.msk [tilespmem:v57+s4+$0x0], $0xffff  }
0x121: {  	v59 =	vor.u32 s26, v9;
	_ =	sdelay $0x3  }
0x122: {  	[tilespmem:v58+s16+$0x0] =	vst.idx.msk $0xffff, v48  }
0x123: {  	v60 =	vor.u32 s26, v0;
	v48 =	vld.idx.msk [tilespmem:v59+s4+$0x0], $0xffff  }
0x124: {  	v61 =	vor.u32 s26, v10;
	_ =	sdelay $0x3  }
0x125: {  	[tilespmem:v60+s16+$0x0] =	vst.idx.msk $0xffff, v48  }
0x126: {  	v62 =	vor.u32 s26, v11;
	v48 =	vld.idx.msk [tilespmem:v61+s4+$0x0], $0xffff  }
0x127: {  	v63 =	vor.u32 s26, v12;
	_ =	sdelay $0x3  }
0x128: {  	[tilespmem:v62+s16+$0x0] =	vst.idx.msk $0xffff, v48  }
0x129: {  	v52 =	vor.u32 s26, v13;
	v48 =	vld.idx.msk [tilespmem:v63+s4+$0x0], $0xffff  }
0x12a: {  	v53 =	vor.u32 s26, v14;
	_ =	sdelay $0x3  }
0x12b: {  	[tilespmem:v52+s16+$0x0] =	vst.idx.msk $0xffff, v48  }
0x12c: {  	v54 =	vor.u32 s26, v46;
	v48 =	vld.idx.msk [tilespmem:v53+s4+$0x0], $0xffff  }
0x12d: {  	v55 =	vor.u32 s26, v15;
	_ =	sdelay $0x3  }
0x12e: {  	[tilespmem:v54+s16+$0x0] =	vst.idx.msk $0xffff, v48  }
0x12f: {  	v56 =	vor.u32 s26, v1;
	v48 =	vld.idx.msk [tilespmem:v55+s4+$0x0], $0xffff  }
0x130: {  	v57 =	vor.u32 s26, v16;
	_ =	sdelay $0x3  }
0x131: {  	[tilespmem:v56+s16+$0x0] =	vst.idx.msk $0xffff, v48  }
0x132: {  	v58 =	vor.u32 s26, v17;
	v48 =	vld.idx.msk [tilespmem:v57+s4+$0x0], $0xffff  }
0x133: {  	v59 =	vor.u32 s26, v18;
	_ =	sdelay $0x3  }
0x134: {  	[tilespmem:v58+s16+$0x0] =	vst.idx.msk $0xffff, v48  }
0x135: {  	v60 =	vor.u32 s26, v19;
	v48 =	vld.idx.msk [tilespmem:v59+s4+$0x0], $0xffff  }
0x136: {  	v61 =	vor.u32 s26, v20;
	_ =	sdelay $0x3  }
0x137: {  	[tilespmem:v60+s16+$0x0] =	vst.idx.msk $0xffff, v48  }
0x138: {  	v62 =	vor.u32 s26, v21;
	v48 =	vld.idx.msk [tilespmem:v61+s4+$0x0], $0xffff  }
0x139: {  	v63 =	vor.u32 s26, v22;
	_ =	sdelay $0x3  }
0x13a: {  	[tilespmem:v62+s16+$0x0] =	vst.idx.msk $0xffff, v48  }
0x13b: {  	v52 =	vor.u32 s26, v23;
	v48 =	vld.idx.msk [tilespmem:v63+s4+$0x0], $0xffff  }
0x13c: {  	v53 =	vor.u32 s26, v24;
	_ =	sdelay $0x3  }
0x13d: {  	[tilespmem:v52+s16+$0x0] =	vst.idx.msk $0xffff, v48  }
0x13e: {  	v54 =	vor.u32 s26, v25;
	v48 =	vld.idx.msk [tilespmem:v53+s4+$0x0], $0xffff  }
0x13f: {  	v55 =	vor.u32 s26, v26;
	_ =	sdelay $0x3  }
0x140: {  	[tilespmem:v54+s16+$0x0] =	vst.idx.msk $0xffff, v48  }
0x141: {  	v56 =	vor.u32 s26, v27;
	v48 =	vld.idx.msk [tilespmem:v55+s4+$0x0], $0xffff  }
0x142: {  	v57 =	vor.u32 s26, v47;
	_ =	sdelay $0x3  }
0x143: {  	s25 =	simm.s32 $0x10;
	[tilespmem:v56+s16+$0x0] =	vst.idx.msk $0xffff, v48  }
0x144: {  	v58 =	vor.u32 s25, v45;
	v48 =	vld.idx.msk [tilespmem:v57+s4+$0x0], $0xffff  }
0x145: {  	v59 =	vor.u32 s26, v28;
	_ =	sdelay $0x3  }
0x146: {  	[tilespmem:v58+s16+$0x0] =	vst.idx.msk $0xffff, v48  }
0x147: {  	v60 =	vor.u32 s25, v4;
	v48 =	vld.idx.msk [tilespmem:v59+s4+$0x0], $0xffff  }
0x148: {  	v61 =	vor.u32 s26, v29;
	_ =	sdelay $0x3  }
0x149: {  	[tilespmem:v60+s16+$0x0] =	vst.idx.msk $0xffff, v48  }
0x14a: {  	v62 =	vor.u32 s25, v6;
	v48 =	vld.idx.msk [tilespmem:v61+s4+$0x0], $0xffff  }
0x14b: {  	v63 =	vor.u32 s26, v30;
	_ =	sdelay $0x3  }
0x14c: {  	[tilespmem:v62+s16+$0x0] =	vst.idx.msk $0xffff, v48  }
0x14d: {  	v52 =	vor.u32 s25, v43;
	v48 =	vld.idx.msk [tilespmem:v63+s4+$0x0], $0xffff  }
0x14e: {  	v53 =	vor.u32 s26, v31;
	_ =	sdelay $0x3  }
0x14f: {  	[tilespmem:v52+s16+$0x0] =	vst.idx.msk $0xffff, v48  }
0x150: {  	v54 =	vor.u32 s25, v44;
	v48 =	vld.idx.msk [tilespmem:v53+s4+$0x0], $0xffff  }
0x151: {  	v55 =	vor.u32 s26, v32;
	_ =	sdelay $0x3  }
0x152: {  	[tilespmem:v54+s16+$0x0] =	vst.idx.msk $0xffff, v48  }
0x153: {  	v56 =	vor.u32 s25, v0;
	v48 =	vld.idx.msk [tilespmem:v55+s4+$0x0], $0xffff  }
0x154: {  	v57 =	vor.u32 s26, v33;
	_ =	sdelay $0x3  }
0x155: {  	[tilespmem:v56+s16+$0x0] =	vst.idx.msk $0xffff, v48  }
0x156: {  	v58 =	vor.u32 s25, v11;
	v48 =	vld.idx.msk [tilespmem:v57+s4+$0x0], $0xffff  }
0x157: {  	v59 =	vor.u32 s26, v34;
	_ =	sdelay $0x3  }
0x158: {  	[tilespmem:v58+s16+$0x0] =	vst.idx.msk $0xffff, v48  }
0x159: {  	v60 =	vor.u32 s25, v13;
	v48 =	vld.idx.msk [tilespmem:v59+s4+$0x0], $0xffff  }
0x15a: {  	v61 =	vor.u32 s26, v35;
	_ =	sdelay $0x3  }
0x15b: {  	[tilespmem:v60+s16+$0x0] =	vst.idx.msk $0xffff, v48  }
0x15c: {  	v62 =	vor.u32 s25, v46;
	v48 =	vld.idx.msk [tilespmem:v61+s4+$0x0], $0xffff  }
0x15d: {  	v63 =	vor.u32 s26, v36;
	_ =	sdelay $0x3  }
0x15e: {  	[tilespmem:v62+s16+$0x0] =	vst.idx.msk $0xffff, v48  }
0x15f: {  	v52 =	vor.u32 s25, v1;
	v48 =	vld.idx.msk [tilespmem:v63+s4+$0x0], $0xffff  }
0x160: {  	v53 =	vor.u32 s26, v37;
	_ =	sdelay $0x3  }
0x161: {  	[tilespmem:v52+s16+$0x0] =	vst.idx.msk $0xffff, v48  }
0x162: {  	v54 =	vor.u32 s25, v17;
	v48 =	vld.idx.msk [tilespmem:v53+s4+$0x0], $0xffff  }
0x163: {  	v55 =	vor.u32 s26, v38;
	_ =	sdelay $0x3  }
0x164: {  	[tilespmem:v54+s16+$0x0] =	vst.idx.msk $0xffff, v48  }
0x165: {  	v56 =	vor.u32 s25, v19;
	v48 =	vld.idx.msk [tilespmem:v55+s4+$0x0], $0xffff  }
0x166: {  	v57 =	vor.u32 s26, v39;
	_ =	sdelay $0x3  }
0x167: {  	[tilespmem:v56+s16+$0x0] =	vst.idx.msk $0xffff, v48  }
0x168: {  	v58 =	vor.u32 s25, v21;
	v48 =	vld.idx.msk [tilespmem:v57+s4+$0x0], $0xffff  }
0x169: {  	v59 =	vor.u32 s26, v40;
	_ =	sdelay $0x3  }
0x16a: {  	[tilespmem:v58+s16+$0x0] =	vst.idx.msk $0xffff, v48  }
0x16b: {  	v60 =	vor.u32 s25, v23;
	v48 =	vld.idx.msk [tilespmem:v59+s4+$0x0], $0xffff  }
0x16c: {  	v61 =	vor.u32 s26, v41;
	_ =	sdelay $0x3  }
0x16d: {  	[tilespmem:v60+s16+$0x0] =	vst.idx.msk $0xffff, v48  }
0x16e: {  	v62 =	vor.u32 s25, v25;
	v48 =	vld.idx.msk [tilespmem:v61+s4+$0x0], $0xffff  }
0x16f: {  	v63 =	vor.u32 s26, v42;
	_ =	sdelay $0x3  }
0x170: {  	[tilespmem:v62+s16+$0x0] =	vst.idx.msk $0xffff, v48  }
0x171: {  	v50 =	vor.u32 s25, v27;
	v48 =	vld.idx.msk [tilespmem:v63+s4+$0x0], $0xffff  }
0x172: {  	s28 =	simm.s32 $0x20;
	v49 =	vor.u32 s25, v2  }
.LBB2_4:
0x173: {  	p2 =	sne.s32 s28, $0x70;
	_ =	sdelay $0x2  }
0x174: {  	[tilespmem:v50+s16+$0x0] =	vst.idx.msk $0xffff, v48  }
0x175: {  	s26 =	sadd.s32 $0x200, s26;
	v48 =	vld.idx.msk [tilespmem:v49+s4+$0x0], $0xffff  }
0x176: {  	v49 =	vor.u32 s26, v45  }
0x177: {  	v50 =	vor.u32 s25, v3;
	_ =	sdelay $0x3  }
0x178: {  	[tilespmem:v49+s16+$0x0] =	vst.idx.msk $0xffff, v48  }
0x179: {  	v48 =	vld.idx.msk [tilespmem:v50+s4+$0x0], $0xffff  }
0x17a: {  	v49 =	vor.u32 s26, v4  }
0x17b: {  	v50 =	vor.u32 s25, v5;
	_ =	sdelay $0x3  }
0x17c: {  	[tilespmem:v49+s16+$0x0] =	vst.idx.msk $0xffff, v48  }
0x17d: {  	v48 =	vld.idx.msk [tilespmem:v50+s4+$0x0], $0xffff  }
0x17e: {  	v49 =	vor.u32 s26, v6  }
0x17f: {  	v50 =	vor.u32 s25, v7;
	_ =	sdelay $0x3  }
0x180: {  	[tilespmem:v49+s16+$0x0] =	vst.idx.msk $0xffff, v48  }
0x181: {  	v48 =	vld.idx.msk [tilespmem:v50+s4+$0x0], $0xffff  }
0x182: {  	v49 =	vor.u32 s26, v43  }
0x183: {  	v50 =	vor.u32 s25, v8;
	_ =	sdelay $0x3  }
0x184: {  	[tilespmem:v49+s16+$0x0] =	vst.idx.msk $0xffff, v48  }
0x185: {  	v48 =	vld.idx.msk [tilespmem:v50+s4+$0x0], $0xffff  }
0x186: {  	v49 =	vor.u32 s26, v44  }
0x187: {  	v50 =	vor.u32 s25, v9;
	_ =	sdelay $0x3  }
0x188: {  	[tilespmem:v49+s16+$0x0] =	vst.idx.msk $0xffff, v48  }
0x189: {  	v48 =	vld.idx.msk [tilespmem:v50+s4+$0x0], $0xffff  }
0x18a: {  	v49 =	vor.u32 s26, v0  }
0x18b: {  	v50 =	vor.u32 s25, v10;
	_ =	sdelay $0x3  }
0x18c: {  	[tilespmem:v49+s16+$0x0] =	vst.idx.msk $0xffff, v48  }
0x18d: {  	v48 =	vld.idx.msk [tilespmem:v50+s4+$0x0], $0xffff  }
0x18e: {  	v49 =	vor.u32 s26, v11  }
0x18f: {  	v50 =	vor.u32 s25, v12;
	_ =	sdelay $0x3  }
0x190: {  	[tilespmem:v49+s16+$0x0] =	vst.idx.msk $0xffff, v48  }
0x191: {  	v48 =	vld.idx.msk [tilespmem:v50+s4+$0x0], $0xffff  }
0x192: {  	v49 =	vor.u32 s26, v13  }
0x193: {  	v50 =	vor.u32 s25, v14;
	_ =	sdelay $0x3  }
0x194: {  	[tilespmem:v49+s16+$0x0] =	vst.idx.msk $0xffff, v48  }
0x195: {  	v48 =	vld.idx.msk [tilespmem:v50+s4+$0x0], $0xffff  }
0x196: {  	v49 =	vor.u32 s26, v46  }
0x197: {  	v50 =	vor.u32 s25, v15;
	_ =	sdelay $0x3  }
0x198: {  	[tilespmem:v49+s16+$0x0] =	vst.idx.msk $0xffff, v48  }
0x199: {  	v48 =	vld.idx.msk [tilespmem:v50+s4+$0x0], $0xffff  }
0x19a: {  	v49 =	vor.u32 s26, v1  }
0x19b: {  	v50 =	vor.u32 s25, v16;
	_ =	sdelay $0x3  }
0x19c: {  	[tilespmem:v49+s16+$0x0] =	vst.idx.msk $0xffff, v48  }
0x19d: {  	v48 =	vld.idx.msk [tilespmem:v50+s4+$0x0], $0xffff  }
0x19e: {  	v49 =	vor.u32 s26, v17  }
0x19f: {  	v50 =	vor.u32 s25, v18;
	_ =	sdelay $0x3  }
0x1a0: {  	[tilespmem:v49+s16+$0x0] =	vst.idx.msk $0xffff, v48  }
0x1a1: {  	v48 =	vld.idx.msk [tilespmem:v50+s4+$0x0], $0xffff  }
0x1a2: {  	v49 =	vor.u32 s26, v19  }
0x1a3: {  	v50 =	vor.u32 s25, v20;
	_ =	sdelay $0x3  }
0x1a4: {  	[tilespmem:v49+s16+$0x0] =	vst.idx.msk $0xffff, v48  }
0x1a5: {  	v48 =	vld.idx.msk [tilespmem:v50+s4+$0x0], $0xffff  }
0x1a6: {  	v49 =	vor.u32 s26, v21  }
0x1a7: {  	v50 =	vor.u32 s25, v22;
	_ =	sdelay $0x3  }
0x1a8: {  	[tilespmem:v49+s16+$0x0] =	vst.idx.msk $0xffff, v48  }
0x1a9: {  	v48 =	vld.idx.msk [tilespmem:v50+s4+$0x0], $0xffff  }
0x1aa: {  	v49 =	vor.u32 s26, v23  }
0x1ab: {  	v50 =	vor.u32 s25, v24;
	_ =	sdelay $0x3  }
0x1ac: {  	[tilespmem:v49+s16+$0x0] =	vst.idx.msk $0xffff, v48  }
0x1ad: {  	v48 =	vld.idx.msk [tilespmem:v50+s4+$0x0], $0xffff  }
0x1ae: {  	v49 =	vor.u32 s26, v25  }
0x1af: {  	v50 =	vor.u32 s25, v26;
	_ =	sdelay $0x3  }
0x1b0: {  	[tilespmem:v49+s16+$0x0] =	vst.idx.msk $0xffff, v48  }
0x1b1: {  	v48 =	vld.idx.msk [tilespmem:v50+s4+$0x0], $0xffff  }
0x1b2: {  	v49 =	vor.u32 s26, v27  }
0x1b3: {  	v50 =	vor.u32 s25, v47;
	_ =	sdelay $0x3  }
0x1b4: {  	[tilespmem:v49+s16+$0x0] =	vst.idx.msk $0xffff, v48  }
0x1b5: {  	s29 =	sadd.s32 $0x10, s26;
	v48 =	vld.idx.msk [tilespmem:v50+s4+$0x0], $0xffff  }
0x1b6: {  	v49 =	vor.u32 s29, v45  }
0x1b7: {  	v50 =	vor.u32 s25, v28;
	_ =	sdelay $0x3  }
0x1b8: {  	[tilespmem:v49+s16+$0x0] =	vst.idx.msk $0xffff, v48  }
0x1b9: {  	v48 =	vld.idx.msk [tilespmem:v50+s4+$0x0], $0xffff  }
0x1ba: {  	v49 =	vor.u32 s29, v4  }
0x1bb: {  	v50 =	vor.u32 s25, v29;
	_ =	sdelay $0x3  }
0x1bc: {  	[tilespmem:v49+s16+$0x0] =	vst.idx.msk $0xffff, v48  }
0x1bd: {  	v48 =	vld.idx.msk [tilespmem:v50+s4+$0x0], $0xffff  }
0x1be: {  	v49 =	vor.u32 s29, v6  }
0x1bf: {  	v50 =	vor.u32 s25, v30;
	_ =	sdelay $0x3  }
0x1c0: {  	[tilespmem:v49+s16+$0x0] =	vst.idx.msk $0xffff, v48  }
0x1c1: {  	v48 =	vld.idx.msk [tilespmem:v50+s4+$0x0], $0xffff  }
0x1c2: {  	v49 =	vor.u32 s29, v43  }
0x1c3: {  	v50 =	vor.u32 s25, v31;
	_ =	sdelay $0x3  }
0x1c4: {  	[tilespmem:v49+s16+$0x0] =	vst.idx.msk $0xffff, v48  }
0x1c5: {  	v48 =	vld.idx.msk [tilespmem:v50+s4+$0x0], $0xffff  }
0x1c6: {  	v49 =	vor.u32 s29, v44  }
0x1c7: {  	v50 =	vor.u32 s25, v32;
	_ =	sdelay $0x3  }
0x1c8: {  	[tilespmem:v49+s16+$0x0] =	vst.idx.msk $0xffff, v48  }
0x1c9: {  	v48 =	vld.idx.msk [tilespmem:v50+s4+$0x0], $0xffff  }
0x1ca: {  	v49 =	vor.u32 s29, v0  }
0x1cb: {  	v50 =	vor.u32 s25, v33;
	_ =	sdelay $0x3  }
0x1cc: {  	[tilespmem:v49+s16+$0x0] =	vst.idx.msk $0xffff, v48  }
0x1cd: {  	v48 =	vld.idx.msk [tilespmem:v50+s4+$0x0], $0xffff  }
0x1ce: {  	v49 =	vor.u32 s29, v11  }
0x1cf: {  	v50 =	vor.u32 s25, v34;
	_ =	sdelay $0x3  }
0x1d0: {  	[tilespmem:v49+s16+$0x0] =	vst.idx.msk $0xffff, v48  }
0x1d1: {  	v48 =	vld.idx.msk [tilespmem:v50+s4+$0x0], $0xffff  }
0x1d2: {  	v49 =	vor.u32 s29, v13  }
0x1d3: {  	v50 =	vor.u32 s25, v35;
	_ =	sdelay $0x3  }
0x1d4: {  	[tilespmem:v49+s16+$0x0] =	vst.idx.msk $0xffff, v48  }
0x1d5: {  	v48 =	vld.idx.msk [tilespmem:v50+s4+$0x0], $0xffff  }
0x1d6: {  	v49 =	vor.u32 s29, v46  }
0x1d7: {  	v50 =	vor.u32 s25, v36;
	_ =	sdelay $0x3  }
0x1d8: {  	[tilespmem:v49+s16+$0x0] =	vst.idx.msk $0xffff, v48  }
0x1d9: {  	v48 =	vld.idx.msk [tilespmem:v50+s4+$0x0], $0xffff  }
0x1da: {  	v49 =	vor.u32 s29, v1  }
0x1db: {  	v50 =	vor.u32 s25, v37;
	_ =	sdelay $0x3  }
0x1dc: {  	[tilespmem:v49+s16+$0x0] =	vst.idx.msk $0xffff, v48  }
0x1dd: {  	v48 =	vld.idx.msk [tilespmem:v50+s4+$0x0], $0xffff  }
0x1de: {  	v49 =	vor.u32 s29, v17  }
0x1df: {  	v50 =	vor.u32 s25, v38;
	_ =	sdelay $0x3  }
0x1e0: {  	[tilespmem:v49+s16+$0x0] =	vst.idx.msk $0xffff, v48  }
0x1e1: {  	v48 =	vld.idx.msk [tilespmem:v50+s4+$0x0], $0xffff  }
0x1e2: {  	v49 =	vor.u32 s29, v19  }
0x1e3: {  	v50 =	vor.u32 s25, v39;
	_ =	sdelay $0x3  }
0x1e4: {  	[tilespmem:v49+s16+$0x0] =	vst.idx.msk $0xffff, v48  }
0x1e5: {  	v48 =	vld.idx.msk [tilespmem:v50+s4+$0x0], $0xffff  }
0x1e6: {  	v49 =	vor.u32 s29, v21  }
0x1e7: {  	v50 =	vor.u32 s25, v40;
	_ =	sdelay $0x3  }
0x1e8: {  	[tilespmem:v49+s16+$0x0] =	vst.idx.msk $0xffff, v48  }
0x1e9: {  	v48 =	vld.idx.msk [tilespmem:v50+s4+$0x0], $0xffff  }
0x1ea: {  	v49 =	vor.u32 s29, v23  }
0x1eb: {  	v50 =	vor.u32 s25, v41;
	_ =	sdelay $0x3  }
0x1ec: {  	[tilespmem:v49+s16+$0x0] =	vst.idx.msk $0xffff, v48  }
0x1ed: {  	v48 =	vld.idx.msk [tilespmem:v50+s4+$0x0], $0xffff  }
0x1ee: {  	v49 =	vor.u32 s29, v25  }
0x1ef: {  	v50 =	vor.u32 s25, v42;
	s25 =	smov.u32 s28;
	_ =	sdelay $0x2  }
.Ltmp5:
0x1f0: {  	(pc) =	sbr.rel @p2 .LBB2_4-.Ltmp5, $4  }
0x1f1: {  	[tilespmem:v49+s16+$0x0] =	vst.idx.msk $0xffff, v48  }
0x1f2: {  	v48 =	vld.idx.msk [tilespmem:v50+s4+$0x0], $0xffff  }
0x1f3: {  	v50 =	vor.u32 s29, v27  }
0x1f4: {  	s28 =	sadd.s32 $0x10, s28;
	v49 =	vor.u32 s25, v2  }
0x1f5: {  	_ =	sdelay $0x3  }
0x1f6: {  	s3 =	sadd.s32 $0x200, s26;
	[tilespmem:v50+s16+$0x0] =	vst.idx.msk $0xffff, v48  }
0x1f7: {  	v61 =	vor.u32 s3, v45;
	v48 =	vld.idx.msk [tilespmem:v49+s4+$0x0], $0xffff  }
0x1f8: {  	v62 =	vor.u32 s25, v3;
	_ =	sdelay $0x3  }
0x1f9: {  	[tilespmem:v61+s16+$0x0] =	vst.idx.msk $0xffff, v48  }
0x1fa: {  	v63 =	vor.u32 s3, v4;
	v48 =	vld.idx.msk [tilespmem:v62+s4+$0x0], $0xffff  }
0x1fb: {  	v52 =	vor.u32 s25, v5;
	_ =	sdelay $0x3  }
0x1fc: {  	[tilespmem:v63+s16+$0x0] =	vst.idx.msk $0xffff, v48  }
0x1fd: {  	v53 =	vor.u32 s3, v6;
	v48 =	vld.idx.msk [tilespmem:v52+s4+$0x0], $0xffff  }
0x1fe: {  	v54 =	vor.u32 s25, v7;
	_ =	sdelay $0x3  }
0x1ff: {  	[tilespmem:v53+s16+$0x0] =	vst.idx.msk $0xffff, v48  }
0x200: {  	v55 =	vor.u32 s3, v43;
	v48 =	vld.idx.msk [tilespmem:v54+s4+$0x0], $0xffff  }
0x201: {  	v56 =	vor.u32 s25, v8;
	_ =	sdelay $0x3  }
0x202: {  	[tilespmem:v55+s16+$0x0] =	vst.idx.msk $0xffff, v48  }
0x203: {  	v57 =	vor.u32 s3, v44;
	v48 =	vld.idx.msk [tilespmem:v56+s4+$0x0], $0xffff  }
0x204: {  	v58 =	vor.u32 s25, v9;
	_ =	sdelay $0x3  }
0x205: {  	[tilespmem:v57+s16+$0x0] =	vst.idx.msk $0xffff, v48  }
0x206: {  	v59 =	vor.u32 s3, v0;
	v48 =	vld.idx.msk [tilespmem:v58+s4+$0x0], $0xffff  }
0x207: {  	v60 =	vor.u32 s25, v10;
	_ =	sdelay $0x3  }
0x208: {  	[tilespmem:v59+s16+$0x0] =	vst.idx.msk $0xffff, v48  }
0x209: {  	v61 =	vor.u32 s3, v11;
	v48 =	vld.idx.msk [tilespmem:v60+s4+$0x0], $0xffff  }
0x20a: {  	v62 =	vor.u32 s25, v12;
	_ =	sdelay $0x3  }
0x20b: {  	[tilespmem:v61+s16+$0x0] =	vst.idx.msk $0xffff, v48  }
0x20c: {  	v63 =	vor.u32 s3, v13;
	v48 =	vld.idx.msk [tilespmem:v62+s4+$0x0], $0xffff  }
0x20d: {  	v52 =	vor.u32 s25, v14;
	_ =	sdelay $0x3  }
0x20e: {  	[tilespmem:v63+s16+$0x0] =	vst.idx.msk $0xffff, v48  }
0x20f: {  	v53 =	vor.u32 s3, v46;
	v48 =	vld.idx.msk [tilespmem:v52+s4+$0x0], $0xffff  }
0x210: {  	v54 =	vor.u32 s25, v15;
	_ =	sdelay $0x3  }
0x211: {  	[tilespmem:v53+s16+$0x0] =	vst.idx.msk $0xffff, v48  }
0x212: {  	v55 =	vor.u32 s3, v1;
	v48 =	vld.idx.msk [tilespmem:v54+s4+$0x0], $0xffff  }
0x213: {  	v56 =	vor.u32 s25, v16;
	_ =	sdelay $0x3  }
0x214: {  	[tilespmem:v55+s16+$0x0] =	vst.idx.msk $0xffff, v48  }
0x215: {  	v57 =	vor.u32 s3, v17;
	v48 =	vld.idx.msk [tilespmem:v56+s4+$0x0], $0xffff  }
0x216: {  	v58 =	vor.u32 s25, v18;
	_ =	sdelay $0x3  }
0x217: {  	[tilespmem:v57+s16+$0x0] =	vst.idx.msk $0xffff, v48  }
0x218: {  	v59 =	vor.u32 s3, v19;
	v48 =	vld.idx.msk [tilespmem:v58+s4+$0x0], $0xffff  }
0x219: {  	v60 =	vor.u32 s25, v20;
	_ =	sdelay $0x3  }
0x21a: {  	[tilespmem:v59+s16+$0x0] =	vst.idx.msk $0xffff, v48  }
0x21b: {  	v61 =	vor.u32 s3, v21;
	v48 =	vld.idx.msk [tilespmem:v60+s4+$0x0], $0xffff  }
0x21c: {  	v62 =	vor.u32 s25, v22;
	_ =	sdelay $0x3  }
0x21d: {  	[tilespmem:v61+s16+$0x0] =	vst.idx.msk $0xffff, v48  }
0x21e: {  	v63 =	vor.u32 s3, v23;
	v48 =	vld.idx.msk [tilespmem:v62+s4+$0x0], $0xffff  }
0x21f: {  	v52 =	vor.u32 s25, v24;
	_ =	sdelay $0x3  }
0x220: {  	[tilespmem:v63+s16+$0x0] =	vst.idx.msk $0xffff, v48  }
0x221: {  	v53 =	vor.u32 s3, v25;
	v48 =	vld.idx.msk [tilespmem:v52+s4+$0x0], $0xffff  }
0x222: {  	v54 =	vor.u32 s25, v26;
	_ =	sdelay $0x3  }
0x223: {  	[tilespmem:v53+s16+$0x0] =	vst.idx.msk $0xffff, v48  }
0x224: {  	v55 =	vor.u32 s3, v27;
	v48 =	vld.idx.msk [tilespmem:v54+s4+$0x0], $0xffff  }
0x225: {  	v56 =	vor.u32 s25, v47;
	_ =	sdelay $0x3  }
0x226: {  	s3 =	sadd.s32 $0x10, s3;
	[tilespmem:v55+s16+$0x0] =	vst.idx.msk $0xffff, v48  }
0x227: {  	v57 =	vor.u32 s3, v45;
	v48 =	vld.idx.msk [tilespmem:v56+s4+$0x0], $0xffff  }
0x228: {  	v58 =	vor.u32 s25, v28;
	_ =	sdelay $0x3  }
0x229: {  	[tilespmem:v57+s16+$0x0] =	vst.idx.msk $0xffff, v48  }
0x22a: {  	v59 =	vor.u32 s3, v4;
	v48 =	vld.idx.msk [tilespmem:v58+s4+$0x0], $0xffff  }
0x22b: {  	v60 =	vor.u32 s25, v29;
	_ =	sdelay $0x3  }
0x22c: {  	[tilespmem:v59+s16+$0x0] =	vst.idx.msk $0xffff, v48  }
0x22d: {  	v61 =	vor.u32 s3, v6;
	v48 =	vld.idx.msk [tilespmem:v60+s4+$0x0], $0xffff  }
0x22e: {  	v62 =	vor.u32 s25, v30;
	_ =	sdelay $0x3  }
0x22f: {  	[tilespmem:v61+s16+$0x0] =	vst.idx.msk $0xffff, v48  }
0x230: {  	v63 =	vor.u32 s3, v43;
	v48 =	vld.idx.msk [tilespmem:v62+s4+$0x0], $0xffff  }
0x231: {  	v52 =	vor.u32 s25, v31;
	_ =	sdelay $0x3  }
0x232: {  	[tilespmem:v63+s16+$0x0] =	vst.idx.msk $0xffff, v48  }
0x233: {  	v53 =	vor.u32 s3, v44;
	v48 =	vld.idx.msk [tilespmem:v52+s4+$0x0], $0xffff  }
0x234: {  	v54 =	vor.u32 s25, v32;
	_ =	sdelay $0x3  }
0x235: {  	[tilespmem:v53+s16+$0x0] =	vst.idx.msk $0xffff, v48  }
0x236: {  	v55 =	vor.u32 s3, v0;
	v48 =	vld.idx.msk [tilespmem:v54+s4+$0x0], $0xffff  }
0x237: {  	v56 =	vor.u32 s25, v33;
	_ =	sdelay $0x3  }
0x238: {  	[tilespmem:v55+s16+$0x0] =	vst.idx.msk $0xffff, v48  }
0x239: {  	v57 =	vor.u32 s3, v11;
	v48 =	vld.idx.msk [tilespmem:v56+s4+$0x0], $0xffff  }
0x23a: {  	v58 =	vor.u32 s25, v34;
	_ =	sdelay $0x3  }
0x23b: {  	[tilespmem:v57+s16+$0x0] =	vst.idx.msk $0xffff, v48  }
0x23c: {  	v59 =	vor.u32 s3, v13;
	v48 =	vld.idx.msk [tilespmem:v58+s4+$0x0], $0xffff  }
0x23d: {  	v60 =	vor.u32 s25, v35;
	_ =	sdelay $0x3  }
0x23e: {  	[tilespmem:v59+s16+$0x0] =	vst.idx.msk $0xffff, v48  }
0x23f: {  	v61 =	vor.u32 s3, v46;
	v48 =	vld.idx.msk [tilespmem:v60+s4+$0x0], $0xffff  }
0x240: {  	v62 =	vor.u32 s25, v36;
	_ =	sdelay $0x3  }
0x241: {  	[tilespmem:v61+s16+$0x0] =	vst.idx.msk $0xffff, v48  }
0x242: {  	v63 =	vor.u32 s3, v1;
	v48 =	vld.idx.msk [tilespmem:v62+s4+$0x0], $0xffff  }
0x243: {  	v52 =	vor.u32 s25, v37;
	_ =	sdelay $0x3  }
0x244: {  	[tilespmem:v63+s16+$0x0] =	vst.idx.msk $0xffff, v48  }
0x245: {  	v53 =	vor.u32 s3, v17;
	v48 =	vld.idx.msk [tilespmem:v52+s4+$0x0], $0xffff  }
0x246: {  	v54 =	vor.u32 s25, v38;
	_ =	sdelay $0x3  }
0x247: {  	[tilespmem:v53+s16+$0x0] =	vst.idx.msk $0xffff, v48  }
0x248: {  	v55 =	vor.u32 s3, v19;
	v48 =	vld.idx.msk [tilespmem:v54+s4+$0x0], $0xffff  }
0x249: {  	v56 =	vor.u32 s25, v39;
	_ =	sdelay $0x3  }
0x24a: {  	[tilespmem:v55+s16+$0x0] =	vst.idx.msk $0xffff, v48  }
0x24b: {  	v57 =	vor.u32 s3, v21;
	v48 =	vld.idx.msk [tilespmem:v56+s4+$0x0], $0xffff  }
0x24c: {  	v58 =	vor.u32 s25, v40;
	_ =	sdelay $0x3  }
0x24d: {  	[tilespmem:v57+s16+$0x0] =	vst.idx.msk $0xffff, v48  }
0x24e: {  	v59 =	vor.u32 s3, v23;
	v48 =	vld.idx.msk [tilespmem:v58+s4+$0x0], $0xffff  }
0x24f: {  	v60 =	vor.u32 s25, v41;
	_ =	sdelay $0x3  }
0x250: {  	[tilespmem:v59+s16+$0x0] =	vst.idx.msk $0xffff, v48  }
0x251: {  	v61 =	vor.u32 s3, v25;
	v48 =	vld.idx.msk [tilespmem:v60+s4+$0x0], $0xffff  }
0x252: {  	v62 =	vor.u32 s25, v42;
	_ =	sdelay $0x3  }
0x253: {  	[tilespmem:v61+s16+$0x0] =	vst.idx.msk $0xffff, v48  }
0x254: {  	v63 =	vor.u32 s3, v27;
	v48 =	vld.idx.msk [tilespmem:v62+s4+$0x0], $0xffff;
	_ =	sdelay $0x3  }
0x255: {  	s31 =	sshll.u32 s23, $0xF  }
0x256: {  	s3 =	sadd.s32 s31, s8;
	[tilespmem:v63+s16+$0x0] =	vst.idx.msk $0xffff, v48  }
0x257: {  	[hbm4b:s3+s4] =	stream.linear.scatter [tilespmem:s16], [sflag:$0x2], $0x1000, $0x38;
	[tilespmem:$0x8000] =	vst v63  }
0x258: {  	s3 =	sadd.s32 $0x2, s24  }
0x259: {  	p2 =	sge.u32 s3, s9  }
0x25a: {  	s3 =	sshll.u32 @!p2 s3, $0xC;
	s25 =	simm.s32 @!p2 $0x400  }
0x25b: {  	s26 =	simm.s32 @!p2 $0x7A1400;
	s28 =	simm.s32 @!p2 $0x0;
	s3 =	sadd.s32 @!p2 s3, s6  }
0x25c: {  	[tilespmem:s28], [sflag:$0x1] =	stream.strided.gather @!p2 [hbm4b:s3+s25], $0x1000, s26, s25, $0x38;
	[tilespmem:$0x8000] =	vst v63  }
.LBB2_6:
0x25d: {  	s25 =	sor.u32 $0x1, s24  }
0x25e: {  	p2 =	sge.u32 s25, s9  }
.Ltmp6:
0x25f: {  	_ = 	snop;
	(pc) =	sbr.rel @p2 .LBB2_10-.Ltmp6, $1  }
0x260: {  	_ =	sdelay $0x3  }
0x261: {  	_ =	swait.ge [sflag:s15], $0x1000;
	s28 =	simm.s32 $0x0  }
0x262: {  	[sflag:s15] =	ssyncset.done $0x0;
	v48 =	vor.u32 s28, v2  }
0x263: {  	s3 =	simm.s32 @!p1 $0x2;
	[sflag:s15] =	ssyncadd.s32 $0xFFFFF000  }
0x264: {  	_ =	swait.ge @!p1 [sflag:s3], $0x1000  }
0x265: {  	[sflag:s3] =	ssyncset.done @!p1 $0x0  }
0x266: {  	[sflag:s3] =	ssyncadd.s32 @!p1 $0xFFFFF000  }
0x267: {  	v49 =	vor.u32 s28, v45;
	v48 =	vld.idx.msk [tilespmem:v48+s14+$0x0], $0xffff  }
0x268: {  	v50 =	vor.u32 s28, v3;
	_ =	sdelay $0x3  }
0x269: {  	[tilespmem:v49+s17+$0x0] =	vst.idx.msk $0xffff, v48  }
0x26a: {  	v52 =	vor.u32 s28, v4;
	v48 =	vld.idx.msk [tilespmem:v50+s14+$0x0], $0xffff  }
0x26b: {  	v53 =	vor.u32 s28, v5;
	_ =	sdelay $0x3  }
0x26c: {  	[tilespmem:v52+s17+$0x0] =	vst.idx.msk $0xffff, v48  }
0x26d: {  	v54 =	vor.u32 s28, v6;
	v48 =	vld.idx.msk [tilespmem:v53+s14+$0x0], $0xffff  }
0x26e: {  	v55 =	vor.u32 s28, v7;
	_ =	sdelay $0x3  }
0x26f: {  	[tilespmem:v54+s17+$0x0] =	vst.idx.msk $0xffff, v48  }
0x270: {  	v56 =	vor.u32 s28, v43;
	v48 =	vld.idx.msk [tilespmem:v55+s14+$0x0], $0xffff  }
0x271: {  	v57 =	vor.u32 s28, v8;
	_ =	sdelay $0x3  }
0x272: {  	[tilespmem:v56+s17+$0x0] =	vst.idx.msk $0xffff, v48  }
0x273: {  	v58 =	vor.u32 s28, v44;
	v48 =	vld.idx.msk [tilespmem:v57+s14+$0x0], $0xffff  }
0x274: {  	v59 =	vor.u32 s28, v9;
	_ =	sdelay $0x3  }
0x275: {  	[tilespmem:v58+s17+$0x0] =	vst.idx.msk $0xffff, v48  }
0x276: {  	v60 =	vor.u32 s28, v0;
	v48 =	vld.idx.msk [tilespmem:v59+s14+$0x0], $0xffff  }
0x277: {  	v61 =	vor.u32 s28, v10;
	_ =	sdelay $0x3  }
0x278: {  	[tilespmem:v60+s17+$0x0] =	vst.idx.msk $0xffff, v48  }
0x279: {  	v62 =	vor.u32 s28, v11;
	v48 =	vld.idx.msk [tilespmem:v61+s14+$0x0], $0xffff  }
0x27a: {  	v63 =	vor.u32 s28, v12;
	_ =	sdelay $0x3  }
0x27b: {  	[tilespmem:v62+s17+$0x0] =	vst.idx.msk $0xffff, v48  }
0x27c: {  	v52 =	vor.u32 s28, v13;
	v48 =	vld.idx.msk [tilespmem:v63+s14+$0x0], $0xffff  }
0x27d: {  	v53 =	vor.u32 s28, v14;
	_ =	sdelay $0x3  }
0x27e: {  	[tilespmem:v52+s17+$0x0] =	vst.idx.msk $0xffff, v48  }
0x27f: {  	v54 =	vor.u32 s28, v46;
	v48 =	vld.idx.msk [tilespmem:v53+s14+$0x0], $0xffff  }
0x280: {  	v55 =	vor.u32 s28, v15;
	_ =	sdelay $0x3  }
0x281: {  	[tilespmem:v54+s17+$0x0] =	vst.idx.msk $0xffff, v48  }
0x282: {  	v56 =	vor.u32 s28, v1;
	v48 =	vld.idx.msk [tilespmem:v55+s14+$0x0], $0xffff  }
0x283: {  	v57 =	vor.u32 s28, v16;
	_ =	sdelay $0x3  }
0x284: {  	[tilespmem:v56+s17+$0x0] =	vst.idx.msk $0xffff, v48  }
0x285: {  	v58 =	vor.u32 s28, v17;
	v48 =	vld.idx.msk [tilespmem:v57+s14+$0x0], $0xffff  }
0x286: {  	v59 =	vor.u32 s28, v18;
	_ =	sdelay $0x3  }
0x287: {  	[tilespmem:v58+s17+$0x0] =	vst.idx.msk $0xffff, v48  }
0x288: {  	v60 =	vor.u32 s28, v19;
	v48 =	vld.idx.msk [tilespmem:v59+s14+$0x0], $0xffff  }
0x289: {  	v61 =	vor.u32 s28, v20;
	_ =	sdelay $0x3  }
0x28a: {  	[tilespmem:v60+s17+$0x0] =	vst.idx.msk $0xffff, v48  }
0x28b: {  	v62 =	vor.u32 s28, v21;
	v48 =	vld.idx.msk [tilespmem:v61+s14+$0x0], $0xffff  }
0x28c: {  	v63 =	vor.u32 s28, v22;
	_ =	sdelay $0x3  }
0x28d: {  	[tilespmem:v62+s17+$0x0] =	vst.idx.msk $0xffff, v48  }
0x28e: {  	v52 =	vor.u32 s28, v23;
	v48 =	vld.idx.msk [tilespmem:v63+s14+$0x0], $0xffff  }
0x28f: {  	v53 =	vor.u32 s28, v24;
	_ =	sdelay $0x3  }
0x290: {  	[tilespmem:v52+s17+$0x0] =	vst.idx.msk $0xffff, v48  }
0x291: {  	v54 =	vor.u32 s28, v25;
	v48 =	vld.idx.msk [tilespmem:v53+s14+$0x0], $0xffff  }
0x292: {  	v55 =	vor.u32 s28, v26;
	_ =	sdelay $0x3  }
0x293: {  	[tilespmem:v54+s17+$0x0] =	vst.idx.msk $0xffff, v48  }
0x294: {  	v56 =	vor.u32 s28, v27;
	v48 =	vld.idx.msk [tilespmem:v55+s14+$0x0], $0xffff  }
0x295: {  	v57 =	vor.u32 s28, v47;
	_ =	sdelay $0x3  }
0x296: {  	s26 =	simm.s32 $0x10;
	[tilespmem:v56+s17+$0x0] =	vst.idx.msk $0xffff, v48  }
0x297: {  	v58 =	vor.u32 s26, v45;
	v48 =	vld.idx.msk [tilespmem:v57+s14+$0x0], $0xffff  }
0x298: {  	v59 =	vor.u32 s28, v28;
	_ =	sdelay $0x3  }
0x299: {  	[tilespmem:v58+s17+$0x0] =	vst.idx.msk $0xffff, v48  }
0x29a: {  	v60 =	vor.u32 s26, v4;
	v48 =	vld.idx.msk [tilespmem:v59+s14+$0x0], $0xffff  }
0x29b: {  	v61 =	vor.u32 s28, v29;
	_ =	sdelay $0x3  }
0x29c: {  	[tilespmem:v60+s17+$0x0] =	vst.idx.msk $0xffff, v48  }
0x29d: {  	v62 =	vor.u32 s26, v6;
	v48 =	vld.idx.msk [tilespmem:v61+s14+$0x0], $0xffff  }
0x29e: {  	v63 =	vor.u32 s28, v30;
	_ =	sdelay $0x3  }
0x29f: {  	[tilespmem:v62+s17+$0x0] =	vst.idx.msk $0xffff, v48  }
0x2a0: {  	v52 =	vor.u32 s26, v43;
	v48 =	vld.idx.msk [tilespmem:v63+s14+$0x0], $0xffff  }
0x2a1: {  	v53 =	vor.u32 s28, v31;
	_ =	sdelay $0x3  }
0x2a2: {  	[tilespmem:v52+s17+$0x0] =	vst.idx.msk $0xffff, v48  }
0x2a3: {  	v54 =	vor.u32 s26, v44;
	v48 =	vld.idx.msk [tilespmem:v53+s14+$0x0], $0xffff  }
0x2a4: {  	v55 =	vor.u32 s28, v32;
	_ =	sdelay $0x3  }
0x2a5: {  	[tilespmem:v54+s17+$0x0] =	vst.idx.msk $0xffff, v48  }
0x2a6: {  	v56 =	vor.u32 s26, v0;
	v48 =	vld.idx.msk [tilespmem:v55+s14+$0x0], $0xffff  }
0x2a7: {  	v57 =	vor.u32 s28, v33;
	_ =	sdelay $0x3  }
0x2a8: {  	[tilespmem:v56+s17+$0x0] =	vst.idx.msk $0xffff, v48  }
0x2a9: {  	v58 =	vor.u32 s26, v11;
	v48 =	vld.idx.msk [tilespmem:v57+s14+$0x0], $0xffff  }
0x2aa: {  	v59 =	vor.u32 s28, v34;
	_ =	sdelay $0x3  }
0x2ab: {  	[tilespmem:v58+s17+$0x0] =	vst.idx.msk $0xffff, v48  }
0x2ac: {  	v60 =	vor.u32 s26, v13;
	v48 =	vld.idx.msk [tilespmem:v59+s14+$0x0], $0xffff  }
0x2ad: {  	v61 =	vor.u32 s28, v35;
	_ =	sdelay $0x3  }
0x2ae: {  	[tilespmem:v60+s17+$0x0] =	vst.idx.msk $0xffff, v48  }
0x2af: {  	v62 =	vor.u32 s26, v46;
	v48 =	vld.idx.msk [tilespmem:v61+s14+$0x0], $0xffff  }
0x2b0: {  	v63 =	vor.u32 s28, v36;
	_ =	sdelay $0x3  }
0x2b1: {  	[tilespmem:v62+s17+$0x0] =	vst.idx.msk $0xffff, v48  }
0x2b2: {  	v52 =	vor.u32 s26, v1;
	v48 =	vld.idx.msk [tilespmem:v63+s14+$0x0], $0xffff  }
0x2b3: {  	v53 =	vor.u32 s28, v37;
	_ =	sdelay $0x3  }
0x2b4: {  	[tilespmem:v52+s17+$0x0] =	vst.idx.msk $0xffff, v48  }
0x2b5: {  	v54 =	vor.u32 s26, v17;
	v48 =	vld.idx.msk [tilespmem:v53+s14+$0x0], $0xffff  }
0x2b6: {  	v55 =	vor.u32 s28, v38;
	_ =	sdelay $0x3  }
0x2b7: {  	[tilespmem:v54+s17+$0x0] =	vst.idx.msk $0xffff, v48  }
0x2b8: {  	v56 =	vor.u32 s26, v19;
	v48 =	vld.idx.msk [tilespmem:v55+s14+$0x0], $0xffff  }
0x2b9: {  	v57 =	vor.u32 s28, v39;
	_ =	sdelay $0x3  }
0x2ba: {  	[tilespmem:v56+s17+$0x0] =	vst.idx.msk $0xffff, v48  }
0x2bb: {  	v58 =	vor.u32 s26, v21;
	v48 =	vld.idx.msk [tilespmem:v57+s14+$0x0], $0xffff  }
0x2bc: {  	v59 =	vor.u32 s28, v40;
	_ =	sdelay $0x3  }
0x2bd: {  	[tilespmem:v58+s17+$0x0] =	vst.idx.msk $0xffff, v48  }
0x2be: {  	v60 =	vor.u32 s26, v23;
	v48 =	vld.idx.msk [tilespmem:v59+s14+$0x0], $0xffff  }
0x2bf: {  	v61 =	vor.u32 s28, v41;
	_ =	sdelay $0x3  }
0x2c0: {  	[tilespmem:v60+s17+$0x0] =	vst.idx.msk $0xffff, v48  }
0x2c1: {  	v62 =	vor.u32 s26, v25;
	v48 =	vld.idx.msk [tilespmem:v61+s14+$0x0], $0xffff  }
0x2c2: {  	v63 =	vor.u32 s28, v42;
	_ =	sdelay $0x3  }
0x2c3: {  	[tilespmem:v62+s17+$0x0] =	vst.idx.msk $0xffff, v48  }
0x2c4: {  	v50 =	vor.u32 s26, v27;
	v48 =	vld.idx.msk [tilespmem:v63+s14+$0x0], $0xffff  }
0x2c5: {  	s29 =	simm.s32 $0x20;
	v49 =	vor.u32 s26, v2  }
.LBB2_8:
0x2c6: {  	p1 =	sne.s32 s29, $0x70;
	_ =	sdelay $0x2  }
0x2c7: {  	[tilespmem:v50+s17+$0x0] =	vst.idx.msk $0xffff, v48  }
0x2c8: {  	s28 =	sadd.s32 $0x200, s28;
	v48 =	vld.idx.msk [tilespmem:v49+s14+$0x0], $0xffff  }
0x2c9: {  	v49 =	vor.u32 s28, v45  }
0x2ca: {  	v50 =	vor.u32 s26, v3;
	_ =	sdelay $0x3  }
0x2cb: {  	[tilespmem:v49+s17+$0x0] =	vst.idx.msk $0xffff, v48  }
0x2cc: {  	v48 =	vld.idx.msk [tilespmem:v50+s14+$0x0], $0xffff  }
0x2cd: {  	v49 =	vor.u32 s28, v4  }
0x2ce: {  	v50 =	vor.u32 s26, v5;
	_ =	sdelay $0x3  }
0x2cf: {  	[tilespmem:v49+s17+$0x0] =	vst.idx.msk $0xffff, v48  }
0x2d0: {  	v48 =	vld.idx.msk [tilespmem:v50+s14+$0x0], $0xffff  }
0x2d1: {  	v49 =	vor.u32 s28, v6  }
0x2d2: {  	v50 =	vor.u32 s26, v7;
	_ =	sdelay $0x3  }
0x2d3: {  	[tilespmem:v49+s17+$0x0] =	vst.idx.msk $0xffff, v48  }
0x2d4: {  	v48 =	vld.idx.msk [tilespmem:v50+s14+$0x0], $0xffff  }
0x2d5: {  	v49 =	vor.u32 s28, v43  }
0x2d6: {  	v50 =	vor.u32 s26, v8;
	_ =	sdelay $0x3  }
0x2d7: {  	[tilespmem:v49+s17+$0x0] =	vst.idx.msk $0xffff, v48  }
0x2d8: {  	v48 =	vld.idx.msk [tilespmem:v50+s14+$0x0], $0xffff  }
0x2d9: {  	v49 =	vor.u32 s28, v44  }
0x2da: {  	v50 =	vor.u32 s26, v9;
	_ =	sdelay $0x3  }
0x2db: {  	[tilespmem:v49+s17+$0x0] =	vst.idx.msk $0xffff, v48  }
0x2dc: {  	v48 =	vld.idx.msk [tilespmem:v50+s14+$0x0], $0xffff  }
0x2dd: {  	v49 =	vor.u32 s28, v0  }
0x2de: {  	v50 =	vor.u32 s26, v10;
	_ =	sdelay $0x3  }
0x2df: {  	[tilespmem:v49+s17+$0x0] =	vst.idx.msk $0xffff, v48  }
0x2e0: {  	v48 =	vld.idx.msk [tilespmem:v50+s14+$0x0], $0xffff  }
0x2e1: {  	v49 =	vor.u32 s28, v11  }
0x2e2: {  	v50 =	vor.u32 s26, v12;
	_ =	sdelay $0x3  }
0x2e3: {  	[tilespmem:v49+s17+$0x0] =	vst.idx.msk $0xffff, v48  }
0x2e4: {  	v48 =	vld.idx.msk [tilespmem:v50+s14+$0x0], $0xffff  }
0x2e5: {  	v49 =	vor.u32 s28, v13  }
0x2e6: {  	v50 =	vor.u32 s26, v14;
	_ =	sdelay $0x3  }
0x2e7: {  	[tilespmem:v49+s17+$0x0] =	vst.idx.msk $0xffff, v48  }
0x2e8: {  	v48 =	vld.idx.msk [tilespmem:v50+s14+$0x0], $0xffff  }
0x2e9: {  	v49 =	vor.u32 s28, v46  }
0x2ea: {  	v50 =	vor.u32 s26, v15;
	_ =	sdelay $0x3  }
0x2eb: {  	[tilespmem:v49+s17+$0x0] =	vst.idx.msk $0xffff, v48  }
0x2ec: {  	v48 =	vld.idx.msk [tilespmem:v50+s14+$0x0], $0xffff  }
0x2ed: {  	v49 =	vor.u32 s28, v1  }
0x2ee: {  	v50 =	vor.u32 s26, v16;
	_ =	sdelay $0x3  }
0x2ef: {  	[tilespmem:v49+s17+$0x0] =	vst.idx.msk $0xffff, v48  }
0x2f0: {  	v48 =	vld.idx.msk [tilespmem:v50+s14+$0x0], $0xffff  }
0x2f1: {  	v49 =	vor.u32 s28, v17  }
0x2f2: {  	v50 =	vor.u32 s26, v18;
	_ =	sdelay $0x3  }
0x2f3: {  	[tilespmem:v49+s17+$0x0] =	vst.idx.msk $0xffff, v48  }
0x2f4: {  	v48 =	vld.idx.msk [tilespmem:v50+s14+$0x0], $0xffff  }
0x2f5: {  	v49 =	vor.u32 s28, v19  }
0x2f6: {  	v50 =	vor.u32 s26, v20;
	_ =	sdelay $0x3  }
0x2f7: {  	[tilespmem:v49+s17+$0x0] =	vst.idx.msk $0xffff, v48  }
0x2f8: {  	v48 =	vld.idx.msk [tilespmem:v50+s14+$0x0], $0xffff  }
0x2f9: {  	v49 =	vor.u32 s28, v21  }
0x2fa: {  	v50 =	vor.u32 s26, v22;
	_ =	sdelay $0x3  }
0x2fb: {  	[tilespmem:v49+s17+$0x0] =	vst.idx.msk $0xffff, v48  }
0x2fc: {  	v48 =	vld.idx.msk [tilespmem:v50+s14+$0x0], $0xffff  }
0x2fd: {  	v49 =	vor.u32 s28, v23  }
0x2fe: {  	v50 =	vor.u32 s26, v24;
	_ =	sdelay $0x3  }
0x2ff: {  	[tilespmem:v49+s17+$0x0] =	vst.idx.msk $0xffff, v48  }
0x300: {  	v48 =	vld.idx.msk [tilespmem:v50+s14+$0x0], $0xffff  }
0x301: {  	v49 =	vor.u32 s28, v25  }
0x302: {  	v50 =	vor.u32 s26, v26;
	_ =	sdelay $0x3  }
0x303: {  	[tilespmem:v49+s17+$0x0] =	vst.idx.msk $0xffff, v48  }
0x304: {  	v48 =	vld.idx.msk [tilespmem:v50+s14+$0x0], $0xffff  }
0x305: {  	v49 =	vor.u32 s28, v27  }
0x306: {  	v50 =	vor.u32 s26, v47;
	_ =	sdelay $0x3  }
0x307: {  	[tilespmem:v49+s17+$0x0] =	vst.idx.msk $0xffff, v48  }
0x308: {  	s30 =	sadd.s32 $0x10, s28;
	v48 =	vld.idx.msk [tilespmem:v50+s14+$0x0], $0xffff  }
0x309: {  	v49 =	vor.u32 s30, v45  }
0x30a: {  	v50 =	vor.u32 s26, v28;
	_ =	sdelay $0x3  }
0x30b: {  	[tilespmem:v49+s17+$0x0] =	vst.idx.msk $0xffff, v48  }
0x30c: {  	v48 =	vld.idx.msk [tilespmem:v50+s14+$0x0], $0xffff  }
0x30d: {  	v49 =	vor.u32 s30, v4  }
0x30e: {  	v50 =	vor.u32 s26, v29;
	_ =	sdelay $0x3  }
0x30f: {  	[tilespmem:v49+s17+$0x0] =	vst.idx.msk $0xffff, v48  }
0x310: {  	v48 =	vld.idx.msk [tilespmem:v50+s14+$0x0], $0xffff  }
0x311: {  	v49 =	vor.u32 s30, v6  }
0x312: {  	v50 =	vor.u32 s26, v30;
	_ =	sdelay $0x3  }
0x313: {  	[tilespmem:v49+s17+$0x0] =	vst.idx.msk $0xffff, v48  }
0x314: {  	v48 =	vld.idx.msk [tilespmem:v50+s14+$0x0], $0xffff  }
0x315: {  	v49 =	vor.u32 s30, v43  }
0x316: {  	v50 =	vor.u32 s26, v31;
	_ =	sdelay $0x3  }
0x317: {  	[tilespmem:v49+s17+$0x0] =	vst.idx.msk $0xffff, v48  }
0x318: {  	v48 =	vld.idx.msk [tilespmem:v50+s14+$0x0], $0xffff  }
0x319: {  	v49 =	vor.u32 s30, v44  }
0x31a: {  	v50 =	vor.u32 s26, v32;
	_ =	sdelay $0x3  }
0x31b: {  	[tilespmem:v49+s17+$0x0] =	vst.idx.msk $0xffff, v48  }
0x31c: {  	v48 =	vld.idx.msk [tilespmem:v50+s14+$0x0], $0xffff  }
0x31d: {  	v49 =	vor.u32 s30, v0  }
0x31e: {  	v50 =	vor.u32 s26, v33;
	_ =	sdelay $0x3  }
0x31f: {  	[tilespmem:v49+s17+$0x0] =	vst.idx.msk $0xffff, v48  }
0x320: {  	v48 =	vld.idx.msk [tilespmem:v50+s14+$0x0], $0xffff  }
0x321: {  	v49 =	vor.u32 s30, v11  }
0x322: {  	v50 =	vor.u32 s26, v34;
	_ =	sdelay $0x3  }
0x323: {  	[tilespmem:v49+s17+$0x0] =	vst.idx.msk $0xffff, v48  }
0x324: {  	v48 =	vld.idx.msk [tilespmem:v50+s14+$0x0], $0xffff  }
0x325: {  	v49 =	vor.u32 s30, v13  }
0x326: {  	v50 =	vor.u32 s26, v35;
	_ =	sdelay $0x3  }
0x327: {  	[tilespmem:v49+s17+$0x0] =	vst.idx.msk $0xffff, v48  }
0x328: {  	v48 =	vld.idx.msk [tilespmem:v50+s14+$0x0], $0xffff  }
0x329: {  	v49 =	vor.u32 s30, v46  }
0x32a: {  	v50 =	vor.u32 s26, v36;
	_ =	sdelay $0x3  }
0x32b: {  	[tilespmem:v49+s17+$0x0] =	vst.idx.msk $0xffff, v48  }
0x32c: {  	v48 =	vld.idx.msk [tilespmem:v50+s14+$0x0], $0xffff  }
0x32d: {  	v49 =	vor.u32 s30, v1  }
0x32e: {  	v50 =	vor.u32 s26, v37;
	_ =	sdelay $0x3  }
0x32f: {  	[tilespmem:v49+s17+$0x0] =	vst.idx.msk $0xffff, v48  }
0x330: {  	v48 =	vld.idx.msk [tilespmem:v50+s14+$0x0], $0xffff  }
0x331: {  	v49 =	vor.u32 s30, v17  }
0x332: {  	v50 =	vor.u32 s26, v38;
	_ =	sdelay $0x3  }
0x333: {  	[tilespmem:v49+s17+$0x0] =	vst.idx.msk $0xffff, v48  }
0x334: {  	v48 =	vld.idx.msk [tilespmem:v50+s14+$0x0], $0xffff  }
0x335: {  	v49 =	vor.u32 s30, v19  }
0x336: {  	v50 =	vor.u32 s26, v39;
	_ =	sdelay $0x3  }
0x337: {  	[tilespmem:v49+s17+$0x0] =	vst.idx.msk $0xffff, v48  }
0x338: {  	v48 =	vld.idx.msk [tilespmem:v50+s14+$0x0], $0xffff  }
0x339: {  	v49 =	vor.u32 s30, v21  }
0x33a: {  	v50 =	vor.u32 s26, v40;
	_ =	sdelay $0x3  }
0x33b: {  	[tilespmem:v49+s17+$0x0] =	vst.idx.msk $0xffff, v48  }
0x33c: {  	v48 =	vld.idx.msk [tilespmem:v50+s14+$0x0], $0xffff  }
0x33d: {  	v49 =	vor.u32 s30, v23  }
0x33e: {  	v50 =	vor.u32 s26, v41;
	_ =	sdelay $0x3  }
0x33f: {  	[tilespmem:v49+s17+$0x0] =	vst.idx.msk $0xffff, v48  }
0x340: {  	v48 =	vld.idx.msk [tilespmem:v50+s14+$0x0], $0xffff  }
0x341: {  	v49 =	vor.u32 s30, v25  }
0x342: {  	v50 =	vor.u32 s26, v42;
	s26 =	smov.u32 s29;
	_ =	sdelay $0x2  }
.Ltmp7:
0x343: {  	(pc) =	sbr.rel @p1 .LBB2_8-.Ltmp7, $4  }
0x344: {  	[tilespmem:v49+s17+$0x0] =	vst.idx.msk $0xffff, v48  }
0x345: {  	v48 =	vld.idx.msk [tilespmem:v50+s14+$0x0], $0xffff  }
0x346: {  	v50 =	vor.u32 s30, v27  }
0x347: {  	s29 =	sadd.s32 $0x10, s29;
	v49 =	vor.u32 s26, v2  }
0x348: {  	_ =	sdelay $0x3  }
0x349: {  	s3 =	sadd.s32 $0x200, s28;
	[tilespmem:v50+s17+$0x0] =	vst.idx.msk $0xffff, v48  }
0x34a: {  	v61 =	vor.u32 s3, v45;
	v48 =	vld.idx.msk [tilespmem:v49+s14+$0x0], $0xffff  }
0x34b: {  	v62 =	vor.u32 s26, v3;
	_ =	sdelay $0x3  }
0x34c: {  	[tilespmem:v61+s17+$0x0] =	vst.idx.msk $0xffff, v48  }
0x34d: {  	v63 =	vor.u32 s3, v4;
	v48 =	vld.idx.msk [tilespmem:v62+s14+$0x0], $0xffff  }
0x34e: {  	v52 =	vor.u32 s26, v5;
	_ =	sdelay $0x3  }
0x34f: {  	[tilespmem:v63+s17+$0x0] =	vst.idx.msk $0xffff, v48  }
0x350: {  	v53 =	vor.u32 s3, v6;
	v48 =	vld.idx.msk [tilespmem:v52+s14+$0x0], $0xffff  }
0x351: {  	v54 =	vor.u32 s26, v7;
	_ =	sdelay $0x3  }
0x352: {  	[tilespmem:v53+s17+$0x0] =	vst.idx.msk $0xffff, v48  }
0x353: {  	v55 =	vor.u32 s3, v43;
	v48 =	vld.idx.msk [tilespmem:v54+s14+$0x0], $0xffff  }
0x354: {  	v56 =	vor.u32 s26, v8;
	_ =	sdelay $0x3  }
0x355: {  	[tilespmem:v55+s17+$0x0] =	vst.idx.msk $0xffff, v48  }
0x356: {  	v57 =	vor.u32 s3, v44;
	v48 =	vld.idx.msk [tilespmem:v56+s14+$0x0], $0xffff  }
0x357: {  	v58 =	vor.u32 s26, v9;
	_ =	sdelay $0x3  }
0x358: {  	[tilespmem:v57+s17+$0x0] =	vst.idx.msk $0xffff, v48  }
0x359: {  	v59 =	vor.u32 s3, v0;
	v48 =	vld.idx.msk [tilespmem:v58+s14+$0x0], $0xffff  }
0x35a: {  	v60 =	vor.u32 s26, v10;
	_ =	sdelay $0x3  }
0x35b: {  	[tilespmem:v59+s17+$0x0] =	vst.idx.msk $0xffff, v48  }
0x35c: {  	v61 =	vor.u32 s3, v11;
	v48 =	vld.idx.msk [tilespmem:v60+s14+$0x0], $0xffff  }
0x35d: {  	v62 =	vor.u32 s26, v12;
	_ =	sdelay $0x3  }
0x35e: {  	[tilespmem:v61+s17+$0x0] =	vst.idx.msk $0xffff, v48  }
0x35f: {  	v63 =	vor.u32 s3, v13;
	v48 =	vld.idx.msk [tilespmem:v62+s14+$0x0], $0xffff  }
0x360: {  	v52 =	vor.u32 s26, v14;
	_ =	sdelay $0x3  }
0x361: {  	[tilespmem:v63+s17+$0x0] =	vst.idx.msk $0xffff, v48  }
0x362: {  	v53 =	vor.u32 s3, v46;
	v48 =	vld.idx.msk [tilespmem:v52+s14+$0x0], $0xffff  }
0x363: {  	v54 =	vor.u32 s26, v15;
	_ =	sdelay $0x3  }
0x364: {  	[tilespmem:v53+s17+$0x0] =	vst.idx.msk $0xffff, v48  }
0x365: {  	v55 =	vor.u32 s3, v1;
	v48 =	vld.idx.msk [tilespmem:v54+s14+$0x0], $0xffff  }
0x366: {  	v56 =	vor.u32 s26, v16;
	_ =	sdelay $0x3  }
0x367: {  	[tilespmem:v55+s17+$0x0] =	vst.idx.msk $0xffff, v48  }
0x368: {  	v57 =	vor.u32 s3, v17;
	v48 =	vld.idx.msk [tilespmem:v56+s14+$0x0], $0xffff  }
0x369: {  	v58 =	vor.u32 s26, v18;
	_ =	sdelay $0x3  }
0x36a: {  	[tilespmem:v57+s17+$0x0] =	vst.idx.msk $0xffff, v48  }
0x36b: {  	v59 =	vor.u32 s3, v19;
	v48 =	vld.idx.msk [tilespmem:v58+s14+$0x0], $0xffff  }
0x36c: {  	v60 =	vor.u32 s26, v20;
	_ =	sdelay $0x3  }
0x36d: {  	[tilespmem:v59+s17+$0x0] =	vst.idx.msk $0xffff, v48  }
0x36e: {  	v61 =	vor.u32 s3, v21;
	v48 =	vld.idx.msk [tilespmem:v60+s14+$0x0], $0xffff  }
0x36f: {  	v62 =	vor.u32 s26, v22;
	_ =	sdelay $0x3  }
0x370: {  	[tilespmem:v61+s17+$0x0] =	vst.idx.msk $0xffff, v48  }
0x371: {  	v63 =	vor.u32 s3, v23;
	v48 =	vld.idx.msk [tilespmem:v62+s14+$0x0], $0xffff  }
0x372: {  	v52 =	vor.u32 s26, v24;
	_ =	sdelay $0x3  }
0x373: {  	[tilespmem:v63+s17+$0x0] =	vst.idx.msk $0xffff, v48  }
0x374: {  	v53 =	vor.u32 s3, v25;
	v48 =	vld.idx.msk [tilespmem:v52+s14+$0x0], $0xffff  }
0x375: {  	v54 =	vor.u32 s26, v26;
	_ =	sdelay $0x3  }
0x376: {  	[tilespmem:v53+s17+$0x0] =	vst.idx.msk $0xffff, v48  }
0x377: {  	v55 =	vor.u32 s3, v27;
	v48 =	vld.idx.msk [tilespmem:v54+s14+$0x0], $0xffff  }
0x378: {  	v56 =	vor.u32 s26, v47;
	_ =	sdelay $0x3  }
0x379: {  	s3 =	sadd.s32 $0x10, s3;
	[tilespmem:v55+s17+$0x0] =	vst.idx.msk $0xffff, v48  }
0x37a: {  	v57 =	vor.u32 s3, v45;
	v48 =	vld.idx.msk [tilespmem:v56+s14+$0x0], $0xffff  }
0x37b: {  	v58 =	vor.u32 s26, v28;
	_ =	sdelay $0x3  }
0x37c: {  	[tilespmem:v57+s17+$0x0] =	vst.idx.msk $0xffff, v48  }
0x37d: {  	v59 =	vor.u32 s3, v4;
	v48 =	vld.idx.msk [tilespmem:v58+s14+$0x0], $0xffff  }
0x37e: {  	v60 =	vor.u32 s26, v29;
	_ =	sdelay $0x3  }
0x37f: {  	[tilespmem:v59+s17+$0x0] =	vst.idx.msk $0xffff, v48  }
0x380: {  	v61 =	vor.u32 s3, v6;
	v48 =	vld.idx.msk [tilespmem:v60+s14+$0x0], $0xffff  }
0x381: {  	v62 =	vor.u32 s26, v30;
	_ =	sdelay $0x3  }
0x382: {  	[tilespmem:v61+s17+$0x0] =	vst.idx.msk $0xffff, v48  }
0x383: {  	v63 =	vor.u32 s3, v43;
	v48 =	vld.idx.msk [tilespmem:v62+s14+$0x0], $0xffff  }
0x384: {  	v52 =	vor.u32 s26, v31;
	_ =	sdelay $0x3  }
0x385: {  	[tilespmem:v63+s17+$0x0] =	vst.idx.msk $0xffff, v48  }
0x386: {  	v53 =	vor.u32 s3, v44;
	v48 =	vld.idx.msk [tilespmem:v52+s14+$0x0], $0xffff  }
0x387: {  	v54 =	vor.u32 s26, v32;
	_ =	sdelay $0x3  }
0x388: {  	[tilespmem:v53+s17+$0x0] =	vst.idx.msk $0xffff, v48  }
0x389: {  	v55 =	vor.u32 s3, v0;
	v48 =	vld.idx.msk [tilespmem:v54+s14+$0x0], $0xffff  }
0x38a: {  	v56 =	vor.u32 s26, v33;
	_ =	sdelay $0x3  }
0x38b: {  	[tilespmem:v55+s17+$0x0] =	vst.idx.msk $0xffff, v48  }
0x38c: {  	v57 =	vor.u32 s3, v11;
	v48 =	vld.idx.msk [tilespmem:v56+s14+$0x0], $0xffff  }
0x38d: {  	v58 =	vor.u32 s26, v34;
	_ =	sdelay $0x3  }
0x38e: {  	[tilespmem:v57+s17+$0x0] =	vst.idx.msk $0xffff, v48  }
0x38f: {  	v59 =	vor.u32 s3, v13;
	v48 =	vld.idx.msk [tilespmem:v58+s14+$0x0], $0xffff  }
0x390: {  	v60 =	vor.u32 s26, v35;
	_ =	sdelay $0x3  }
0x391: {  	[tilespmem:v59+s17+$0x0] =	vst.idx.msk $0xffff, v48  }
0x392: {  	v61 =	vor.u32 s3, v46;
	v48 =	vld.idx.msk [tilespmem:v60+s14+$0x0], $0xffff  }
0x393: {  	v62 =	vor.u32 s26, v36;
	_ =	sdelay $0x3  }
0x394: {  	[tilespmem:v61+s17+$0x0] =	vst.idx.msk $0xffff, v48  }
0x395: {  	v63 =	vor.u32 s3, v1;
	v48 =	vld.idx.msk [tilespmem:v62+s14+$0x0], $0xffff  }
0x396: {  	v52 =	vor.u32 s26, v37;
	_ =	sdelay $0x3  }
0x397: {  	[tilespmem:v63+s17+$0x0] =	vst.idx.msk $0xffff, v48  }
0x398: {  	v53 =	vor.u32 s3, v17;
	v48 =	vld.idx.msk [tilespmem:v52+s14+$0x0], $0xffff  }
0x399: {  	v54 =	vor.u32 s26, v38;
	_ =	sdelay $0x3  }
0x39a: {  	[tilespmem:v53+s17+$0x0] =	vst.idx.msk $0xffff, v48  }
0x39b: {  	v55 =	vor.u32 s3, v19;
	v48 =	vld.idx.msk [tilespmem:v54+s14+$0x0], $0xffff  }
0x39c: {  	v56 =	vor.u32 s26, v39;
	_ =	sdelay $0x3  }
0x39d: {  	[tilespmem:v55+s17+$0x0] =	vst.idx.msk $0xffff, v48  }
0x39e: {  	v57 =	vor.u32 s3, v21;
	v48 =	vld.idx.msk [tilespmem:v56+s14+$0x0], $0xffff  }
0x39f: {  	v58 =	vor.u32 s26, v40;
	_ =	sdelay $0x3  }
0x3a0: {  	[tilespmem:v57+s17+$0x0] =	vst.idx.msk $0xffff, v48  }
0x3a1: {  	v59 =	vor.u32 s3, v23;
	v48 =	vld.idx.msk [tilespmem:v58+s14+$0x0], $0xffff  }
0x3a2: {  	v60 =	vor.u32 s26, v41;
	_ =	sdelay $0x3  }
0x3a3: {  	[tilespmem:v59+s17+$0x0] =	vst.idx.msk $0xffff, v48  }
0x3a4: {  	v61 =	vor.u32 s3, v25;
	v48 =	vld.idx.msk [tilespmem:v60+s14+$0x0], $0xffff  }
0x3a5: {  	v62 =	vor.u32 s26, v42;
	_ =	sdelay $0x3  }
0x3a6: {  	[tilespmem:v61+s17+$0x0] =	vst.idx.msk $0xffff, v48  }
0x3a7: {  	v63 =	vor.u32 s3, v27;
	v48 =	vld.idx.msk [tilespmem:v62+s14+$0x0], $0xffff;
	_ =	sdelay $0x3  }
0x3a8: {  	s31 =	sshll.u32 s25, $0xE  }
0x3a9: {  	s3 =	sadd.s32 s31, s8;
	[tilespmem:v63+s17+$0x0] =	vst.idx.msk $0xffff, v48  }
0x3aa: {  	[hbm4b:s3+s4] =	stream.linear.scatter [tilespmem:s17], [sflag:$0x2], $0x1000, $0x38;
	[tilespmem:$0x8000] =	vst v63  }
.Ltmp8:
0x3ab: {  	s3 =	sadd.s32 $0x3, s24;
	(pc) =	sbr.rel .LBB2_10-.Ltmp8, $4  }
0x3ac: {  	p1 =	sge.u32 s3, s9  }
0x3ad: {  	s3 =	sshll.u32 @!p1 s3, $0xC;
	s24 =	simm.s32 @!p1 $0x400  }
0x3ae: {  	s25 =	simm.s32 @!p1 $0x7A1400;
	s26 =	simm.s32 @!p1 $0x1000;
	s3 =	sadd.s32 @!p1 s3, s6  }
0x3af: {  	[tilespmem:s26], [sflag:$0x1] =	stream.strided.gather @!p1 [hbm4b:s3+s24], $0x1000, s25, s24, $0x38;
	[tilespmem:$0x8000] =	vst v63  }
.LBB2_11:
0x3b0: {  	_ =	swait.ge [sflag:s18], $0x1000  }
0x3b1: {  	[sflag:s18] =	ssyncset.done $0x0  }
0x3b2: {  	[sflag:s18] =	ssyncadd.s32 $0xFFFFF000  }
0x3b3: {  	_ =	swait.ge [sflag:s18], $0x1000  }
0x3b4: {  	[sflag:s18] =	ssyncset.done $0x0  }
0x3b5: {  	s3 =	simm.s32 @!p0 $0x0;
	[sflag:s18] =	ssyncadd.s32 $0xFFFFF000  }
0x3b6: {  	s23 =	simm.s32 @!p0 $0x2000;
	s24 =	simm.s32 @!p0 $0x4;
	s1 =	rddreg [dreg:$0x2]  }
0x3b7: {  	[tilespmem:s23], [sflag:$0x4] =	stream.linear.gather @!p0 [hbm4b:s1+s3], $0x800, $0x38;
	[tilespmem:$0x8000] =	vst v63  }
0x3b8: {  	_ =	swait.ge @!p0 [sflag:s24], $0x800  }
0x3b9: {  	[sflag:s24] =	ssyncset.done @!p0 $0x0  }
.Ltmp9:
0x3ba: {  	[sflag:s24] =	ssyncadd.s32 @!p0 $0xFFFFF800;
	(pc) =	sbr.rel .LBB2_12-.Ltmp9, $4  }
0x3bb: {  	[hbm4b:s10+s3] =	stream.linear.scatter @!p0 [tilespmem:s23], [sflag:$0x4], $0x800, $0x38;
	[tilespmem:$0x8000] =	vst v63  }
0x3bc: {  	_ =	swait.ge @!p0 [sflag:s24], $0x800  }
0x3bd: {  	[sflag:s24] =	ssyncset.done @!p0 $0x0  }
0x3be: {  	s23 =	simm.s32 $0x0;
	[sflag:s24] =	ssyncadd.s32 @!p0 $0xFFFFF800;
	s24 =	simm.s32 $0x0  }
.LBB2_14:
0x3bf: {  	s29 =	smov.u32 s25;
	s28 =	simm.s32 $0x0  }
.LBB2_18:
0x3c0: {  	s2 =	sadd.s32 @p1 $0x4000, s29  }
0x3c1: {  	s3 =	sand.u32 $0xFFFFC000, s26;
	s30 =	sand.u32 $0x380, s28;
	s25 =	smov.u32 @p1 s2  }
0x3c2: {  	s1 =	rddreg [dreg:$0x5];
	s3 =	sor.u32 s30, s3;
	s2 =	sshrl.u32 s25, $0x3  }
0x3c3: {  	[sflag:s21] =	ssyncadd.s32 @p1 $0xFFFFF800;
	s31 =	sadd.s32 $0x4000, s3;
	s1 =	sadd.s32 s1, s2  }
0x3c4: {  	[hbm4b:s1+s4] =	stream.linear.scatter [tilespmem:s31], [sflag:$0x3], $0x80, $0x38;
	[tilespmem:$0x8000] =	vst v63  }
0x3c5: {  	s25 =	sadd.s32 $0x4400, s3;
	s26 =	sadd.s32 $0x10, s1  }
0x3c6: {  	[hbm4b:s26+s4] =	stream.linear.scatter [tilespmem:s25], [sflag:$0x3], $0x80, $0x38;
	[tilespmem:$0x8000] =	vst v63  }
0x3c7: {  	s28 =	sadd.s32 $0x4800, s3;
	s29 =	sadd.s32 $0x20, s1  }
0x3c8: {  	[hbm4b:s29+s4] =	stream.linear.scatter [tilespmem:s28], [sflag:$0x3], $0x80, $0x38;
	[tilespmem:$0x8000] =	vst v63  }
0x3c9: {  	s30 =	sadd.s32 $0x4C00, s3;
	s31 =	sadd.s32 $0x30, s1  }
0x3ca: {  	[hbm4b:s31+s4] =	stream.linear.scatter [tilespmem:s30], [sflag:$0x3], $0x80, $0x38;
	[tilespmem:$0x8000] =	vst v63  }
0x3cb: {  	s25 =	sadd.s32 $0x5000, s3;
	s26 =	sadd.s32 $0x40, s1  }
0x3cc: {  	[hbm4b:s26+s4] =	stream.linear.scatter [tilespmem:s25], [sflag:$0x3], $0x80, $0x38;
	[tilespmem:$0x8000] =	vst v63  }
0x3cd: {  	s28 =	sadd.s32 $0x5400, s3;
	s29 =	sadd.s32 $0x50, s1  }
0x3ce: {  	[hbm4b:s29+s4] =	stream.linear.scatter [tilespmem:s28], [sflag:$0x3], $0x80, $0x38;
	[tilespmem:$0x8000] =	vst v63  }
0x3cf: {  	s30 =	sadd.s32 $0x5800, s3;
	s31 =	sadd.s32 $0x60, s1  }
0x3d0: {  	[hbm4b:s31+s4] =	stream.linear.scatter [tilespmem:s30], [sflag:$0x3], $0x80, $0x38;
	[tilespmem:$0x8000] =	vst v63  }
0x3d1: {  	s25 =	sadd.s32 $0x5C00, s3;
	s26 =	sadd.s32 $0x70, s1  }
0x3d2: {  	[hbm4b:s26+s4] =	stream.linear.scatter [tilespmem:s25], [sflag:$0x3], $0x80, $0x38;
	[tilespmem:$0x8000] =	vst v63  }
0x3d3: {  	s28 =	sadd.s32 $0x6000, s3;
	s29 =	sadd.s32 $0x80, s1  }
0x3d4: {  	[hbm4b:s29+s4] =	stream.linear.scatter [tilespmem:s28], [sflag:$0x3], $0x80, $0x38;
	[tilespmem:$0x8000] =	vst v63  }
0x3d5: {  	s30 =	sadd.s32 $0x6400, s3;
	s31 =	sadd.s32 $0x90, s1  }
0x3d6: {  	[hbm4b:s31+s4] =	stream.linear.scatter [tilespmem:s30], [sflag:$0x3], $0x80, $0x38;
	[tilespmem:$0x8000] =	vst v63  }
0x3d7: {  	s25 =	sadd.s32 $0x6800, s3;
	s26 =	sadd.s32 $0xA0, s1  }
0x3d8: {  	[hbm4b:s26+s4] =	stream.linear.scatter [tilespmem:s25], [sflag:$0x3], $0x80, $0x38;
	[tilespmem:$0x8000] =	vst v63  }
0x3d9: {  	s28 =	sadd.s32 $0x6C00, s3;
	s29 =	sadd.s32 $0xB0, s1  }
0x3da: {  	[hbm4b:s29+s4] =	stream.linear.scatter [tilespmem:s28], [sflag:$0x3], $0x80, $0x38;
	[tilespmem:$0x8000] =	vst v63  }
0x3db: {  	s30 =	sadd.s32 $0x7000, s3;
	s31 =	sadd.s32 $0xC0, s1  }
0x3dc: {  	[hbm4b:s31+s4] =	stream.linear.scatter [tilespmem:s30], [sflag:$0x3], $0x80, $0x38;
	[tilespmem:$0x8000] =	vst v63  }
0x3dd: {  	s26 =	sadd.s32 $0x7400, s3;
	s28 =	sadd.s32 $0xD0, s1  }
0x3de: {  	[hbm4b:s28+s4] =	stream.linear.scatter [tilespmem:s26], [sflag:$0x3], $0x80, $0x38;
	[tilespmem:$0x8000] =	vst v63  }
0x3df: {  	s29 =	sadd.s32 $0x7800, s3;
	s30 =	sadd.s32 $0xE0, s1  }
0x3e0: {  	[hbm4b:s30+s4] =	stream.linear.scatter [tilespmem:s29], [sflag:$0x3], $0x80, $0x38;
	[tilespmem:$0x8000] =	vst v63  }
0x3e1: {  	s31 =	sadd.s32 $0x7C00, s3;
	s1 =	sadd.s32 $0xF0, s1  }
0x3e2: {  	[hbm4b:s1+s4] =	stream.linear.scatter [tilespmem:s31], [sflag:$0x3], $0x80, $0x38;
	[tilespmem:$0x8000] =	vst v63  }
0x3e3: {  	_ =	swait.ge [sflag:s21], $0x800  }
0x3e4: {  	[sflag:s21] =	ssyncset.done $0x0  }
0x3e5: {  	[sflag:s21] =	ssyncadd.s32 $0xFFFFF800  }
.LBB2_19:
0x3e6: {  	s24 =	sadd.s32 $0x1, s24  }
0x3e7: {  	p1 =	sne.s32 s24, $0x38  }
.Ltmp10:
0x3e8: {  	_ = 	snop;
	(pc) =	sbr.rel @!p1 .LBB2_20-.Ltmp10, $2  }
0x3e9: {  	_ =	sdelay $0x2  }
0x3ea: {  	s23 =	sadd.s32 $0x1, s23  }
.LBB2_12:
0x3eb: {  	s3 =	sand.u32 $0x1F, s24  }
0x3ec: {  	p1 =	sne.s32 s3, s5  }
.Ltmp11:
0x3ed: {  	_ = 	snop;
	(pc) =	sbr.rel @p1 .LBB2_19-.Ltmp11, $1  }
0x3ee: {  	_ =	sdelay $0x3  }
0x3ef: {  	s3 =	sshll.u32 s24, $0xB  }
0x3f0: {  	s25 =	sshrl.u32 s24, $0x3;
	s3 =	sand.u32 $0x3800, s3  }
0x3f1: {  	s28 =	sshll.u32 s25, $0xE;
	s3 =	sadd.s32 s0, s3  }
0x3f2: {  	p1 =	seq.s32 s25, $0x6;
	s3 =	sadd.s32 s28, s3;
	s28 =	simm.s32 $0x2  }
0x3f3: {  	s28 =	simm.s32 @!p1 $0x8  }
0x3f4: {  	s26 =	sshll.u32 s24, $0xE;
	p2 =	sne.s32 s28, $0x1  }
.Ltmp12:
0x3f5: {  	s29 =	sand.u32 $0xFFFE0000, s26;
	s26 =	simm.s32 $0x0;
	(pc) =	sbr.rel @!p2 .LBB2_14-.Ltmp12, $4  }
0x3f6: {  	[tilespmem:s19], [sflag:$0x4] =	stream.linear.gather [hbm4b:s3+s26], $0x4000, $0x38;
	[tilespmem:$0x8000] =	vst v63  }
0x3f7: {  	s31 =	sand.u32 $0x7, s23;
	_ =	swait.ge [sflag:s20], $0x4000  }
0x3f8: {  	s3 =	sshll.u32 s31, $0xB;
	p1 =	por $0x0, $0x0;
	[sflag:s20] =	ssyncset.done $0x0  }
0x3f9: {  	s25 =	sor.u32 s3, s29;
	s3 =	sadd.s32 $0xFFFFFFFF, s28;
	[sflag:s20] =	ssyncadd.s32 $0xFFFFC000  }
0x3fa: {  	s29 =	sand.u32 $0xFFFFC000, s26;
	s31 =	sand.u32 $0x380, s26  }
0x3fb: {  	s28 =	rddreg [dreg:$0x5];
	s30 =	sshrl.u32 s25, $0x3;
	s26 =	sor.u32 s31, s29  }
0x3fc: {  	s28 =	sadd.s32 s28, s30;
	s29 =	sadd.s32 $0x4000, s26  }
0x3fd: {  	[hbm4b:s28+s4] =	stream.linear.scatter [tilespmem:s29], [sflag:$0x3], $0x80, $0x38;
	[tilespmem:$0x8000] =	vst v63  }
0x3fe: {  	s30 =	sadd.s32 $0x10, s28;
	s29 =	sadd.s32 $0x4400, s26  }
0x3ff: {  	[hbm4b:s30+s4] =	stream.linear.scatter [tilespmem:s29], [sflag:$0x3], $0x80, $0x38;
	[tilespmem:$0x8000] =	vst v63  }
0x400: {  	s29 =	sadd.s32 $0x4800, s26;
	s30 =	sadd.s32 $0x20, s28  }
0x401: {  	[hbm4b:s30+s4] =	stream.linear.scatter [tilespmem:s29], [sflag:$0x3], $0x80, $0x38;
	[tilespmem:$0x8000] =	vst v63  }
0x402: {  	s29 =	sadd.s32 $0x4C00, s26;
	s30 =	sadd.s32 $0x30, s28  }
0x403: {  	[hbm4b:s30+s4] =	stream.linear.scatter [tilespmem:s29], [sflag:$0x3], $0x80, $0x38;
	[tilespmem:$0x8000] =	vst v63  }
0x404: {  	s29 =	sadd.s32 $0x5000, s26;
	s30 =	sadd.s32 $0x40, s28  }
0x405: {  	[hbm4b:s30+s4] =	stream.linear.scatter [tilespmem:s29], [sflag:$0x3], $0x80, $0x38;
	[tilespmem:$0x8000] =	vst v63  }
0x406: {  	s29 =	sadd.s32 $0x5400, s26;
	s30 =	sadd.s32 $0x50, s28  }
0x407: {  	[hbm4b:s30+s4] =	stream.linear.scatter [tilespmem:s29], [sflag:$0x3], $0x80, $0x38;
	[tilespmem:$0x8000] =	vst v63  }
0x408: {  	s29 =	sadd.s32 $0x5800, s26;
	s30 =	sadd.s32 $0x60, s28  }
0x409: {  	[hbm4b:s30+s4] =	stream.linear.scatter [tilespmem:s29], [sflag:$0x3], $0x80, $0x38;
	[tilespmem:$0x8000] =	vst v63  }
0x40a: {  	s29 =	sadd.s32 $0x5C00, s26;
	s30 =	sadd.s32 $0x70, s28  }
0x40b: {  	[hbm4b:s30+s4] =	stream.linear.scatter [tilespmem:s29], [sflag:$0x3], $0x80, $0x38;
	[tilespmem:$0x8000] =	vst v63  }
0x40c: {  	s29 =	sadd.s32 $0x6000, s26;
	s30 =	sadd.s32 $0x80, s28  }
0x40d: {  	[hbm4b:s30+s4] =	stream.linear.scatter [tilespmem:s29], [sflag:$0x3], $0x80, $0x38;
	[tilespmem:$0x8000] =	vst v63  }
0x40e: {  	s29 =	sadd.s32 $0x6400, s26;
	s30 =	sadd.s32 $0x90, s28  }
0x40f: {  	[hbm4b:s30+s4] =	stream.linear.scatter [tilespmem:s29], [sflag:$0x3], $0x80, $0x38;
	[tilespmem:$0x8000] =	vst v63  }
0x410: {  	s29 =	sadd.s32 $0x6800, s26;
	s30 =	sadd.s32 $0xA0, s28  }
0x411: {  	[hbm4b:s30+s4] =	stream.linear.scatter [tilespmem:s29], [sflag:$0x3], $0x80, $0x38;
	[tilespmem:$0x8000] =	vst v63  }
0x412: {  	s29 =	sadd.s32 $0x6C00, s26;
	s30 =	sadd.s32 $0xB0, s28  }
0x413: {  	[hbm4b:s30+s4] =	stream.linear.scatter [tilespmem:s29], [sflag:$0x3], $0x80, $0x38;
	[tilespmem:$0x8000] =	vst v63  }
0x414: {  	s29 =	sadd.s32 $0x7000, s26;
	s30 =	sadd.s32 $0xC0, s28  }
0x415: {  	[hbm4b:s30+s4] =	stream.linear.scatter [tilespmem:s29], [sflag:$0x3], $0x80, $0x38;
	[tilespmem:$0x8000] =	vst v63  }
0x416: {  	s29 =	sadd.s32 $0x7400, s26;
	s30 =	sadd.s32 $0xD0, s28  }
0x417: {  	[hbm4b:s30+s4] =	stream.linear.scatter [tilespmem:s29], [sflag:$0x3], $0x80, $0x38;
	[tilespmem:$0x8000] =	vst v63  }
0x418: {  	p2 =	sne.s32 s3, $0x1;
	s29 =	sadd.s32 $0x7800, s26;
	s30 =	sadd.s32 $0xE0, s28  }
0x419: {  	[hbm4b:s30+s4] =	stream.linear.scatter [tilespmem:s29], [sflag:$0x3], $0x80, $0x38;
	[tilespmem:$0x8000] =	vst v63  }
.Ltmp13:
0x41a: {  	_ = 	snop;
	(pc) =	sbr.rel @!p2 .LBB2_16-.Ltmp13, $4  }
0x41b: {  	p1 =	por $0x1, $0x1;
	s26 =	sadd.s32 $0x7C00, s26;
	s28 =	sadd.s32 $0xF0, s28  }
0x41c: {  	[hbm4b:s28+s4] =	stream.linear.scatter [tilespmem:s26], [sflag:$0x3], $0x80, $0x38;
	[tilespmem:$0x8000] =	vst v63  }
0x41d: {  	s30 =	sadd.s32 $0xFFFFFFFF, s3;
	s29 =	smov.u32 s25;
	_ =	swait.ge [sflag:s21], $0x800  }
0x41e: {  	s28 =	simm.s32 $0x80;
	s26 =	simm.s32 $0x800;
	[sflag:s21] =	ssyncset.done $0x0  }
.LBB2_17:
0x41f: {  	s29 =	sadd.s32 $0x4000, s29;
	s31 =	sand.u32 $0xFFFFC000, s26;
	s2 =	sand.u32 $0x380, s28  }
0x420: {  	s3 =	rddreg [dreg:$0x5];
	s1 =	sshrl.u32 s29, $0x3;
	s31 =	sor.u32 s2, s31  }
0x421: {  	[sflag:s21] =	ssyncadd.s32 $0xFFFFF800;
	s3 =	sadd.s32 s3, s1;
	s2 =	sadd.s32 $0x4000, s31  }
0x422: {  	[hbm4b:s3+s4] =	stream.linear.scatter [tilespmem:s2], [sflag:$0x3], $0x80, $0x38;
	[tilespmem:$0x8000] =	vst v63  }
0x423: {  	s1 =	sadd.s32 $0x4400, s31;
	s2 =	sadd.s32 $0x10, s3  }
0x424: {  	[hbm4b:s2+s4] =	stream.linear.scatter [tilespmem:s1], [sflag:$0x3], $0x80, $0x38;
	[tilespmem:$0x8000] =	vst v63  }
0x425: {  	s1 =	sadd.s32 $0x4800, s31;
	s2 =	sadd.s32 $0x20, s3  }
0x426: {  	[hbm4b:s2+s4] =	stream.linear.scatter [tilespmem:s1], [sflag:$0x3], $0x80, $0x38;
	[tilespmem:$0x8000] =	vst v63  }
0x427: {  	s1 =	sadd.s32 $0x4C00, s31;
	s2 =	sadd.s32 $0x30, s3  }
0x428: {  	[hbm4b:s2+s4] =	stream.linear.scatter [tilespmem:s1], [sflag:$0x3], $0x80, $0x38;
	[tilespmem:$0x8000] =	vst v63  }
0x429: {  	s1 =	sadd.s32 $0x5000, s31;
	s2 =	sadd.s32 $0x40, s3  }
0x42a: {  	[hbm4b:s2+s4] =	stream.linear.scatter [tilespmem:s1], [sflag:$0x3], $0x80, $0x38;
	[tilespmem:$0x8000] =	vst v63  }
0x42b: {  	s1 =	sadd.s32 $0x5400, s31;
	s2 =	sadd.s32 $0x50, s3  }
0x42c: {  	[hbm4b:s2+s4] =	stream.linear.scatter [tilespmem:s1], [sflag:$0x3], $0x80, $0x38;
	[tilespmem:$0x8000] =	vst v63  }
0x42d: {  	s1 =	sadd.s32 $0x5800, s31;
	s2 =	sadd.s32 $0x60, s3  }
0x42e: {  	[hbm4b:s2+s4] =	stream.linear.scatter [tilespmem:s1], [sflag:$0x3], $0x80, $0x38;
	[tilespmem:$0x8000] =	vst v63  }
0x42f: {  	s1 =	sadd.s32 $0x5C00, s31;
	s2 =	sadd.s32 $0x70, s3  }
0x430: {  	[hbm4b:s2+s4] =	stream.linear.scatter [tilespmem:s1], [sflag:$0x3], $0x80, $0x38;
	[tilespmem:$0x8000] =	vst v63  }
0x431: {  	s1 =	sadd.s32 $0x6000, s31;
	s2 =	sadd.s32 $0x80, s3  }
0x432: {  	[hbm4b:s2+s4] =	stream.linear.scatter [tilespmem:s1], [sflag:$0x3], $0x80, $0x38;
	[tilespmem:$0x8000] =	vst v63  }
0x433: {  	s1 =	sadd.s32 $0x6400, s31;
	s2 =	sadd.s32 $0x90, s3  }
0x434: {  	[hbm4b:s2+s4] =	stream.linear.scatter [tilespmem:s1], [sflag:$0x3], $0x80, $0x38;
	[tilespmem:$0x8000] =	vst v63  }
0x435: {  	s1 =	sadd.s32 $0x6800, s31;
	s2 =	sadd.s32 $0xA0, s3  }
0x436: {  	[hbm4b:s2+s4] =	stream.linear.scatter [tilespmem:s1], [sflag:$0x3], $0x80, $0x38;
	[tilespmem:$0x8000] =	vst v63  }
0x437: {  	s1 =	sadd.s32 $0x6C00, s31;
	s2 =	sadd.s32 $0xB0, s3  }
0x438: {  	[hbm4b:s2+s4] =	stream.linear.scatter [tilespmem:s1], [sflag:$0x3], $0x80, $0x38;
	[tilespmem:$0x8000] =	vst v63  }
0x439: {  	s1 =	sadd.s32 $0x7000, s31;
	s2 =	sadd.s32 $0xC0, s3  }
0x43a: {  	[hbm4b:s2+s4] =	stream.linear.scatter [tilespmem:s1], [sflag:$0x3], $0x80, $0x38;
	[tilespmem:$0x8000] =	vst v63  }
0x43b: {  	s1 =	sadd.s32 $0x7400, s31;
	s2 =	sadd.s32 $0xD0, s3  }
0x43c: {  	[hbm4b:s2+s4] =	stream.linear.scatter [tilespmem:s1], [sflag:$0x3], $0x80, $0x38;
	[tilespmem:$0x8000] =	vst v63  }
0x43d: {  	p2 =	sne.s32 s30, $0x1;
	s1 =	sadd.s32 $0x7800, s31;
	s2 =	sadd.s32 $0xE0, s3  }
0x43e: {  	[hbm4b:s2+s4] =	stream.linear.scatter [tilespmem:s1], [sflag:$0x3], $0x80, $0x38;
	[tilespmem:$0x8000] =	vst v63  }
.Ltmp14:
0x43f: {  	_ = 	snop;
	(pc) =	sbr.rel @p2 .LBB2_17-.Ltmp14, $4  }
0x440: {  	s2 =	sadd.s32 $0x7C00, s31;
	s31 =	sadd.s32 $0xF0, s3  }
0x441: {  	[hbm4b:s31+s4] =	stream.linear.scatter [tilespmem:s2], [sflag:$0x3], $0x80, $0x38;
	[tilespmem:$0x8000] =	vst v63  }
0x442: {  	s30 =	sadd.s32 $0xFFFFFFFF, s30;
	_ =	swait.ge [sflag:s21], $0x800  }
0x443: {  	s28 =	sadd.s32 $0x80, s28;
	s26 =	sadd.s32 $0x800, s26;
	[sflag:s21] =	ssyncset.done $0x0  }
.Ltmp15:
0x444: {  	_ = 	snop;
	(pc) =	sbr.rel .LBB2_18-.Ltmp15, $1  }
0x445: {  	_ =	sdelay $0x3  }
.LBB2_16:
.Ltmp16:
0x446: {  	(pc) =	sbr.rel .LBB2_18-.Ltmp16, $2  }
0x447: {  	_ =	sdelay $0x2  }
0x448: {  	s29 =	smov.u32 s25  }
.LBB2_21:
0x449: {  	_ =	sfence.sel $0x180000  }
0x44a: {  	[bflag:$0x0] =	sbarrier.arrive $0xFFFF  }
0x44b: {  	_ =	strace $0x90000047  }
0x44c: {  	s0 =	stileid.u32;
	[bflag:$0x2] =	sbarrier.arrive $0xFFFF  }
0x44d: {  	p0 =	sne.s32 s0, $0x0;
	s0 =	rddreg [dreg:$0x4]  }
0x44e: {  	s0 =	sadd.s32 @!p0 $0x100000, s0  }
0x44f: {  	[sflag:s0] =	ssyncadd.tile.s32 @!p0 $0x1;
	_ =	shalt  }
.Lfunc_end2:
_tile_overlayer_lowered:
.L_overlay_start_2:
0x450: {  	(tag) =	ssettag $0x2  }
0x451: {  	s0 =	rddreg [dreg:$0x0];
	s2 =	stileid.u32  }
0x452: {  	s1 =	rddreg [dreg:$0x1];
	p0 =	sne.s32 s2, $0x0  }
0x453: {  	s3 =	rddreg [dreg:$0x2];
	[bflag:$0x3] =	sbarrier.arrive $0xFFFF;
	s2 =	simm.s32 @!p0 $0x1C04  }
0x454: {  	[timem:s3], [sflag:s2] =	dma.local @!p0 [hbm:s0], s1  }
0x455: {  	s0 =	simm.s32 @!p0 $0x4  }
0x456: {  	_ =	swait.ge @!p0 [sflag:s0], s1  }
0x457: {  	s1 =	ssub.s32 @!p0 $0x0, s1;
	[sflag:s0] =	ssyncset.done @!p0 $0x0  }
0x458: {  	[sflag:s0] =	ssyncadd.s32 @!p0 s1  }
0x459: {  	[bflag:$0x3] =	sbarrier.arrive $0xFFFF  }
0x45a: {  	_ =	shalt  }

// kernel: _embed.7.cloned.1.call-start
scs
__scs_entry_jumppad:
0x0: {  	(pc) =	sbr.rel $0x88, $3  }
0x1: {  	(tag) =	ssettag $0x0;
	lr =	simm.s32 $0x1  }
0x2: {  	[smem:$0x3F9F] =	sst lr;
	_ =	strace $0xD0000000  }
0x3: {  	_ = 	snop  }
0x4: {  	_ = 	snop  }
0x5: {  	_ = 	snop  }
0x6: {  	_ = 	snop  }
0x7: {  	_ = 	snop  }
__scs_overlays_trampoline_lowered:
0x8: {  	[smem:$0x3FAE] =	sst s0  }
0x9: {  	[smem:$0x3FAF] =	sst s1  }
0xa: {  	[smem:$0x3FB0] =	sst s2  }
0xb: {  	[smem:$0x3FB1] =	sst s3  }
0xc: {  	[smem:$0x3FB2] =	sst s4  }
0xd: {  	[smem:$0x3FB3] =	sst s5  }
0xe: {  	[smem:$0x3FB4] =	sst s6  }
0xf: {  	[smem:$0x3FB5] =	sst s7  }
0x10: {  	[smem:$0x3FB6] =	sst s8  }
0x11: {  	[smem:$0x3FB7] =	sst s9;
	s0 =	simm.s32 @!p0 $0x0  }
0x12: {  	s1 =	sld [smem:$0x3F9D];
	s0 =	simm.s32 @p0 $0x1  }
0x13: {  	[smem:$0x3FB8] =	sst s0;
	s0 =	simm.s32 @!p1 $0x0  }
0x14: {  	s2 =	sld [smem:$0x3F9C];
	s0 =	simm.s32 @p1 $0x1  }
0x15: {  	[smem:$0x3FB9] =	sst s0;
	s0 =	simm.s32 @!p2 $0x0  }
0x16: {  	s3 =	sld [smem:$0x3FDB];
	s0 =	simm.s32 @p2 $0x1  }
0x17: {  	s4 =	simm.s32 $0x1BF5;
	[smem:$0x3FBB] =	sst s0  }
0x18: {  	s0 =	sld [smem:$0x3F9E];
	_ =	swait.ge [sflag:s4], $0x0  }
0x19: {  	s7 =	sld [smem:$0x3F9F]  }
0x1a: {  	s8 =	sadd.s32 $0xFFFFE003, lr  }
0x1b: {  	s9 =	sadd.s32 $0xFFFFFEF7, lr;
	s5 =	simm.s32 $0xFFFFFFFF;
	p2 =	slt.u32 s8, $0xFFFFF086  }
0x1c: {  	p1 =	slt.u32 s9, $0xF7A;
	s5 =	simm.s32 @!p2 $0x0  }
0x1d: {  	s5 =	simm.s32 @p1 $0x1;
	p0 =	seq.s32 s7, s2  }
0x1e: {  	s7 =	smul.u32 @!p0 $0xF7A, s2;
	p2 =	seq.s32 @!p0 s5, $0x0  }
0x1f: {  	s9 =	smul.u32 $0xF7A, s1;
	s8 =	simm.s32 @!p0 $0x1BF5;
	p2 =	por !p2, p0  }
0x20: {  	[sflag:s8] =	ssyncset.s32 @!p0 $0xFFFFF086;
	s6 =	sadd.s32 @!p0 s3, s7;
	s7 =	simm.s32 @!p0 $0x108  }
0x21: {  	s3 =	sadd.s32 s3, s9;
	s6 =	sadd.s32 @!p0 $0x88, s6;
	s7 =	simm.s32 @p2 $0x1082  }
0x22: {  	[simem:s7], [sflag:s8] =	dma.local @!p0 [hbm:s6], $0xF7A  }
0x23: {  	s9 =	sor.u32 $0xD0000000, s2;
	s6 =	simm.s32 $0x108;
	_ =	swait.ge @!p0 [sflag:s8], $0x0  }
0x24: {  	s3 =	sadd.s32 $0x88, s3;
	s6 =	simm.s32 @!p1 $0x1082;
	[sflag:s4] =	ssyncset.s32 $0xFFFFF086  }
0x25: {  	[simem:s6], [sflag:s4] =	dma.local [hbm:s3], $0xF7A  }
0x26: {  	[smem:$0x3F9F] =	sst s1;
	(tag) =	ssettag s2;
	_ =	strace s9  }
0x27: {  	s1 =	sld [smem:$0x3FAF]  }
0x28: {  	s2 =	sld [smem:$0x3FB0]  }
0x29: {  	s4 =	sld [smem:$0x3FB2]  }
0x2a: {  	p0 =	seq.s32 s5, $0x0;
	s5 =	sld [smem:$0x3FB3]  }
0x2b: {  	s6 =	sld [smem:$0x3FB4]  }
0x2c: {  	s7 =	sld [smem:$0x3FB5]  }
0x2d: {  	s3 =	simm.s32 $0x108;
	s8 =	sld [smem:$0x3FB6]  }
0x2e: {  	s3 =	simm.s32 @!p0 $0x1082;
	s9 =	sld [smem:$0x3FB7]  }
0x2f: {  	lr =	sadd.s32 s0, s3;
	s0 =	sld [smem:$0x3FAE]  }
0x30: {  	s3 =	sld [smem:$0x3FB1]  }
0x31: {  	[smem:$0x3FBA] =	sst s10  }
0x32: {  	s10 =	sld [smem:$0x3FB8];
	_ =	sdelay $0x3  }
0x33: {  	p0 =	seq.s32 s10, $0x1;
	s10 =	sld [smem:$0x3FBA];
	_ =	sdelay $0x3  }
0x34: {  	[smem:$0x3FBA] =	sst s10  }
0x35: {  	s10 =	sld [smem:$0x3FB9];
	_ =	sdelay $0x3  }
0x36: {  	p1 =	seq.s32 s10, $0x1;
	s10 =	sld [smem:$0x3FBA];
	_ =	sdelay $0x3  }
0x37: {  	[smem:$0x3FBA] =	sst s10  }
0x38: {  	s10 =	sld [smem:$0x3FBB]  }
0x39: {  	_ = 	snop;
	(pc) =	sbr.ind lr, $3  }
0x3a: {  	_ = 	snop  }
0x3b: {  	_ = 	snop  }
0x3c: {  	p2 =	seq.s32 s10, $0x1;
	s10 =	sld [smem:$0x3FBA]  }
0x3d: {  	_ =	shalt  }
0x3e: {  	_ =	shalt  }
0x3f: {  	_ =	shalt  }
0x40: {  	_ =	shalt  }
0x41: {  	_ =	shalt  }
0x42: {  	_ =	shalt  }
0x43: {  	_ =	shalt  }
0x44: {  	_ =	shalt  }
0x45: {  	_ =	shalt  }
0x46: {  	_ =	shalt  }
0x47: {  	_ =	shalt  }
0x48: {  	_ =	shalt  }
0x49: {  	_ =	shalt  }
0x4a: {  	_ =	shalt  }
0x4b: {  	_ =	shalt  }
0x4c: {  	_ =	shalt  }
0x4d: {  	_ =	shalt  }
0x4e: {  	_ =	shalt  }
0x4f: {  	_ =	shalt  }
0x50: {  	_ =	shalt  }
0x51: {  	_ =	shalt  }
0x52: {  	_ =	shalt  }
0x53: {  	_ =	shalt  }
0x54: {  	_ =	shalt  }
0x55: {  	_ =	shalt  }
0x56: {  	_ =	shalt  }
0x57: {  	_ =	shalt  }
0x58: {  	_ =	shalt  }
0x59: {  	_ =	shalt  }
0x5a: {  	_ =	shalt  }
0x5b: {  	_ =	shalt  }
0x5c: {  	_ =	shalt  }
0x5d: {  	_ =	shalt  }
0x5e: {  	_ =	shalt  }
0x5f: {  	_ =	shalt  }
0x60: {  	_ =	shalt  }
0x61: {  	_ =	shalt  }
0x62: {  	_ =	shalt  }
0x63: {  	_ =	shalt  }
0x64: {  	_ =	shalt  }
0x65: {  	_ =	shalt  }
0x66: {  	_ =	shalt  }
0x67: {  	_ =	shalt  }
0x68: {  	_ =	shalt  }
0x69: {  	_ =	shalt  }
0x6a: {  	_ =	shalt  }
0x6b: {  	_ =	shalt  }
0x6c: {  	_ =	shalt  }
0x6d: {  	_ =	shalt  }
0x6e: {  	_ =	shalt  }
0x6f: {  	_ =	shalt  }
0x70: {  	_ =	shalt  }
0x71: {  	_ =	shalt  }
0x72: {  	_ =	shalt  }
0x73: {  	_ =	shalt  }
0x74: {  	_ =	shalt  }
0x75: {  	_ =	shalt  }
0x76: {  	_ =	shalt  }
0x77: {  	_ =	shalt  }
0x78: {  	_ =	shalt  }
0x79: {  	_ =	shalt  }
0x7a: {  	_ =	shalt  }
0x7b: {  	_ =	shalt  }
0x7c: {  	_ =	shalt  }
0x7d: {  	_ =	shalt  }
0x7e: {  	_ =	shalt  }
0x7f: {  	_ =	shalt  }
0x80: {  	_ =	shalt  }
0x81: {  	_ =	shalt  }
0x82: {  	_ =	shalt  }
0x83: {  	_ =	shalt  }
0x84: {  	_ =	shalt  }
0x85: {  	_ =	shalt  }
0x86: {  	_ =	shalt  }
0x87: {  	_ =	shalt  }
.Lfunc_end0:
.L_simem_size_0:
called_computation.2_lowered:
.L_overlay_start_0:
0x88: {  	s2 =	sld [smem:$0x3FD9]  }
0x89: {  	s3 =	sld [smem:$0x3FFE];
	_ =	sdelay $0x1  }
0x8a: {  	s1 =	srdreg.scid  }
0x8b: {  	s0 =	sand.u32 $0x1, s1  }
0x8c: {  	s17 =	sshll.u32 s0, $0xA;
	s2 =	sadd.s32 s3, s2  }
0x8d: {  	s2 =	sadd.s32 s2, s17  }
0x8e: {  	[smem:$0x3FC6] =	sst s2  }
0x8f: {  	_ = 	snop  }
0x90: {  	s2 =	sld [smem:$0x3FD0];
	(tm) =	ssettm $0x1  }
0x91: {  	s18 =	sld [smem:$0x3FFB];
	_ =	sdelay $0x3  }
0x92: {  	_ =	strace s18  }
0x93: {  	s3 =	sld [smem:$0x3FFC];
	_ =	sdelay $0x3  }
0x94: {  	_ =	strace s3  }
0x95: {  	s3 =	sld [smem:$0x3FFD];
	_ =	sdelay $0x3  }
0x96: {  	_ =	strace s3  }
0x97: {  	_ =	strace $0x8FFFFFFF  }
0x98: {  	s19 =	sld [smem:$0x3FDB];
	_ =	sdelay $0x1  }
0x99: {  	s4 =	simm.s32 $_scs_section_size  }
0x9a: {  	s5 =	simm.s32 $_size__tile_overlayer_lowered;
	s6 =	simm.s32 $_tile_overlayer_lowered  }
0x9b: {  	s22 =	simm.s32 $0x1BFF;
	s21 =	sshll.u32 s6, $0x1;
	s3 =	sadd.s32 s4, s19  }
0x9c: {  	s7 =	simm.s32 $0x0;
	s20 =	sshll.u32 s5, $0x1;
	s5 =	sadd.s32 s21, s3  }
0x9d: {  	[timem:s7], [sflag:s22] =	dma.local [hbm:s5], s20  }
0x9e: {  	_ =	swait.ge [sflag:s22], s20  }
0x9f: {  	s4 =	ssub.s32 $0x0, s20;
	[sflag:s22] =	ssyncset.done $0x0  }
0xa0: {  	[sflag:s22] =	ssyncadd.s32 s4;
	_ =	sdelay $0x1  }
0xa1: {  	s23 =	simm.s32 $0x1B8B  }
0xa2: {  	_ =	swait.ge [sflag:s23], $0x1  }
0xa3: {  	[sflag:s23] =	ssyncset.done $0x0  }
0xa4: {  	s25 =	simm.s32 $0x1B8E;
	s24 =	sld [smem:$0x3FFE];
	[sflag:s23] =	ssyncadd.s32 $0xFFFFFFFF  }
0xa5: {  	s26 =	simm.s32 $execute0_lowered;
	[smem:$0x3FD2] =	sst s25  }
0xa6: {  	s5 =	sshll.u32 s26, $0x1;
	_ =	strace $0x80000049;
	[dreg:$0x1] =	wrdreg $0xFFFFFFFF  }
0xa7: {  	s28 =	simm.s32 $_size_execute0_lowered;
	s3 =	sadd.s32 s3, s5;
	[dreg:$0x0] =	wrdreg $0x0  }
0xa8: {  	s5 =	sshll.u32 s28, $0x1;
	[dreg:$0x2] =	wrdreg s3  }
0xa9: {  	[dreg:$0x3] =	wrdreg s5  }
0xaa: {  	[dreg:$0x4] =	wrdreg $0xC0  }
0xab: {  	_ =	task [dreg:s7], $0x5FFFF  }
0xac: {  	[dreg:$0x1] =	wrdreg $0xFFFFFFFF  }
0xad: {  	[dreg:$0x0] =	wrdreg $0x60  }
0xae: {  	[dreg:$0x2] =	wrdreg s24  }
0xaf: {  	[dreg:$0x3] =	wrdreg s2  }
0xb0: {  	[dreg:$0x4] =	wrdreg $0x9  }
0xb1: {  	_ =	task.clear_ibuf [dreg:s7], $0x5FFFF;
	_ =	strace $0x90000049  }
0xb2: {  	s29 =	simm.s32 $0x9;
	_ =	strace $0x8000004B  }
0xb3: {  	_ =	swait.ge [sflag:s29], $0x1  }
0xb4: {  	[sflag:s29] =	ssyncadd.s32 $0xFFFFFFFF  }
0xb5: {  	_ =	strace $0x9000004B  }
0xb6: {  	_ =	sfence  }
0xb7: {  	s30 =	sld [smem:$0x0];
	_ =	sdelay $0x2  }
0xb8: {  	s31 =	sshll.u32 s1, $0xD;
	s1 =	sshrl.u32 s1, $0x2  }
0xb9: {  	s3 =	sand.u32 $0x4000, s31;
	s1 =	sadd.s32 s1, s30  }
0xba: {  	s0 =	sor.u32 s3, s0;
	s1 =	sshll.u32 s1, $0x11  }
0xbb: {  	s0 =	sor.u32 s1, s0  }
0xbc: {  	s0 =	sadd.s32 $0x8F2B, s0  }
0xbd: {  	[sflag:s0] =	ssyncadd.remote.s32 $0x1  }
0xbe: {  	_ =	sfence.sel $0xFFFF  }
0xbf: {  	[dreg:$0x0] =	wrdreg $0xFFFFFFFF;
	(pc) =	sbr.abs _section_cstart, $3  }
0xc0: {  	[dreg:$0x1] =	wrdreg $0xFFFFFFFF  }
0xc1: {  	_ =	task.clear_ibuf [dreg:s7], $0x2FFFF;
	_ =	strace $0x9FFFFFFF  }
0xc2: {  	(tm) =	ssettm $0x7FFFFFFF  }
0xc3: {  	_ =	shalt  }
tec
execute0_lowered:
.L_overlay_start_1:
0x0: {  	(tag) =	ssettag $0x1  }
0x1: {  	s1 =	srdreg.scid;
	s3 =	rddreg [dreg:$0x0]  }
0x2: {  	s0 =	stileid.u32;
	s9 =	rddreg [dreg:$0x1];
	s2 =	simm.s32 $0x0  }
0x3: {  	s12 =	simm.s32 $0x6400;
	s13 =	simm.s32 $0xB400;
	s14 =	simm.s32 $0x500  }
0x4: {  	s15 =	simm.s32 $0x10400;
	s16 =	simm.s32 $0x780;
	s17 =	simm.s32 $0x15400  }
0x5: {  	s18 =	simm.s32 $0x1;
	s19 =	simm.s32 $0x2;
	s5 =	smul.u32 $0xC800, s0  }
0x6: {  	s20 =	simm.s32 $0x0;
	s7 =	sand.u32 $0x1, s1;
	s31 =	smul.u32 $0x32000, s0  }
0x7: {  	s28 =	sshll.u32 s0, $0x1;
	[smem:$0x7FF] =	sst s2;
	s6 =	smul.u32 $0x6400, s7  }
0x8: {  	s1 =	sor.u32 s7, s28;
	s8 =	ssub.s32 $0x2, s7;
	s11 =	smul.u32 $0x19000, s7  }
0x9: {  	s4 =	smul.u32 $0x6400, s1;
	s1 =	rddreg [dreg:$0x2];
	s10 =	sshrl.u32 s8, $0x1  }
0xa: {  	_ =	strace $0x8000004A;
	s5 =	sadd.s32 s6, s5;
	s29 =	ssub.s32 s8, s10  }
.Ltmp0:
0xb: {  	s10 =	simm.s32 $0x3;
	s4 =	sshrl.u32 s4, $0x3;
	(pc) =	sbr.rel .LBB2_1-.Ltmp0, $4  }
0xc: {  	s5 =	sshll.u32 s5, $0x2;
	s4 =	sadd.s32 s4, s3;
	s3 =	sadd.s32 $0x1000, s3  }
0xd: {  	s30 =	sadd.s32 s5, s9;
	s5 =	smax.u32 s29, $0x1;
	s9 =	sadd.s32 s31, s9  }
0xe: {  	s4 =	sadd.s32 $0x3D1A00, s4;
	s6 =	sadd.s32 $0x1E00, s30;
	s7 =	sadd.s32 $0x1400, s30  }
0xf: {  	s8 =	sadd.s32 $0xA00, s30;
	s9 =	sadd.s32 s11, s9;
	s11 =	simm.s32 $0x280  }
.LBB2_4:
0x10: {  	_ =	swait.ge [sflag:s19], $0x5000  }
0x11: {  	[sflag:s19] =	ssyncset.done $0x0  }
0x12: {  	s20 =	sadd.s32 $0x1, s20;
	[sflag:s19] =	ssyncadd.s32 $0xFFFFB000  }
0x13: {  	p0 =	sne.s32 s20, s5;
	_ =	swait.ge [sflag:s19], $0x5000  }
.Ltmp1:
0x14: {  	[sflag:s19] =	ssyncset.done $0x0;
	(pc) =	sbr.rel @!p0 .LBB2_5-.Ltmp1, $4  }
0x15: {  	[sflag:s19] =	ssyncadd.s32 $0xFFFFB000  }
0x16: {  	_ =	swait.ge [sflag:s19], $0x5000  }
0x17: {  	[sflag:s19] =	ssyncset.done $0x0  }
0x18: {  	[sflag:s19] =	ssyncadd.s32 $0xFFFFB000  }
.LBB2_1:
0x19: {  	[tilespmem:s2], [sflag:$0x3] =	stream.linear.gather [hbm4b:s4+s2], $0x6400, $0x38;
	[tilespmem:$0x1A400] =	vst v63  }
0x1a: {  	_ =	swait.ge [sflag:s10], $0x6400  }
0x1b: {  	[sflag:s10] =	ssyncset.done $0x0  }
0x1c: {  	[sflag:s10] =	ssyncadd.s32 $0xFFFF9C00  }
0x1d: {  	[tilespmem:s12], [sflag:$0x1] =	stream.indirect.gather [hbm4b:s3+s11], $0x20, s2, s11, $0xb8;
	[tilespmem:$0x1A400] =	vst v63  }
0x1e: {  	_ = 	snop  }
0x1f: {  	[tilespmem:s13], [sflag:$0x1] =	stream.indirect.gather [hbm4b:s3+s11], $0x20, s11, s11, $0xb8;
	[tilespmem:$0x1A400] =	vst v63  }
0x20: {  	_ = 	snop  }
0x21: {  	[tilespmem:s15], [sflag:$0x1] =	stream.indirect.gather [hbm4b:s3+s11], $0x20, s14, s11, $0xb8;
	[tilespmem:$0x1A400] =	vst v63  }
0x22: {  	s21 =	simm.s32 $0x0  }
0x23: {  	[tilespmem:s17], [sflag:$0x1] =	stream.indirect.gather [hbm4b:s3+s11], $0x20, s16, s11, $0xb8;
	[tilespmem:$0x1A400] =	vst v63  }
.LBB2_2:
0x24: {  	_ =	swait.ge [sflag:s18], $0x5000  }
0x25: {  	[sflag:s18] =	ssyncset.done $0x0  }
0x26: {  	s22 =	sadd.s32 s21, s9;
	p0 =	seq.s32 s21, $0x16800;
	[sflag:s18] =	ssyncadd.s32 $0xFFFFB000  }
0x27: {  	[hbm4b:s22+s2] =	stream.linear.scatter [tilespmem:s12], [sflag:$0x2], $0x5000, $0x38;
	[tilespmem:$0x1A400] =	vst v63  }
0x28: {  	s22 =	simm.s32 @!p0 $0x2  }
0x29: {  	_ =	swait.ge @!p0 [sflag:s22], $0x5000  }
0x2a: {  	s23 =	sshra.s32 @!p0 s21, $0x2;
	s25 =	simm.s32 @!p0 $0x280;
	[sflag:s22] =	ssyncset.done @!p0 $0x0  }
0x2b: {  	s26 =	simm.s32 @!p0 $0x6400;
	s24 =	sadd.s32 @!p0 $0xA00, s23;
	[sflag:s22] =	ssyncadd.s32 @!p0 $0xFFFFB000  }
0x2c: {  	[tilespmem:s26], [sflag:$0x1] =	stream.indirect.gather @!p0 [hbm4b:s3+s25], $0x20, s24, s25, $0xb8;
	[tilespmem:$0x1A400] =	vst v63  }
0x2d: {  	_ =	swait.ge [sflag:s18], $0x5000  }
0x2e: {  	[sflag:s18] =	ssyncset.done $0x0  }
0x2f: {  	s29 =	sadd.s32 s21, s8;
	[sflag:s18] =	ssyncadd.s32 $0xFFFFB000  }
0x30: {  	[hbm4b:s29+s2] =	stream.linear.scatter [tilespmem:s13], [sflag:$0x2], $0x5000, $0x38;
	[tilespmem:$0x1A400] =	vst v63  }
0x31: {  	_ =	swait.ge @!p0 [sflag:s22], $0x5000  }
0x32: {  	[sflag:s22] =	ssyncset.done @!p0 $0x0  }
0x33: {  	s24 =	sadd.s32 @!p0 $0xC80, s23;
	s26 =	simm.s32 @!p0 $0xB400;
	[sflag:s22] =	ssyncadd.s32 @!p0 $0xFFFFB000  }
0x34: {  	[tilespmem:s26], [sflag:$0x1] =	stream.indirect.gather @!p0 [hbm4b:s3+s25], $0x20, s24, s25, $0xb8;
	[tilespmem:$0x1A400] =	vst v63  }
0x35: {  	_ =	swait.ge [sflag:s18], $0x5000  }
0x36: {  	[sflag:s18] =	ssyncset.done $0x0  }
0x37: {  	s30 =	sadd.s32 s21, s7;
	[sflag:s18] =	ssyncadd.s32 $0xFFFFB000  }
0x38: {  	[hbm4b:s30+s2] =	stream.linear.scatter [tilespmem:s15], [sflag:$0x2], $0x5000, $0x38;
	[tilespmem:$0x1A400] =	vst v63  }
0x39: {  	_ =	swait.ge @!p0 [sflag:s22], $0x5000  }
0x3a: {  	[sflag:s22] =	ssyncset.done @!p0 $0x0  }
0x3b: {  	[sflag:s22] =	ssyncadd.s32 @!p0 $0xFFFFB000;
	s22 =	sadd.s32 @!p0 $0xF00, s23;
	s23 =	simm.s32 @!p0 $0x10400  }
0x3c: {  	[tilespmem:s23], [sflag:$0x1] =	stream.indirect.gather @!p0 [hbm4b:s3+s25], $0x20, s22, s25, $0xb8;
	[tilespmem:$0x1A400] =	vst v63  }
0x3d: {  	_ =	swait.ge [sflag:s18], $0x5000  }
0x3e: {  	[sflag:s18] =	ssyncset.done $0x0  }
.Ltmp2:
0x3f: {  	s31 =	sadd.s32 s21, s6;
	[sflag:s18] =	ssyncadd.s32 $0xFFFFB000;
	(pc) =	sbr.rel @p0 .LBB2_4-.Ltmp2, $4  }
0x40: {  	[hbm4b:s31+s2] =	stream.linear.scatter [tilespmem:s17], [sflag:$0x2], $0x5000, $0x38;
	[tilespmem:$0x1A400] =	vst v63  }
0x41: {  	_ =	swait.ge [sflag:s19], $0x5000  }
0x42: {  	[sflag:s19] =	ssyncset.done $0x0  }
0x43: {  	[sflag:s19] =	ssyncadd.s32 $0xFFFFB000  }
.Ltmp3:
0x44: {  	(pc) =	sbr.rel .LBB2_2-.Ltmp3, $4  }
0x45: {  	_ = 	snop  }
0x46: {  	s22 =	sshra.s32 s21, $0x2  }
0x47: {  	s21 =	sadd.s32 $0x2800, s21;
	s22 =	sadd.s32 $0x1180, s22  }
0x48: {  	[tilespmem:s17], [sflag:$0x1] =	stream.indirect.gather [hbm4b:s3+s11], $0x20, s22, s11, $0xb8;
	[tilespmem:$0x1A400] =	vst v63  }
.LBB2_5:
0x49: {  	_ =	sfence.sel $0x180000  }
0x4a: {  	[bflag:$0x0] =	sbarrier.arrive $0xFFFF  }
0x4b: {  	p0 =	sne.s32 s0, $0x0;
	_ =	strace $0x9000004A  }
0x4c: {  	s0 =	sadd.s32 @!p0 $0x100000, s1;
	[bflag:$0x2] =	sbarrier.arrive $0xFFFF  }
0x4d: {  	[sflag:s0] =	ssyncadd.tile.s32 @!p0 $0x1;
	_ =	shalt  }
.Lfunc_end2:
_tile_overlayer_lowered:
.L_overlay_start_2:
0x4e: {  	(tag) =	ssettag $0x2  }
0x4f: {  	s0 =	rddreg [dreg:$0x0];
	s2 =	stileid.u32  }
0x50: {  	s1 =	rddreg [dreg:$0x1];
	p0 =	sne.s32 s2, $0x0  }
0x51: {  	s3 =	rddreg [dreg:$0x2];
	[bflag:$0x3] =	sbarrier.arrive $0xFFFF;
	s2 =	simm.s32 @!p0 $0x1C03  }
0x52: {  	[timem:s3], [sflag:s2] =	dma.local @!p0 [hbm:s0], s1  }
0x53: {  	s0 =	simm.s32 @!p0 $0x3  }
0x54: {  	_ =	swait.ge @!p0 [sflag:s0], s1  }
0x55: {  	s1 =	ssub.s32 @!p0 $0x0, s1;
	[sflag:s0] =	ssyncset.done @!p0 $0x0  }
0x56: {  	[sflag:s0] =	ssyncadd.s32 @!p0 s1  }
0x57: {  	[bflag:$0x3] =	sbarrier.arrive $0xFFFF  }
0x58: {  	_ =	shalt  }

// kernel: sparse-core-data-format-call.cloned.1.call-start
scs
called_computation_lowered:
.L_overlay_start_0:
0x0: {  	s2 =	sld [smem:$0x3FD9]  }
0x1: {  	s3 =	sld [smem:$0x3FFE];
	_ =	sdelay $0x1  }
0x2: {  	s1 =	srdreg.scid  }
0x3: {  	s0 =	sand.u32 $0x1, s1  }
0x4: {  	s18 =	sshll.u32 s0, $0xA;
	s2 =	sadd.s32 s3, s2  }
0x5: {  	s2 =	sadd.s32 s2, s18  }
0x6: {  	[smem:$0x3FC6] =	sst s2  }
0x7: {  	_ = 	snop  }
0x8: {  	s2 =	sld [smem:$0x3FD0];
	(tm) =	ssettm $0x1  }
0x9: {  	s19 =	sld [smem:$0x3FFB];
	_ =	sdelay $0x3  }
0xa: {  	_ =	strace s19  }
0xb: {  	s3 =	sld [smem:$0x3FFC];
	_ =	sdelay $0x3  }
0xc: {  	_ =	strace s3  }
0xd: {  	s3 =	sld [smem:$0x3FFD];
	_ =	sdelay $0x3  }
0xe: {  	_ =	strace s3  }
0xf: {  	_ =	strace $0x8FFFFFFF  }
0x10: {  	s20 =	sld [smem:$0x3FDB];
	_ =	sdelay $0x1  }
0x11: {  	s4 =	simm.s32 $_scs_section_size  }
0x12: {  	s5 =	simm.s32 $_size__tile_overlayer_lowered;
	s6 =	simm.s32 $_tile_overlayer_lowered  }
0x13: {  	s23 =	simm.s32 $0x1BFF;
	s22 =	sshll.u32 s6, $0x1;
	s3 =	sadd.s32 s4, s20  }
0x14: {  	s7 =	simm.s32 $0x0;
	s21 =	sshll.u32 s5, $0x1;
	s5 =	sadd.s32 s22, s3  }
0x15: {  	[timem:s7], [sflag:s23] =	dma.local [hbm:s5], s21  }
0x16: {  	_ =	swait.ge [sflag:s23], s21  }
0x17: {  	s4 =	ssub.s32 $0x0, s21;
	[sflag:s23] =	ssyncset.done $0x0  }
0x18: {  	[sflag:s23] =	ssyncadd.s32 s4;
	_ =	sdelay $0x1  }
0x19: {  	s24 =	simm.s32 $0x1B8B  }
0x1a: {  	_ =	swait.ge [sflag:s24], $0x1  }
0x1b: {  	[sflag:s24] =	ssyncset.done $0x0  }
0x1c: {  	s26 =	simm.s32 $0x1B8E;
	s25 =	sld [smem:$0x3FFE];
	[sflag:s24] =	ssyncadd.s32 $0xFFFFFFFF  }
0x1d: {  	s27 =	simm.s32 $execute0_lowered;
	[smem:$0x3FD2] =	sst s26  }
0x1e: {  	s5 =	sshll.u32 s27, $0x1;
	_ =	strace $0x8000004C;
	[dreg:$0x1] =	wrdreg $0xFFFFFFFF  }
0x1f: {  	s28 =	simm.s32 $_size_execute0_lowered;
	s3 =	sadd.s32 s3, s5;
	[dreg:$0x0] =	wrdreg $0x0  }
0x20: {  	s5 =	sshll.u32 s28, $0x1;
	[dreg:$0x2] =	wrdreg s3  }
0x21: {  	[dreg:$0x3] =	wrdreg s5  }
0x22: {  	[dreg:$0x4] =	wrdreg $0xC0  }
0x23: {  	_ =	task [dreg:s7], $0x5FFFF  }
0x24: {  	[dreg:$0x1] =	wrdreg $0xFFFFFFFF  }
0x25: {  	[dreg:$0x0] =	wrdreg $0x60  }
0x26: {  	[dreg:$0x2] =	wrdreg s25  }
0x27: {  	[dreg:$0x3] =	wrdreg s2  }
0x28: {  	[dreg:$0x4] =	wrdreg $0x9  }
0x29: {  	_ =	task.clear_ibuf [dreg:s7], $0x5FFFF;
	_ =	strace $0x9000004C  }
0x2a: {  	s29 =	simm.s32 $0x9;
	_ =	strace $0x8000004E  }
0x2b: {  	_ =	swait.ge [sflag:s29], $0x1  }
0x2c: {  	[sflag:s29] =	ssyncadd.s32 $0xFFFFFFFF  }
0x2d: {  	_ =	strace $0x9000004E  }
0x2e: {  	_ =	sfence  }
0x2f: {  	s30 =	sld [smem:$0x0];
	_ =	sdelay $0x2  }
0x30: {  	s31 =	sshll.u32 s1, $0xD;
	s1 =	sshrl.u32 s1, $0x2  }
0x31: {  	s3 =	sand.u32 $0x4000, s31;
	s1 =	sadd.s32 s1, s30  }
0x32: {  	s0 =	sor.u32 s3, s0;
	s1 =	sshll.u32 s1, $0x11  }
0x33: {  	s0 =	sor.u32 s1, s0  }
0x34: {  	s0 =	sadd.s32 $0x8F2B, s0  }
0x35: {  	[sflag:s0] =	ssyncadd.remote.s32 $0x1  }
0x36: {  	_ =	sfence.sel $0xFFFF  }
0x37: {  	[dreg:$0x0] =	wrdreg $0xFFFFFFFF;
	(pc) =	sbr.abs _section_cstart, $3  }
0x38: {  	[dreg:$0x1] =	wrdreg $0xFFFFFFFF  }
0x39: {  	_ =	task.clear_ibuf [dreg:s7], $0x2FFFF;
	_ =	strace $0x9FFFFFFF  }
0x3a: {  	(tm) =	ssettm $0x7FFFFFFF  }
0x3b: {  	_ =	shalt  }
tec
execute0_lowered:
.L_overlay_start_1:
0x0: {  	(tag) =	ssettag $0x1  }
0x1: {  	s0 =	srdreg.scid  }
0x2: {  	s1 =	sshll.u32 s0, $0x4  }
0x3: {  	s0 =	stileid.u32;
	s1 =	sand.u32 $0x10, s1  }
0x4: {  	s7 =	rddreg [dreg:$0x0];
	s1 =	sor.u32 s0, s1  }
0x5: {  	s4 =	simm.s32 $0x1;
	s8 =	simm.s32 $0x2;
	s2 =	sshll.u32 s1, $0x7  }
0x6: {  	s13 =	simm.s32 $0x0;
	s9 =	simm.s32 $0x20000;
	s1 =	ssub.s32 $0x4000, s2  }
0x7: {  	s14 =	simm.s32 $0x0;
	s11 =	simm.s32 $0x0;
	s3 =	sand.u32 $0xF80, s1  }
0x8: {  	s12 =	simm.s32 $0x0;
	s5 =	sshrl.u32 s1, $0xC;
	p0 =	sne.s32 s3, $0x0  }
.Ltmp0:
0x9: {  	s1 =	rddreg [dreg:$0x2];
	s4 =	simm.s32 @!p0 $0x0;
	(pc) =	sbr.rel .LBB1_1-.Ltmp0, $4  }
0xa: {  	s6 =	sadd.s32 $0x1000, s7;
	s3 =	rddreg [dreg:$0x1];
	s5 =	sadd.s32 s4, s5  }
0xb: {  	_ =	strace $0x8000004D;
	s4 =	simm.s32 $0x1;
	s5 =	smul.u32 $0x19, s5  }
0xc: {  	s7 =	sadd.s32 $0x41000, s7;
	s10 =	smov.u32 s2;
	[sflag:s4] =	ssyncpa.u1 $0x0  }
0xd: {  	p0 =	por $0x0, $0x0;
	[sflag:s8] =	ssyncpa.u1 $0x0;
	s8 =	sadd.s32 $0x1, s5  }
.LBB1_7:
0xe: {  	s15 =	sadd.s32 $0x1000, s10  }
0xf: {  	s13 =	sadd.s32 $0x2, s11;
	s17 =	smov.u32 s11;
	p2 =	sgt.s32 s15, $0x3FFF  }
0x10: {  	s17 =	smov.u32 @p2 s13  }
0x11: {  	s15 =	smov.u32 @p2 s2;
	p2 =	sgt.s32 s17, $0x31  }
0x12: {  	s17 =	simm.s32 @p2 $0x0;
	p2 =	sne.s32 s12, s8  }
.Ltmp1:
0x13: {  	p1 =	slt.u32 s12, $0x2;
	(pc) =	sbr.rel @!p2 .LBB1_8-.Ltmp1, $4  }
0x14: {  	s16 =	simm.s32 @!p1 $0x2  }
0x15: {  	s14 =	smov.u32 s11;
	p0 =	por !p0, !p0;
	_ =	swait.ge @!p1 [sflag:s16], $0x2000  }
0x16: {  	s13 =	smov.u32 s10;
	[sflag:s16] =	ssyncset.done @!p1 $0x0;
	s10 =	smov.u32 s15  }
0x17: {  	s12 =	sadd.s32 $0x1, s12;
	[sflag:s16] =	ssyncadd.s32 @!p1 $0xFFFFE000;
	s11 =	smov.u32 s17  }
.LBB1_1:
0x18: {  	p1 =	sge.u32 s12, s5  }
0x19: {  	s15 =	sxor.u32 @!p1 $0xFFFFFFFF, s12;
	s16 =	sshll.u32 @!p1 s11, $0x12  }
0x1a: {  	s17 =	sshll.u32 @!p1 s10, $0x4;
	s19 =	simm.s32 @!p1 $0x20;
	s20 =	simm.s32 @!p1 $0x80  }
0x1b: {  	s15 =	sshll.u32 @!p1 s15, $0xD;
	s17 =	sand.u32 @!p1 $0x3FFF0, s17;
	s18 =	sadd.s32 @!p1 s6, s16  }
0x1c: {  	s16 =	sadd.s32 @!p1 s16, s7;
	s15 =	sand.u32 @!p1 $0x2000, s15;
	s18 =	sadd.s32 @!p1 s17, s18  }
0x1d: {  	[tilespmem:s15], [sflag:$0x1] =	stream.strided.gather @!p1 [hbm4b:s18+s19], $0x1000, s20, s19, $0x38;
	[tilespmem:$0x8080] =	vst v63  }
0x1e: {  	s31 =	sadd.s32 $0xFFFFFFFF, s12;
	s16 =	sadd.s32 @!p1 s17, s16;
	s15 =	sor.u32 @!p1 $0x1000, s15  }
0x1f: {  	[tilespmem:s15], [sflag:$0x1] =	stream.strided.gather @!p1 [hbm4b:s16+s19], $0x1000, s20, s19, $0x38;
	[tilespmem:$0x8080] =	vst v63  }
0x20: {  	p1 =	sge.u32 s31, s5  }
.Ltmp2:
0x21: {  	_ = 	snop;
	(pc) =	sbr.rel @p1 .LBB1_7-.Ltmp2, $1  }
0x22: {  	_ =	sdelay $0x3  }
0x23: {  	s15 =	simm.s32 $0x1;
	s17 =	sand.u32 $0x1, s12  }
0x24: {  	_ =	swait.ge [sflag:s4], $0x2000;
	s15 =	simm.s32 @!p0 $0x0;
	s17 =	smul.u32 $0x8100, s17  }
0x25: {  	p2 =	por $0x1, $0x1;
	[sflag:s4] =	ssyncset.done $0x0;
	s16 =	smul.u32 $0x8100, s15  }
0x26: {  	s18 =	sshll.u32 s15, $0xF;
	[sflag:s4] =	ssyncadd.s32 $0xFFFFE000;
	s30 =	sshrl.u32 s17, $0x2  }
0x27: {  	s31 =	sshrl.u32 s18, $0x2;
	s18 =	simm.s32 $0x0;
	s16 =	sshrl.u32 s16, $0x2  }
0x28: {  	s15 =	sor.u32 $0x4000, s30;
	s17 =	sadd.s32 $0x10, s31;
	s16 =	sor.u32 $0x4000, s16  }
.LBB1_3:
0x29: {  	s19 =	sshll.u32 s18, $0xC  }
0x2a: {  	s19 =	sand.u32 $0x3FFFF000, s19  }
0x2b: {  	s20 =	sadd.s32 s19, s17  }
0x2c: {  	s31 =	smul.u32 $0x4080, s18;
	v1 =	vld [tilespmem:s20+$0x0]  }
0x2d: {  	v0 =	vld [tilespmem:s20+$0xFFFFFFF0]  }
0x2e: {  	s18 =	sshra.s32 s31, $0x2  }
0x2f: {  	s18 =	sadd.s32 s18, s16  }
0x30: {  	s21 =	sadd.s32 $0x0, s18  }
0x31: {  	p1 =	por p2, p2;
	s19 =	simm.s32 $0x4;
	s20 =	sadd.s32 $0x20, s20;
	[tilespmem:s21+$0x810 ss:$0x81] =	vst.msk $0xffff, v1  }
.LBB1_4:
0x32: {  	v1 =	vld [tilespmem:s20+$0x0];
	p2 =	sne.s32 s19, $0x1FC;
	[tilespmem:s21+$0x0 ss:$0x81] =	vst.msk $0xffff, v0;
	s21 =	smov.u32 s19;
	s19 =	sadd.s32 $0x4, s19  }
.Ltmp3:
0x33: {  	v0 =	vld [tilespmem:s20+$0xFFFFFFF0];
	(pc) =	sbr.rel @p2 .LBB1_4-.Ltmp3, $4  }
0x34: {  	_ = 	snop  }
0x35: {  	s21 =	sshra.s32 s21, $0x2  }
0x36: {  	s21 =	sadd.s32 s21, s18  }
0x37: {  	s20 =	sadd.s32 $0x20, s20;
	[tilespmem:s21+$0x810 ss:$0x81] =	vst.msk $0xffff, v1  }
.Ltmp4:
0x38: {  	(pc) =	sbr.rel @p1 .LBB1_3-.Ltmp4, $2  }
0x39: {  	_ =	sdelay $0x2  }
0x3a: {  	[tilespmem:s21+$0x0 ss:$0x81] =	vst.msk $0xffff, v0;
	s18 =	simm.s32 $0x1;
	p2 =	por $0x0, $0x0  }
0x3b: {  	s16 =	sshll.u32 s13, $0x3;
	s17 =	sand.u32 $0x78, s13;
	s14 =	sshll.u32 s14, $0x10  }
.Ltmp5:
0x3c: {  	s30 =	sand.u32 $0xF800, s13;
	s16 =	sand.u32 $0x3C00, s16;
	(pc) =	sbr.rel .LBB1_7-.Ltmp5, $4  }
0x3d: {  	s31 =	sand.u32 $0x7, s13;
	s14 =	sadd.s32 s3, s14;
	s16 =	sor.u32 s17, s16  }
0x3e: {  	s13 =	sshll.u32 s31, $0x12;
	s14 =	sadd.s32 s30, s14;
	s16 =	sshrl.u32 s16, $0x3  }
0x3f: {  	s13 =	sor.u32 $0x400, s13;
	s14 =	sadd.s32 s16, s14  }
0x40: {  	[hbm4b:s14+s13] =	stream.strided.scatter [tilespmem:s15], [sflag:$0x2], $0x2000, s9, s13, $0x20;
	[tilespmem:$0x8080] =	vst v63  }
.LBB1_8:
0x41: {  	_ =	sfence.sel $0x180000  }
0x42: {  	s2 =	simm.s32 $0x1;
	[bflag:$0x0] =	sbarrier.arrive $0xFFFF  }
0x43: {  	s31 =	simm.s32 $0x2;
	[sflag:s2] =	ssyncpa.u1 $0x1  }
0x44: {  	[sflag:s31] =	ssyncpa.u1 $0x1  }
0x45: {  	p0 =	sne.s32 s0, $0x0;
	_ =	strace $0x9000004D  }
0x46: {  	s0 =	sadd.s32 @!p0 $0x100000, s1;
	[bflag:$0x2] =	sbarrier.arrive $0xFFFF  }
0x47: {  	[sflag:s0] =	ssyncadd.tile.s32 @!p0 $0x1;
	_ =	shalt  }
.Lfunc_end1:
_tile_overlayer_lowered:
.L_overlay_start_2:
0x48: {  	(tag) =	ssettag $0x2  }
0x49: {  	s0 =	rddreg [dreg:$0x0];
	s2 =	stileid.u32  }
0x4a: {  	s1 =	rddreg [dreg:$0x1];
	p0 =	sne.s32 s2, $0x0  }
0x4b: {  	s3 =	rddreg [dreg:$0x2];
	[bflag:$0x3] =	sbarrier.arrive $0xFFFF;
	s2 =	simm.s32 @!p0 $0x1C01  }
0x4c: {  	[timem:s3], [sflag:s2] =	dma.local @!p0 [hbm:s0], s1  }
0x4d: {  	s0 =	simm.s32 @!p0 $0x1  }
0x4e: {  	_ =	swait.ge @!p0 [sflag:s0], s1  }
0x4f: {  	s1 =	ssub.s32 @!p0 $0x0, s1;
	[sflag:s0] =	ssyncset.done @!p0 $0x0  }
0x50: {  	[sflag:s0] =	ssyncadd.s32 @!p0 s1  }
0x51: {  	[bflag:$0x3] =	sbarrier.arrive $0xFFFF  }
0x52: {  	_ =	shalt  }

</sc_bundles>
